<compile_context>
chip_gen: v7x
topology: tpu7x:2x2x1
jax: 0.10.2.dev20260603
libtpu: 0.0.44.dev20260713+nightly
codegen_flags: <defaults>
</compile_context>

<pallas_src>
import numpy as np
import jax
import jax.numpy as jnp
from jax import lax
from jax.experimental import pallas as pl
from jax.experimental.pallas import tpu as pltpu
from jax.experimental.pallas import tpu_sc as plsc

N = 2_000_000
S = 8
B = 2_000
NW = 32

SC_K = 296
SC_N = B * SC_K
TC_N = N - SC_N
SC_OFF = TC_N
NBLK = SC_K
BLK_PER_W = (NBLK + NW - 1) // NW
PAIRS = (BLK_PER_W + 1) // 2
ROWS = TC_N // 128
RB = 1_000
GRID = ROWS // RB

TAB_TL = 128
TAB_AC = 192
TAB_SP = 200
TAB_T = 208
TAB_LEN = 216

PRM_TL = 0
PRM_AC = 64
PRM_SP = 72
PRM_T = 80


def _gumbel_table() -> np.ndarray:
    n = N * S

    def threefry2x32(k0, k1, x0, x1):
        rot = [[13, 15, 26, 6], [17, 29, 16, 24]]
        ks = [k0, k1, np.uint32(k0 ^ k1 ^ np.uint32(0x1BD11BDA))]
        x0 = (x0 + ks[0]).astype(np.uint32)
        x1 = (x1 + ks[1]).astype(np.uint32)
        for i in range(5):
            for r in rot[i % 2]:
                x0 += x1
                x1 = (x1 << np.uint32(r)) | (x1 >> np.uint32(32 - r))
                x1 ^= x0
            x0 += ks[(i + 1) % 3]
            x1 += ks[(i + 2) % 3] + np.uint32(i + 1)
        return x0, x1

    c1 = np.arange(n, dtype=np.uint32)
    o0, o1 = threefry2x32(np.uint32(0), np.uint32(42), np.zeros(n, np.uint32), c1)
    bits = o0 ^ o1
    del o0, o1, c1
    f = ((bits >> np.uint32(9)) | np.uint32(0x3F800000)).view(np.float32)
    f -= np.float32(1.0)
    tiny = np.float32(np.finfo(np.float32).tiny)
    u = np.maximum(tiny, f * (np.float32(1.0) - tiny) + tiny)
    g = -np.log(-np.log(u))
    return g.reshape(N, S)


_G_BASE = _gumbel_table()
_GUMBEL_SC = (np.ascontiguousarray(
    _G_BASE[SC_OFF:].reshape(max(NBLK, 1), B, S).transpose(0, 2, 1)).reshape(-1)
    if SC_N else np.zeros((S * B,), np.float32))
_GUMBEL_TC = [np.ascontiguousarray(_G_BASE[:TC_N, j]) if TC_N else
              np.zeros((1,), np.float32) for j in range(S)]
del _G_BASE
_S_TABLE = (np.arange(128, dtype=np.float32) / np.float32(100.0)).astype(np.float32)

_DEV_CONSTS: list = []


def _dev_consts():
    if not _DEV_CONSTS:
        _DEV_CONSTS.append((jax.device_put(_GUMBEL_SC),
                            tuple(jax.device_put(g) for g in _GUMBEL_TC)))
    return _DEV_CONSTS[0]


def _sc_body(age_h, cs_h, ns_h, tt_h, inf_h, gum_h, tab_h,
             cur_h, nxt_h, tto_h,
             age_a, cs_a, ns_a, tt_a, inf_a, g_a, cur_a, nxt_a, tto_a,
             age_b, cs_b, ns_b, tt_b, inf_b, g_b, cur_b, nxt_b, tto_b,
             tab_v, sem_in_a, sem_in_b, sem_out_a, sem_out_b):
    w = lax.axis_index("s") * 2 + lax.axis_index("c")

    in_hbm = (age_h, cs_h, ns_h, tt_h, inf_h)
    out_hbm = (cur_h, nxt_h, tto_h)
    set_a = ((age_a, cs_a, ns_a, tt_a, inf_a), g_a, (cur_a, nxt_a, tto_a),
             sem_in_a, sem_out_a)
    set_b = ((age_b, cs_b, ns_b, tt_b, inf_b), g_b, (cur_b, nxt_b, tto_b),
             sem_in_b, sem_out_b)

    pltpu.sync_copy(tab_h, tab_v)
    idx16 = lambda v: jnp.full((16,), v, jnp.int32)
    bcast = lambda pos: plsc.load_gather(tab_v, [idx16(pos)])
    time_v = bcast(TAB_T)
    a_vecs = [bcast(TAB_AC + j) for j in range(S)]

    def valid(blk):
        return (blk >= 0) & (blk < NBLK)

    def start_in(bset, blk):
        bufs, g_v, _, sem, _ = bset

        @pl.when(valid(blk))
        def _():
            base = SC_OFF + blk * B
            for h, v in zip(in_hbm, bufs):
                pltpu.async_copy(h.at[pl.ds(base, B)], v, sem)
            pltpu.async_copy(gum_h.at[pl.ds(blk * (S * B), S * B)], g_v, sem)

    def wait_in(bset, blk):
        bufs, g_v, _, sem, _ = bset

        @pl.when(valid(blk))
        def _():
            for h, v in zip(in_hbm, bufs):
                pltpu.make_async_copy(h.at[pl.ds(0, B)], v, sem).wait()
            pltpu.make_async_copy(gum_h.at[pl.ds(0, S * B)], g_v, sem).wait()

    def fire_out(bset, blk):
        _, _, outs, _, sem = bset

        @pl.when(valid(blk))
        def _():
            base = blk * B
            for v, h in zip(outs, out_hbm):
                pltpu.async_copy(v, h.at[pl.ds(base, B)], sem)

    def drain_out(bset, blk):
        _, _, outs, _, sem = bset

        @pl.when(valid(blk))
        def _():
            for v, h in zip(outs, out_hbm):
                pltpu.make_async_copy(v, h.at[pl.ds(0, B)], sem).wait()

    def compute(bset, blk):
        (age_v, cs_v, ns_v, tt_v, inf_v), g_v, (cur_v, nxt_v, tto_v), _, _ = bset

        @pl.when(valid(blk))
        def _():
            @plsc.parallel_loop(0, B, 16, unroll=5)
            def vec_body(off):
                age16 = age_v[pl.ds(off, 16)]
                cs16 = cs_v[pl.ds(off, 16)]
                ns16 = ns_v[pl.ds(off, 16)]
                tt16 = tt_v[pl.ds(off, 16)]
                inf16 = inf_v[pl.ds(off, 16)]

                mask = inf16 != 0
                ns2 = jnp.where(mask, jnp.int32(2), ns16)
                tt2 = jnp.where(mask, time_v, tt16)
                needs = tt2 <= time_v
                cur = jnp.where(needs, ns2, cs16)

                agef = age16.astype(jnp.float32)
                s = plsc.load_gather(tab_v, [age16])

                best = (plsc.load_gather(tab_v.at[pl.ds(TAB_TL, 8)], [cur])
                        + a_vecs[0] * s + g_v[pl.ds(off, 16)])
                bidx = jnp.zeros((16,), jnp.int32)
                for j in range(1, S):
                    v = (plsc.load_gather(tab_v.at[pl.ds(TAB_TL + 8 * j, 8)],
                                          [cur])
                         + a_vecs[j] * s + g_v[pl.ds(off + j * B, 16)])
                    gt = v > best
                    best = jnp.where(gt, v, best)
                    bidx = jnp.where(gt, jnp.int32(j), bidx)

                sp = plsc.load_gather(tab_v.at[pl.ds(TAB_SP, 8)], [bidx])
                dur = sp * (jnp.float32(1.0) + jnp.float32(0.01) * agef)
                ntime = time_v + dur

                cur_v[pl.ds(off, 16)] = cur
                nxt_v[pl.ds(off, 16)] = jnp.where(needs, bidx, ns2)
                tto_v[pl.ds(off, 16)] = jnp.where(needs, ntime, tt2)

    start_in(set_a, w)

    def pair_body(i, carry):
        be = w + (2 * i) * NW
        bo = be + NW
        bn = be + 2 * NW

        wait_in(set_a, be)
        start_in(set_b, bo)
        drain_out(set_a, be - 2 * NW)
        compute(set_a, be)
        fire_out(set_a, be)

        wait_in(set_b, bo)
        start_in(set_a, bn)
        drain_out(set_b, bo - 2 * NW)
        compute(set_b, bo)
        fire_out(set_b, bo)
        return carry

    lax.fori_loop(0, PAIRS, pair_body, 0)

    drain_out(set_a, w + (2 * PAIRS - 2) * NW)
    drain_out(set_b, w + (2 * PAIRS - 1) * NW)


def _run_sc(age, cs, ns, tt, inf, tab):
    mesh = plsc.VectorSubcoreMesh(core_axis_name="c", subcore_axis_name="s",
                                  num_cores=2, num_subcores=16)
    f = pl.kernel(
        _sc_body,
        out_type=(
            jax.ShapeDtypeStruct((SC_N,), jnp.int32),
            jax.ShapeDtypeStruct((SC_N,), jnp.int32),
            jax.ShapeDtypeStruct((SC_N,), jnp.float32),
        ),
        mesh=mesh,
        compiler_params=pltpu.CompilerParams(needs_layout_passes=False),
        scratch_types=(
            [pltpu.VMEM((B,), jnp.int32),
             pltpu.VMEM((B,), jnp.int32),
             pltpu.VMEM((B,), jnp.int32),
             pltpu.VMEM((B,), jnp.float32),
             pltpu.VMEM((B,), jnp.int32),
             pltpu.VMEM((S * B,), jnp.float32),
             pltpu.VMEM((B,), jnp.int32),
             pltpu.VMEM((B,), jnp.int32),
             pltpu.VMEM((B,), jnp.float32),
             ] * 2
            + [pltpu.VMEM((TAB_LEN,), jnp.float32),
               pltpu.SemaphoreType.DMA,
               pltpu.SemaphoreType.DMA,
               pltpu.SemaphoreType.DMA,
               pltpu.SemaphoreType.DMA]
        ),
    )
    return f(age, cs, ns, tt, inf, _dev_consts()[0], tab)


def _tc_body(prm_ref, age_ref, cs_ref, ns_ref, tt_ref, inf_ref, *rest):
    gum_refs = rest[:S]
    cur_ref, nxt_ref, tto_ref = rest[S:]
    timef = prm_ref[0, PRM_T]
    inf = inf_ref[...]
    mask = inf != 0
    ns2 = jnp.where(mask, jnp.int32(2), ns_ref[...])
    tt2 = jnp.where(mask, timef, tt_ref[...])
    needs = tt2 <= timef
    cur = jnp.where(needs, ns2, cs_ref[...])

    agef = age_ref[...].astype(jnp.float32)
    s = agef / jnp.float32(100.0)

    eqs = [cur == k for k in range(1, S)]

    def table_sel(base, eq):
        t = jnp.full_like(s, prm_ref[0, base])
        for k in range(1, S):
            t = jnp.where(eq[k - 1], prm_ref[0, base + k], t)
        return t

    best = table_sel(PRM_TL, eqs) + prm_ref[0, PRM_AC] * s + gum_refs[0][...]
    bidx = jnp.zeros_like(cur)
    for j in range(1, S):
        v = (table_sel(PRM_TL + 8 * j, eqs)
             + prm_ref[0, PRM_AC + j] * s + gum_refs[j][...])
        gt = v > best
        best = jnp.where(gt, v, best)
        bidx = jnp.where(gt, jnp.int32(j), bidx)

    eqb = [bidx == k for k in range(1, S)]
    sp = table_sel(PRM_SP, eqb)
    dur = sp * (jnp.float32(1.0) + jnp.float32(0.01) * agef)
    ntime = timef + dur

    cur_ref[...] = cur
    nxt_ref[...] = jnp.where(needs, bidx, ns2)
    tto_ref[...] = jnp.where(needs, ntime, tt2)


BLKN = RB * 128


def _run_tc(age, cs, ns, tt, inf, prm):
    flat_spec = pl.BlockSpec((BLKN,), lambda i: (i,))
    prm_spec = pl.BlockSpec(memory_space=pltpu.SMEM)
    f = pl.pallas_call(
        _tc_body,
        grid=(GRID,),
        in_specs=[prm_spec] + [flat_spec] * (5 + S),
        out_specs=[flat_spec] * 3,
        out_shape=(
            jax.ShapeDtypeStruct((N,), jnp.int32),
            jax.ShapeDtypeStruct((N,), jnp.int32),
            jax.ShapeDtypeStruct((N,), jnp.float32),
        ),
    )
    return f(prm, age, cs, ns, tt, inf, *_dev_consts()[1])


@jax.jit
def _run(age, cs, ns, tt, inf, tab, prm):
    if not TC_N:
        return _run_sc(age, cs, ns, tt, inf, tab)
    tc = _run_tc(age, cs, ns, tt, inf, prm)
    if not SC_N:
        return tuple(x[:TC_N] for x in tc)
    sc = _run_sc(age, cs, ns, tt, inf, tab)
    return tuple(lax.dynamic_update_slice(a, b, (TC_N,))
                 for a, b in zip(tc, sc))


def kernel(age, current_stage, next_stage, time_to_next_stage, new_infected,
           transition_logits, age_coeff, duration_params, time):
    time_f = jnp.float32(time)
    tl_cm = transition_logits.astype(jnp.float32).T.ravel()
    ac = age_coeff.astype(jnp.float32)
    sp8 = jax.nn.softplus(duration_params.astype(jnp.float32))
    tab = jnp.concatenate([
        jnp.asarray(_S_TABLE), tl_cm, ac, sp8,
        jnp.broadcast_to(time_f, (TAB_LEN - TAB_T,)),
    ])
    prm = jnp.concatenate([
        tl_cm, ac, sp8, jnp.broadcast_to(time_f, (128 - PRM_T,)),
    ]).reshape(1, 128)
    return _run(age, current_stage, next_stage, time_to_next_stage,
                new_infected, tab, prm)

# --- scband reference (transcript-rebuilt; emitter-appended) ---
"""Pipeline reference for scband-symptoms-updater-16131897163960 (READ-ONLY COPY).

The authoritative reference and input builder live on the scoring server;
editing this copy changes nothing except your own understanding.
"""

import jax, jax.numpy as jnp
import numpy as np

N = 2_000_000
N_STAGES = 8


def setup_inputs(seed: int = 0) -> dict:
    key = jax.random.key(seed)
    ks = jax.random.split(key, 8)
    age = jax.random.randint(ks[0], (N,), 0, 100, dtype=jnp.int32)
    current_stage = jax.random.randint(ks[1], (N,), 0, N_STAGES, dtype=jnp.int32)
    next_stage = jax.random.randint(ks[2], (N,), 0, N_STAGES, dtype=jnp.int32)
    time_to_next_stage = jax.random.uniform(ks[3], (N,), dtype=jnp.float32) * 20.0
    new_infected = jax.random.randint(ks[4], (N,), 0, 2, dtype=jnp.int32)
    # learned / configured sampler parameters (synthesized symptoms_sampler)
    transition_logits = jax.random.normal(ks[5], (N_STAGES, N_STAGES), dtype=jnp.float32)
    age_coeff = jax.random.normal(ks[6], (N_STAGES,), dtype=jnp.float32) * 0.1
    duration_params = jax.random.normal(ks[7], (N_STAGES,), dtype=jnp.float32)
    return {
        "age": age,
        "current_stage": current_stage,
        "next_stage": next_stage,
        "time_to_next_stage": time_to_next_stage,
        "new_infected": new_infected,
        "transition_logits": transition_logits,
        "age_coeff": age_coeff,
        "duration_params": duration_params,
        "time": 10,
    }


def reference(age, current_stage, next_stage, time_to_next_stage, new_infected,
              transition_logits, age_coeff, duration_params, time):
    # --- SymptomsUpdater.forward ---
    # masked scatter-overwrite: symptoms['next_stage'][mask] = 2
    mask = new_infected.astype(bool)
    next_stage = jnp.where(mask, jnp.int32(2), next_stage)
    # symptoms['time_to_next_stage'][mask] = time
    time_f = jnp.float32(time)
    time_to_next_stage = jnp.where(mask, time_f, time_to_next_stage)

    # --- symptoms_sampler.sample_next_stage (synthesized, faithful in structure) ---
    # agents whose transition time has arrived advance to next_stage and sample a new one
    needs_update = time_to_next_stage <= time_f
    cur = jnp.where(needs_update, next_stage, current_stage)
    # age-conditioned transition logits: gather rows by current stage (SparseCore gather)
    logits = jnp.take(transition_logits, cur, axis=0) \
        + age_coeff[None, :] * (age.astype(jnp.float32)[:, None] / 100.0)
    # gumbel-max categorical sampling with a fixed key (deterministic)
    gumbel = jax.random.gumbel(jax.random.key(42), logits.shape, dtype=jnp.float32)
    sampled = jnp.argmax(logits + gumbel, axis=-1).astype(cur.dtype)
    # per-stage duration gather, age-modulated
    dur = jax.nn.softplus(jnp.take(duration_params, sampled)) \
        * (1.0 + 0.01 * age.astype(jnp.float32))
    new_time = time_f + dur
    nxt = jnp.where(needs_update, sampled, next_stage)
    ttns = jnp.where(needs_update, new_time, time_to_next_stage)
    # return updated symptoms dict contents
    return cur, nxt, ttns

if __name__ == "__main__":
    import jax
    _d = setup_inputs()
    print(jax.jit(kernel)(*tuple(_d.values())))

</pallas_src>

<mosaic_0001>
#map = affine_map<(d0, d1) -> (0)>
module attributes {stable_mosaic.version = 14 : i64} {
  func.func @_sc_body(%arg0: i32, %arg1: i32, %arg2: memref<2000000xi32, #tpu.memory_space<hbm>>, %arg3: memref<2000000xi32, #tpu.memory_space<hbm>>, %arg4: memref<2000000xi32, #tpu.memory_space<hbm>>, %arg5: memref<2000000xf32, #tpu.memory_space<hbm>>, %arg6: memref<2000000xi32, #tpu.memory_space<hbm>>, %arg7: memref<4736000xf32, #tpu.memory_space<hbm>>, %arg8: memref<216xf32, #tpu.memory_space<hbm>>, %arg9: memref<592000xi32, #tpu.memory_space<hbm>>, %arg10: memref<592000xi32, #tpu.memory_space<hbm>>, %arg11: memref<592000xf32, #tpu.memory_space<hbm>>, %arg12: memref<2000xi32, #tpu.memory_space<vmem>>, %arg13: memref<2000xi32, #tpu.memory_space<vmem>>, %arg14: memref<2000xi32, #tpu.memory_space<vmem>>, %arg15: memref<2000xf32, #tpu.memory_space<vmem>>, %arg16: memref<2000xi32, #tpu.memory_space<vmem>>, %arg17: memref<16000xf32, #tpu.memory_space<vmem>>, %arg18: memref<2000xi32, #tpu.memory_space<vmem>>, %arg19: memref<2000xi32, #tpu.memory_space<vmem>>, %arg20: memref<2000xf32, #tpu.memory_space<vmem>>, %arg21: memref<2000xi32, #tpu.memory_space<vmem>>, %arg22: memref<2000xi32, #tpu.memory_space<vmem>>, %arg23: memref<2000xi32, #tpu.memory_space<vmem>>, %arg24: memref<2000xf32, #tpu.memory_space<vmem>>, %arg25: memref<2000xi32, #tpu.memory_space<vmem>>, %arg26: memref<16000xf32, #tpu.memory_space<vmem>>, %arg27: memref<2000xi32, #tpu.memory_space<vmem>>, %arg28: memref<2000xi32, #tpu.memory_space<vmem>>, %arg29: memref<2000xf32, #tpu.memory_space<vmem>>, %arg30: memref<216xf32, #tpu.memory_space<vmem>>, %arg31: memref<!tpu.dma_semaphore, #tpu.memory_space<semaphore_mem>>, %arg32: memref<!tpu.dma_semaphore, #tpu.memory_space<semaphore_mem>>, %arg33: memref<!tpu.dma_semaphore, #tpu.memory_space<semaphore_mem>>, %arg34: memref<!tpu.dma_semaphore, #tpu.memory_space<semaphore_mem>>) attributes {dimension_semantics = [#tpu.dimension_semantics<core_parallel>, #tpu.dimension_semantics<subcore_parallel>], iteration_bounds = array<i64: 2, 16>, scalar_prefetch = 0 : i64, scratch_operands = 23 : i64, tpu.core_type = #tpu.core_type<sc_vector_subcore>, window_params = [{transform_indices = #map}, {transform_indices = #map}, {transform_indices = #map}, {transform_indices = #map}, {transform_indices = #map}, {transform_indices = #map}, {transform_indices = #map}, {transform_indices = #map}, {transform_indices = #map}, {transform_indices = #map}]} {
    %mul3A = arith.constant 2 : i32
    %mul3A_0 = arith.muli %arg1, %mul3A : i32
    %add3A = arith.addi %mul3A_0, %arg0 : i32
    "tpu.region"() ({
      %run_scoped3A = tpu.sem_alloc : memref<!tpu.dma_semaphore, #tpu.memory_space<semaphore_mem>>
      tpu.enqueue_dma source(%arg8 : memref<216xf32, #tpu.memory_space<hbm>>) target(%arg30 : memref<216xf32, #tpu.memory_space<vmem>>) target_semaphore(%run_scoped3A : memref<!tpu.dma_semaphore, #tpu.memory_space<semaphore_mem>>)
      tpu.wait_dma2 semaphore(%run_scoped3A : memref<!tpu.dma_semaphore, #tpu.memory_space<semaphore_mem>>) src(%arg8 : memref<216xf32, #tpu.memory_space<hbm>>) dst(%arg30 : memref<216xf32, #tpu.memory_space<vmem>>)
      tpu.yield
    }) : () -> ()
    %broadcast_in_dim3A = arith.constant 208 : i32
    %broadcast_in_dim3A_1 = vector.broadcast %broadcast_in_dim3A : i32 to vector<16xi32>
    %gather3A = tpu.vector_load_idx %arg30[%broadcast_in_dim3A_1] : memref<216xf32, #tpu.memory_space<vmem>>[vector<16xi32>], vector<16xf32>,
    %broadcast_in_dim3A_2 = arith.constant 192 : i32
    %broadcast_in_dim3A_3 = vector.broadcast %broadcast_in_dim3A_2 : i32 to vector<16xi32>
    %gather3A_4 = tpu.vector_load_idx %arg30[%broadcast_in_dim3A_3] : memref<216xf32, #tpu.memory_space<vmem>>[vector<16xi32>], vector<16xf32>,
    %broadcast_in_dim3A_5 = arith.constant 193 : i32
    %broadcast_in_dim3A_6 = vector.broadcast %broadcast_in_dim3A_5 : i32 to vector<16xi32>
    %gather3A_7 = tpu.vector_load_idx %arg30[%broadcast_in_dim3A_6] : memref<216xf32, #tpu.memory_space<vmem>>[vector<16xi32>], vector<16xf32>,
    %broadcast_in_dim3A_8 = arith.constant 194 : i32
    %broadcast_in_dim3A_9 = vector.broadcast %broadcast_in_dim3A_8 : i32 to vector<16xi32>
    %gather3A_10 = tpu.vector_load_idx %arg30[%broadcast_in_dim3A_9] : memref<216xf32, #tpu.memory_space<vmem>>[vector<16xi32>], vector<16xf32>,
    %broadcast_in_dim3A_11 = arith.constant 195 : i32
    %broadcast_in_dim3A_12 = vector.broadcast %broadcast_in_dim3A_11 : i32 to vector<16xi32>
    %gather3A_13 = tpu.vector_load_idx %arg30[%broadcast_in_dim3A_12] : memref<216xf32, #tpu.memory_space<vmem>>[vector<16xi32>], vector<16xf32>,
    %broadcast_in_dim3A_14 = arith.constant 196 : i32
    %broadcast_in_dim3A_15 = vector.broadcast %broadcast_in_dim3A_14 : i32 to vector<16xi32>
    %gather3A_16 = tpu.vector_load_idx %arg30[%broadcast_in_dim3A_15] : memref<216xf32, #tpu.memory_space<vmem>>[vector<16xi32>], vector<16xf32>,
    %broadcast_in_dim3A_17 = arith.constant 197 : i32
    %broadcast_in_dim3A_18 = vector.broadcast %broadcast_in_dim3A_17 : i32 to vector<16xi32>
    %gather3A_19 = tpu.vector_load_idx %arg30[%broadcast_in_dim3A_18] : memref<216xf32, #tpu.memory_space<vmem>>[vector<16xi32>], vector<16xf32>,
    %broadcast_in_dim3A_20 = arith.constant 198 : i32
    %broadcast_in_dim3A_21 = vector.broadcast %broadcast_in_dim3A_20 : i32 to vector<16xi32>
    %gather3A_22 = tpu.vector_load_idx %arg30[%broadcast_in_dim3A_21] : memref<216xf32, #tpu.memory_space<vmem>>[vector<16xi32>], vector<16xf32>,
    %broadcast_in_dim3A_23 = arith.constant 199 : i32
    %broadcast_in_dim3A_24 = vector.broadcast %broadcast_in_dim3A_23 : i32 to vector<16xi32>
    %gather3A_25 = tpu.vector_load_idx %arg30[%broadcast_in_dim3A_24] : memref<216xf32, #tpu.memory_space<vmem>>[vector<16xi32>], vector<16xf32>,
    %ge3A = arith.constant 0 : i32
    %ge3A_26 = arith.cmpi sge, %add3A, %ge3A : i32
    %lt3A = arith.constant 296 : i32
    %lt3A_27 = arith.cmpi slt, %add3A, %lt3A : i32
    %and3A = arith.andi %ge3A_26, %lt3A_27 : i1
    %convert_element_type3A = arith.extui %and3A : i1 to i32
    %cond3A = arith.constant 0 : i32
    %cond3A_28 = arith.cmpi ne, %convert_element_type3A, %cond3A : i32
    scf.if %cond3A_28 {
      %mul3A_54 = arith.constant 2000 : i32
      %mul3A_55 = arith.muli %add3A, %mul3A_54 : i32
      %add3A_56 = arith.constant 1408000 : i32
      %add3A_57 = arith.addi %add3A_56, %mul3A_55 : i32
      %dma_start3A = tpu.memref_slice %arg2[%add3A_57] : memref<2000000xi32, #tpu.memory_space<hbm>> -> memref<2000xi32, #tpu.memory_space<hbm>>
      %dma_start3A_58 = tpu.memref_slice %arg2[%add3A_57] : memref<2000000xi32, #tpu.memory_space<hbm>> -> memref<2000xi32, #tpu.memory_space<hbm>>
      tpu.enqueue_dma source(%dma_start3A_58 : memref<2000xi32, #tpu.memory_space<hbm>>) target(%arg12 : memref<2000xi32, #tpu.memory_space<vmem>>) target_semaphore(%arg31 : memref<!tpu.dma_semaphore, #tpu.memory_space<semaphore_mem>>)
      %dma_start3A_59 = tpu.memref_slice %arg3[%add3A_57] : memref<2000000xi32, #tpu.memory_space<hbm>> -> memref<2000xi32, #tpu.memory_space<hbm>>
      %dma_start3A_60 = tpu.memref_slice %arg3[%add3A_57] : memref<2000000xi32, #tpu.memory_space<hbm>> -> memref<2000xi32, #tpu.memory_space<hbm>>
      tpu.enqueue_dma source(%dma_start3A_60 : memref<2000xi32, #tpu.memory_space<hbm>>) target(%arg13 : memref<2000xi32, #tpu.memory_space<vmem>>) target_semaphore(%arg31 : memref<!tpu.dma_semaphore, #tpu.memory_space<semaphore_mem>>)
      %dma_start3A_61 = tpu.memref_slice %arg4[%add3A_57] : memref<2000000xi32, #tpu.memory_space<hbm>> -> memref<2000xi32, #tpu.memory_space<hbm>>
      %dma_start3A_62 = tpu.memref_slice %arg4[%add3A_57] : memref<2000000xi32, #tpu.memory_space<hbm>> -> memref<2000xi32, #tpu.memory_space<hbm>>
      tpu.enqueue_dma source(%dma_start3A_62 : memref<2000xi32, #tpu.memory_space<hbm>>) target(%arg14 : memref<2000xi32, #tpu.memory_space<vmem>>) target_semaphore(%arg31 : memref<!tpu.dma_semaphore, #tpu.memory_space<semaphore_mem>>)
      %dma_start3A_63 = tpu.memref_slice %arg5[%add3A_57] : memref<2000000xf32, #tpu.memory_space<hbm>> -> memref<2000xf32, #tpu.memory_space<hbm>>
      %dma_start3A_64 = tpu.memref_slice %arg5[%add3A_57] : memref<2000000xf32, #tpu.memory_space<hbm>> -> memref<2000xf32, #tpu.memory_space<hbm>>
      tpu.enqueue_dma source(%dma_start3A_64 : memref<2000xf32, #tpu.memory_space<hbm>>) target(%arg15 : memref<2000xf32, #tpu.memory_space<vmem>>) target_semaphore(%arg31 : memref<!tpu.dma_semaphore, #tpu.memory_space<semaphore_mem>>)
      %dma_start3A_65 = tpu.memref_slice %arg6[%add3A_57] : memref<2000000xi32, #tpu.memory_space<hbm>> -> memref<2000xi32, #tpu.memory_space<hbm>>
      %dma_start3A_66 = tpu.memref_slice %arg6[%add3A_57] : memref<2000000xi32, #tpu.memory_space<hbm>> -> memref<2000xi32, #tpu.memory_space<hbm>>
      tpu.enqueue_dma source(%dma_start3A_66 : memref<2000xi32, #tpu.memory_space<hbm>>) target(%arg16 : memref<2000xi32, #tpu.memory_space<vmem>>) target_semaphore(%arg31 : memref<!tpu.dma_semaphore, #tpu.memory_space<semaphore_mem>>)
      %mul3A_67 = arith.constant 16000 : i32
      %mul3A_68 = arith.muli %add3A, %mul3A_67 : i32
      %dma_start3A_69 = tpu.memref_slice %arg7[%mul3A_68] : memref<4736000xf32, #tpu.memory_space<hbm>> -> memref<16000xf32, #tpu.memory_space<hbm>>
      %dma_start3A_70 = tpu.memref_slice %arg7[%mul3A_68] : memref<4736000xf32, #tpu.memory_space<hbm>> -> memref<16000xf32, #tpu.memory_space<hbm>>
      tpu.enqueue_dma source(%dma_start3A_70 : memref<16000xf32, #tpu.memory_space<hbm>>) target(%arg17 : memref<16000xf32, #tpu.memory_space<vmem>>) target_semaphore(%arg31 : memref<!tpu.dma_semaphore, #tpu.memory_space<semaphore_mem>>)
    } else {
    }
    %scan3A = arith.constant 0 : i32
    %scan3A_29 = arith.constant 0 : i32
    %scan3A_30 = arith.constant 5 : i32
    %scan3A_31 = arith.addi %scan3A_29, %scan3A_30 : i32
    %scan3A_32 = arith.constant 1 : i32
    scf.for %scan3A_54 = %scan3A_29 to %scan3A_31 step %scan3A_32  : i32 {
      %mul3A_55 = arith.constant 2 : i32
      %mul3A_56 = arith.muli %mul3A_55, %scan3A_54 : i32
      %mul3A_57 = arith.constant 32 : i32
      %mul3A_58 = arith.muli %mul3A_56, %mul3A_57 : i32
      %add3A_59 = arith.addi %add3A, %mul3A_58 : i32
      %add3A_60 = arith.constant 32 : i32
      %add3A_61 = arith.addi %add3A_59, %add3A_60 : i32
      %add3A_62 = arith.constant 64 : i32
      %add3A_63 = arith.addi %add3A_59, %add3A_62 : i32
      %ge3A_64 = arith.constant 0 : i32
      %ge3A_65 = arith.cmpi sge, %add3A_59, %ge3A_64 : i32
      %lt3A_66 = arith.constant 296 : i32
      %lt3A_67 = arith.cmpi slt, %add3A_59, %lt3A_66 : i32
      %and3A_68 = arith.andi %ge3A_65, %lt3A_67 : i1
      %convert_element_type3A_69 = arith.extui %and3A_68 : i1 to i32
      %cond3A_70 = arith.constant 0 : i32
      %cond3A_71 = arith.cmpi ne, %convert_element_type3A_69, %cond3A_70 : i32
      scf.if %cond3A_71 {
        %dma_wait3A = arith.constant 0 : i32
        %dma_wait3A_147 = tpu.memref_slice %arg2[%dma_wait3A] : memref<2000000xi32, #tpu.memory_space<hbm>> -> memref<2000xi32, #tpu.memory_space<hbm>>
        %dma_wait3A_148 = arith.constant 0 : i32
        %dma_wait3A_149 = tpu.memref_slice %arg2[%dma_wait3A_148] : memref<2000000xi32, #tpu.memory_space<hbm>> -> memref<2000xi32, #tpu.memory_space<hbm>>
        tpu.wait_dma2 semaphore(%arg31 : memref<!tpu.dma_semaphore, #tpu.memory_space<semaphore_mem>>) src(%dma_wait3A_149 : memref<2000xi32, #tpu.memory_space<hbm>>) dst(%arg12 : memref<2000xi32, #tpu.memory_space<vmem>>)
        %dma_wait3A_150 = arith.constant 0 : i32
        %dma_wait3A_151 = tpu.memref_slice %arg3[%dma_wait3A_150] : memref<2000000xi32, #tpu.memory_space<hbm>> -> memref<2000xi32, #tpu.memory_space<hbm>>
        %dma_wait3A_152 = arith.constant 0 : i32
        %dma_wait3A_153 = tpu.memref_slice %arg3[%dma_wait3A_152] : memref<2000000xi32, #tpu.memory_space<hbm>> -> memref<2000xi32, #tpu.memory_space<hbm>>
        tpu.wait_dma2 semaphore(%arg31 : memref<!tpu.dma_semaphore, #tpu.memory_space<semaphore_mem>>) src(%dma_wait3A_153 : memref<2000xi32, #tpu.memory_space<hbm>>) dst(%arg13 : memref<2000xi32, #tpu.memory_space<vmem>>)
        %dma_wait3A_154 = arith.constant 0 : i32
        %dma_wait3A_155 = tpu.memref_slice %arg4[%dma_wait3A_154] : memref<2000000xi32, #tpu.memory_space<hbm>> -> memref<2000xi32, #tpu.memory_space<hbm>>
        %dma_wait3A_156 = arith.constant 0 : i32
        %dma_wait3A_157 = tpu.memref_slice %arg4[%dma_wait3A_156] : memref<2000000xi32, #tpu.memory_space<hbm>> -> memref<2000xi32, #tpu.memory_space<hbm>>
        tpu.wait_dma2 semaphore(%arg31 : memref<!tpu.dma_semaphore, #tpu.memory_space<semaphore_mem>>) src(%dma_wait3A_157 : memref<2000xi32, #tpu.memory_space<hbm>>) dst(%arg14 : memref<2000xi32, #tpu.memory_space<vmem>>)
        %dma_wait3A_158 = arith.constant 0 : i32
        %dma_wait3A_159 = tpu.memref_slice %arg5[%dma_wait3A_158] : memref<2000000xf32, #tpu.memory_space<hbm>> -> memref<2000xf32, #tpu.memory_space<hbm>>
        %dma_wait3A_160 = arith.constant 0 : i32
        %dma_wait3A_161 = tpu.memref_slice %arg5[%dma_wait3A_160] : memref<2000000xf32, #tpu.memory_space<hbm>> -> memref<2000xf32, #tpu.memory_space<hbm>>
        tpu.wait_dma2 semaphore(%arg31 : memref<!tpu.dma_semaphore, #tpu.memory_space<semaphore_mem>>) src(%dma_wait3A_161 : memref<2000xf32, #tpu.memory_space<hbm>>) dst(%arg15 : memref<2000xf32, #tpu.memory_space<vmem>>)
        %dma_wait3A_162 = arith.constant 0 : i32
        %dma_wait3A_163 = tpu.memref_slice %arg6[%dma_wait3A_162] : memref<2000000xi32, #tpu.memory_space<hbm>> -> memref<2000xi32, #tpu.memory_space<hbm>>
        %dma_wait3A_164 = arith.constant 0 : i32
        %dma_wait3A_165 = tpu.memref_slice %arg6[%dma_wait3A_164] : memref<2000000xi32, #tpu.memory_space<hbm>> -> memref<2000xi32, #tpu.memory_space<hbm>>
        tpu.wait_dma2 semaphore(%arg31 : memref<!tpu.dma_semaphore, #tpu.memory_space<semaphore_mem>>) src(%dma_wait3A_165 : memref<2000xi32, #tpu.memory_space<hbm>>) dst(%arg16 : memref<2000xi32, #tpu.memory_space<vmem>>)
        %dma_wait3A_166 = arith.constant 0 : i32
        %dma_wait3A_167 = tpu.memref_slice %arg7[%dma_wait3A_166] : memref<4736000xf32, #tpu.memory_space<hbm>> -> memref<16000xf32, #tpu.memory_space<hbm>>
        %dma_wait3A_168 = arith.constant 0 : i32
        %dma_wait3A_169 = tpu.memref_slice %arg7[%dma_wait3A_168] : memref<4736000xf32, #tpu.memory_space<hbm>> -> memref<16000xf32, #tpu.memory_space<hbm>>
        tpu.wait_dma2 semaphore(%arg31 : memref<!tpu.dma_semaphore, #tpu.memory_space<semaphore_mem>>) src(%dma_wait3A_169 : memref<16000xf32, #tpu.memory_space<hbm>>) dst(%arg17 : memref<16000xf32, #tpu.memory_space<vmem>>)
      } else {
      }
      %ge3A_72 = arith.constant 0 : i32
      %ge3A_73 = arith.cmpi sge, %add3A_61, %ge3A_72 : i32
      %lt3A_74 = arith.constant 296 : i32
      %lt3A_75 = arith.cmpi slt, %add3A_61, %lt3A_74 : i32
      %and3A_76 = arith.andi %ge3A_73, %lt3A_75 : i1
      %convert_element_type3A_77 = arith.extui %and3A_76 : i1 to i32
      %cond3A_78 = arith.constant 0 : i32
      %cond3A_79 = arith.cmpi ne, %convert_element_type3A_77, %cond3A_78 : i32
      scf.if %cond3A_79 {
        %mul3A_147 = arith.constant 2000 : i32
        %mul3A_148 = arith.muli %add3A_61, %mul3A_147 : i32
        %add3A_149 = arith.constant 1408000 : i32
        %add3A_150 = arith.addi %add3A_149, %mul3A_148 : i32
        %dma_start3A = tpu.memref_slice %arg2[%add3A_150] : memref<2000000xi32, #tpu.memory_space<hbm>> -> memref<2000xi32, #tpu.memory_space<hbm>>
        %dma_start3A_151 = tpu.memref_slice %arg2[%add3A_150] : memref<2000000xi32, #tpu.memory_space<hbm>> -> memref<2000xi32, #tpu.memory_space<hbm>>
        tpu.enqueue_dma source(%dma_start3A_151 : memref<2000xi32, #tpu.memory_space<hbm>>) target(%arg21 : memref<2000xi32, #tpu.memory_space<vmem>>) target_semaphore(%arg32 : memref<!tpu.dma_semaphore, #tpu.memory_space<semaphore_mem>>)
        %dma_start3A_152 = tpu.memref_slice %arg3[%add3A_150] : memref<2000000xi32, #tpu.memory_space<hbm>> -> memref<2000xi32, #tpu.memory_space<hbm>>
        %dma_start3A_153 = tpu.memref_slice %arg3[%add3A_150] : memref<2000000xi32, #tpu.memory_space<hbm>> -> memref<2000xi32, #tpu.memory_space<hbm>>
        tpu.enqueue_dma source(%dma_start3A_153 : memref<2000xi32, #tpu.memory_space<hbm>>) target(%arg22 : memref<2000xi32, #tpu.memory_space<vmem>>) target_semaphore(%arg32 : memref<!tpu.dma_semaphore, #tpu.memory_space<semaphore_mem>>)
        %dma_start3A_154 = tpu.memref_slice %arg4[%add3A_150] : memref<2000000xi32, #tpu.memory_space<hbm>> -> memref<2000xi32, #tpu.memory_space<hbm>>
        %dma_start3A_155 = tpu.memref_slice %arg4[%add3A_150] : memref<2000000xi32, #tpu.memory_space<hbm>> -> memref<2000xi32, #tpu.memory_space<hbm>>
        tpu.enqueue_dma source(%dma_start3A_155 : memref<2000xi32, #tpu.memory_space<hbm>>) target(%arg23 : memref<2000xi32, #tpu.memory_space<vmem>>) target_semaphore(%arg32 : memref<!tpu.dma_semaphore, #tpu.memory_space<semaphore_mem>>)
        %dma_start3A_156 = tpu.memref_slice %arg5[%add3A_150] : memref<2000000xf32, #tpu.memory_space<hbm>> -> memref<2000xf32, #tpu.memory_space<hbm>>
        %dma_start3A_157 = tpu.memref_slice %arg5[%add3A_150] : memref<2000000xf32, #tpu.memory_space<hbm>> -> memref<2000xf32, #tpu.memory_space<hbm>>
        tpu.enqueue_dma source(%dma_start3A_157 : memref<2000xf32, #tpu.memory_space<hbm>>) target(%arg24 : memref<2000xf32, #tpu.memory_space<vmem>>) target_semaphore(%arg32 : memref<!tpu.dma_semaphore, #tpu.memory_space<semaphore_mem>>)
        %dma_start3A_158 = tpu.memref_slice %arg6[%add3A_150] : memref<2000000xi32, #tpu.memory_space<hbm>> -> memref<2000xi32, #tpu.memory_space<hbm>>
        %dma_start3A_159 = tpu.memref_slice %arg6[%add3A_150] : memref<2000000xi32, #tpu.memory_space<hbm>> -> memref<2000xi32, #tpu.memory_space<hbm>>
        tpu.enqueue_dma source(%dma_start3A_159 : memref<2000xi32, #tpu.memory_space<hbm>>) target(%arg25 : memref<2000xi32, #tpu.memory_space<vmem>>) target_semaphore(%arg32 : memref<!tpu.dma_semaphore, #tpu.memory_space<semaphore_mem>>)
        %mul3A_160 = arith.constant 16000 : i32
        %mul3A_161 = arith.muli %add3A_61, %mul3A_160 : i32
        %dma_start3A_162 = tpu.memref_slice %arg7[%mul3A_161] : memref<4736000xf32, #tpu.memory_space<hbm>> -> memref<16000xf32, #tpu.memory_space<hbm>>
        %dma_start3A_163 = tpu.memref_slice %arg7[%mul3A_161] : memref<4736000xf32, #tpu.memory_space<hbm>> -> memref<16000xf32, #tpu.memory_space<hbm>>
        tpu.enqueue_dma source(%dma_start3A_163 : memref<16000xf32, #tpu.memory_space<hbm>>) target(%arg26 : memref<16000xf32, #tpu.memory_space<vmem>>) target_semaphore(%arg32 : memref<!tpu.dma_semaphore, #tpu.memory_space<semaphore_mem>>)
      } else {
      }
      %sub3A = arith.constant 64 : i32
      %sub3A_80 = arith.subi %add3A_59, %sub3A : i32
      %ge3A_81 = arith.constant 0 : i32
      %ge3A_82 = arith.cmpi sge, %sub3A_80, %ge3A_81 : i32
      %lt3A_83 = arith.constant 296 : i32
      %lt3A_84 = arith.cmpi slt, %sub3A_80, %lt3A_83 : i32
      %and3A_85 = arith.andi %ge3A_82, %lt3A_84 : i1
      %convert_element_type3A_86 = arith.extui %and3A_85 : i1 to i32
      %cond3A_87 = arith.constant 0 : i32
      %cond3A_88 = arith.cmpi ne, %convert_element_type3A_86, %cond3A_87 : i32
      scf.if %cond3A_88 {
        %dma_wait3A = arith.constant 0 : i32
        %dma_wait3A_147 = tpu.memref_slice %arg9[%dma_wait3A] : memref<592000xi32, #tpu.memory_space<hbm>> -> memref<2000xi32, #tpu.memory_space<hbm>>
        %dma_wait3A_148 = arith.constant 0 : i32
        %dma_wait3A_149 = tpu.memref_slice %arg9[%dma_wait3A_148] : memref<592000xi32, #tpu.memory_space<hbm>> -> memref<2000xi32, #tpu.memory_space<hbm>>
        tpu.wait_dma2 semaphore(%arg33 : memref<!tpu.dma_semaphore, #tpu.memory_space<semaphore_mem>>) src(%arg18 : memref<2000xi32, #tpu.memory_space<vmem>>) dst(%dma_wait3A_149 : memref<2000xi32, #tpu.memory_space<hbm>>)
        %dma_wait3A_150 = arith.constant 0 : i32
        %dma_wait3A_151 = tpu.memref_slice %arg10[%dma_wait3A_150] : memref<592000xi32, #tpu.memory_space<hbm>> -> memref<2000xi32, #tpu.memory_space<hbm>>
        %dma_wait3A_152 = arith.constant 0 : i32
        %dma_wait3A_153 = tpu.memref_slice %arg10[%dma_wait3A_152] : memref<592000xi32, #tpu.memory_space<hbm>> -> memref<2000xi32, #tpu.memory_space<hbm>>
        tpu.wait_dma2 semaphore(%arg33 : memref<!tpu.dma_semaphore, #tpu.memory_space<semaphore_mem>>) src(%arg19 : memref<2000xi32, #tpu.memory_space<vmem>>) dst(%dma_wait3A_153 : memref<2000xi32, #tpu.memory_space<hbm>>)
        %dma_wait3A_154 = arith.constant 0 : i32
        %dma_wait3A_155 = tpu.memref_slice %arg11[%dma_wait3A_154] : memref<592000xf32, #tpu.memory_space<hbm>> -> memref<2000xf32, #tpu.memory_space<hbm>>
        %dma_wait3A_156 = arith.constant 0 : i32
        %dma_wait3A_157 = tpu.memref_slice %arg11[%dma_wait3A_156] : memref<592000xf32, #tpu.memory_space<hbm>> -> memref<2000xf32, #tpu.memory_space<hbm>>
        tpu.wait_dma2 semaphore(%arg33 : memref<!tpu.dma_semaphore, #tpu.memory_space<semaphore_mem>>) src(%arg20 : memref<2000xf32, #tpu.memory_space<vmem>>) dst(%dma_wait3A_157 : memref<2000xf32, #tpu.memory_space<hbm>>)
      } else {
      }
      %ge3A_89 = arith.constant 0 : i32
      %ge3A_90 = arith.cmpi sge, %add3A_59, %ge3A_89 : i32
      %lt3A_91 = arith.constant 296 : i32
      %lt3A_92 = arith.cmpi slt, %add3A_59, %lt3A_91 : i32
      %and3A_93 = arith.andi %ge3A_90, %lt3A_92 : i1
      %convert_element_type3A_94 = arith.extui %and3A_93 : i1 to i32
      %cond3A_95 = arith.constant 0 : i32
      %cond3A_96 = arith.cmpi ne, %convert_element_type3A_94, %cond3A_95 : i32
      scf.if %cond3A_96 {
        %parallel_loop3A = arith.constant 0 : i32
        %parallel_loop3A_147 = arith.constant 2000 : i32
        %parallel_loop3A_148 = arith.constant 16 : i32
        scf.for %parallel_loop3A_149 = %parallel_loop3A to %parallel_loop3A_147 step %parallel_loop3A_148  : i32 {
          %parallel_loop3A_150 = arith.index_cast %parallel_loop3A_149 : i32 to index
          %parallel_loop3A_151 = tpu.vector_load %arg12[%parallel_loop3A_150] {strides = array<i32>} : memref<2000xi32, #tpu.memory_space<vmem>>, vector<16xi32>,
          %parallel_loop3A_152 = arith.index_cast %parallel_loop3A_149 : i32 to index
          %parallel_loop3A_153 = tpu.vector_load %arg13[%parallel_loop3A_152] {strides = array<i32>} : memref<2000xi32, #tpu.memory_space<vmem>>, vector<16xi32>,
          %parallel_loop3A_154 = arith.index_cast %parallel_loop3A_149 : i32 to index
          %parallel_loop3A_155 = tpu.vector_load %arg14[%parallel_loop3A_154] {strides = array<i32>} : memref<2000xi32, #tpu.memory_space<vmem>>, vector<16xi32>,
          %parallel_loop3A_156 = arith.index_cast %parallel_loop3A_149 : i32 to index
          %parallel_loop3A_157 = tpu.vector_load %arg15[%parallel_loop3A_156] {strides = array<i32>} : memref<2000xf32, #tpu.memory_space<vmem>>, vector<16xf32>,
          %parallel_loop3A_158 = arith.index_cast %parallel_loop3A_149 : i32 to index
          %parallel_loop3A_159 = tpu.vector_load %arg16[%parallel_loop3A_158] {strides = array<i32>} : memref<2000xi32, #tpu.memory_space<vmem>>, vector<16xi32>,
          %parallel_loop3A_160 = arith.constant 0 : i32
          %parallel_loop3A_161 = vector.broadcast %parallel_loop3A_160 : i32 to vector<16xi32>
          %parallel_loop3A_162 = arith.cmpi ne, %parallel_loop3A_159, %parallel_loop3A_161 : vector<16xi32>
          %parallel_loop3A_163 = arith.constant 2 : i32
          %parallel_loop3A_164 = vector.broadcast %parallel_loop3A_163 : i32 to vector<16xi32>
          %parallel_loop3A_165 = arith.select %parallel_loop3A_162, %parallel_loop3A_164, %parallel_loop3A_155 : vector<16xi1>, vector<16xi32>
          %parallel_loop3A_166 = arith.select %parallel_loop3A_162, %gather3A, %parallel_loop3A_157 : vector<16xi1>, vector<16xf32>
          %parallel_loop3A_167 = arith.cmpf ole, %parallel_loop3A_166, %gather3A : vector<16xf32>
          %parallel_loop3A_168 = arith.select %parallel_loop3A_167, %parallel_loop3A_165, %parallel_loop3A_153 : vector<16xi1>, vector<16xi32>
          %parallel_loop3A_169 = arith.sitofp %parallel_loop3A_151 : vector<16xi32> to vector<16xf32>
          %parallel_loop3A_170 = tpu.vector_load_idx %arg30[%parallel_loop3A_151] : memref<216xf32, #tpu.memory_space<vmem>>[vector<16xi32>], vector<16xf32>,
          %parallel_loop3A_171 = arith.constant 128 : i32
          %parallel_loop3A_172 = tpu.memref_slice %arg30[%parallel_loop3A_171] : memref<216xf32, #tpu.memory_space<vmem>> -> memref<8xf32, #tpu.memory_space<vmem>>
          %parallel_loop3A_173 = tpu.vector_load_idx %parallel_loop3A_172[%parallel_loop3A_168] : memref<8xf32, #tpu.memory_space<vmem>>[vector<16xi32>], vector<16xf32>,
          %parallel_loop3A_174 = arith.mulf %gather3A_4, %parallel_loop3A_170 : vector<16xf32>
          %parallel_loop3A_175 = arith.addf %parallel_loop3A_173, %parallel_loop3A_174 : vector<16xf32>
          %parallel_loop3A_176 = arith.index_cast %parallel_loop3A_149 : i32 to index
          %parallel_loop3A_177 = tpu.vector_load %arg17[%parallel_loop3A_176] {strides = array<i32>} : memref<16000xf32, #tpu.memory_space<vmem>>, vector<16xf32>,
          %parallel_loop3A_178 = arith.addf %parallel_loop3A_175, %parallel_loop3A_177 : vector<16xf32>
          %parallel_loop3A_179 = arith.constant 0 : i32
          %parallel_loop3A_180 = vector.broadcast %parallel_loop3A_179 : i32 to vector<16xi32>
          %parallel_loop3A_181 = arith.constant 136 : i32
          %parallel_loop3A_182 = tpu.memref_slice %arg30[%parallel_loop3A_181] : memref<216xf32, #tpu.memory_space<vmem>> -> memref<8xf32, #tpu.memory_space<vmem>>
          %parallel_loop3A_183 = tpu.vector_load_idx %parallel_loop3A_182[%parallel_loop3A_168] : memref<8xf32, #tpu.memory_space<vmem>>[vector<16xi32>], vector<16xf32>,
          %parallel_loop3A_184 = arith.mulf %gather3A_7, %parallel_loop3A_170 : vector<16xf32>
          %parallel_loop3A_185 = arith.addf %parallel_loop3A_183, %parallel_loop3A_184 : vector<16xf32>
          %parallel_loop3A_186 = arith.constant 2000 : i32
          %parallel_loop3A_187 = arith.addi %parallel_loop3A_149, %parallel_loop3A_186 : i32
          %parallel_loop3A_188 = arith.index_cast %parallel_loop3A_187 : i32 to index
          %parallel_loop3A_189 = tpu.vector_load %arg17[%parallel_loop3A_188] {strides = array<i32>} : memref<16000xf32, #tpu.memory_space<vmem>>, vector<16xf32>,
          %parallel_loop3A_190 = arith.addf %parallel_loop3A_185, %parallel_loop3A_189 : vector<16xf32>
          %parallel_loop3A_191 = arith.cmpf ogt, %parallel_loop3A_190, %parallel_loop3A_178 : vector<16xf32>
          %parallel_loop3A_192 = arith.select %parallel_loop3A_191, %parallel_loop3A_190, %parallel_loop3A_178 : vector<16xi1>, vector<16xf32>
          %parallel_loop3A_193 = arith.constant 1 : i32
          %parallel_loop3A_194 = vector.broadcast %parallel_loop3A_193 : i32 to vector<16xi32>
          %parallel_loop3A_195 = arith.select %parallel_loop3A_191, %parallel_loop3A_194, %parallel_loop3A_180 : vector<16xi1>, vector<16xi32>
          %parallel_loop3A_196 = arith.constant 144 : i32
          %parallel_loop3A_197 = tpu.memref_slice %arg30[%parallel_loop3A_196] : memref<216xf32, #tpu.memory_space<vmem>> -> memref<8xf32, #tpu.memory_space<vmem>>
          %parallel_loop3A_198 = tpu.vector_load_idx %parallel_loop3A_197[%parallel_loop3A_168] : memref<8xf32, #tpu.memory_space<vmem>>[vector<16xi32>], vector<16xf32>,
          %parallel_loop3A_199 = arith.mulf %gather3A_10, %parallel_loop3A_170 : vector<16xf32>
          %parallel_loop3A_200 = arith.addf %parallel_loop3A_198, %parallel_loop3A_199 : vector<16xf32>
          %parallel_loop3A_201 = arith.constant 4000 : i32
          %parallel_loop3A_202 = arith.addi %parallel_loop3A_149, %parallel_loop3A_201 : i32
          %parallel_loop3A_203 = arith.index_cast %parallel_loop3A_202 : i32 to index
          %parallel_loop3A_204 = tpu.vector_load %arg17[%parallel_loop3A_203] {strides = array<i32>} : memref<16000xf32, #tpu.memory_space<vmem>>, vector<16xf32>,
          %parallel_loop3A_205 = arith.addf %parallel_loop3A_200, %parallel_loop3A_204 : vector<16xf32>
          %parallel_loop3A_206 = arith.cmpf ogt, %parallel_loop3A_205, %parallel_loop3A_192 : vector<16xf32>
          %parallel_loop3A_207 = arith.select %parallel_loop3A_206, %parallel_loop3A_205, %parallel_loop3A_192 : vector<16xi1>, vector<16xf32>
          %parallel_loop3A_208 = arith.constant 2 : i32
          %parallel_loop3A_209 = vector.broadcast %parallel_loop3A_208 : i32 to vector<16xi32>
          %parallel_loop3A_210 = arith.select %parallel_loop3A_206, %parallel_loop3A_209, %parallel_loop3A_195 : vector<16xi1>, vector<16xi32>
          %parallel_loop3A_211 = arith.constant 152 : i32
          %parallel_loop3A_212 = tpu.memref_slice %arg30[%parallel_loop3A_211] : memref<216xf32, #tpu.memory_space<vmem>> -> memref<8xf32, #tpu.memory_space<vmem>>
          %parallel_loop3A_213 = tpu.vector_load_idx %parallel_loop3A_212[%parallel_loop3A_168] : memref<8xf32, #tpu.memory_space<vmem>>[vector<16xi32>], vector<16xf32>,
          %parallel_loop3A_214 = arith.mulf %gather3A_13, %parallel_loop3A_170 : vector<16xf32>
          %parallel_loop3A_215 = arith.addf %parallel_loop3A_213, %parallel_loop3A_214 : vector<16xf32>
          %parallel_loop3A_216 = arith.constant 6000 : i32
          %parallel_loop3A_217 = arith.addi %parallel_loop3A_149, %parallel_loop3A_216 : i32
          %parallel_loop3A_218 = arith.index_cast %parallel_loop3A_217 : i32 to index
          %parallel_loop3A_219 = tpu.vector_load %arg17[%parallel_loop3A_218] {strides = array<i32>} : memref<16000xf32, #tpu.memory_space<vmem>>, vector<16xf32>,
          %parallel_loop3A_220 = arith.addf %parallel_loop3A_215, %parallel_loop3A_219 : vector<16xf32>
          %parallel_loop3A_221 = arith.cmpf ogt, %parallel_loop3A_220, %parallel_loop3A_207 : vector<16xf32>
          %parallel_loop3A_222 = arith.select %parallel_loop3A_221, %parallel_loop3A_220, %parallel_loop3A_207 : vector<16xi1>, vector<16xf32>
          %parallel_loop3A_223 = arith.constant 3 : i32
          %parallel_loop3A_224 = vector.broadcast %parallel_loop3A_223 : i32 to vector<16xi32>
          %parallel_loop3A_225 = arith.select %parallel_loop3A_221, %parallel_loop3A_224, %parallel_loop3A_210 : vector<16xi1>, vector<16xi32>
          %parallel_loop3A_226 = arith.constant 160 : i32
          %parallel_loop3A_227 = tpu.memref_slice %arg30[%parallel_loop3A_226] : memref<216xf32, #tpu.memory_space<vmem>> -> memref<8xf32, #tpu.memory_space<vmem>>
          %parallel_loop3A_228 = tpu.vector_load_idx %parallel_loop3A_227[%parallel_loop3A_168] : memref<8xf32, #tpu.memory_space<vmem>>[vector<16xi32>], vector<16xf32>,
          %parallel_loop3A_229 = arith.mulf %gather3A_16, %parallel_loop3A_170 : vector<16xf32>
          %parallel_loop3A_230 = arith.addf %parallel_loop3A_228, %parallel_loop3A_229 : vector<16xf32>
          %parallel_loop3A_231 = arith.constant 8000 : i32
          %parallel_loop3A_232 = arith.addi %parallel_loop3A_149, %parallel_loop3A_231 : i32
          %parallel_loop3A_233 = arith.index_cast %parallel_loop3A_232 : i32 to index
          %parallel_loop3A_234 = tpu.vector_load %arg17[%parallel_loop3A_233] {strides = array<i32>} : memref<16000xf32, #tpu.memory_space<vmem>>, vector<16xf32>,
          %parallel_loop3A_235 = arith.addf %parallel_loop3A_230, %parallel_loop3A_234 : vector<16xf32>
          %parallel_loop3A_236 = arith.cmpf ogt, %parallel_loop3A_235, %parallel_loop3A_222 : vector<16xf32>
          %parallel_loop3A_237 = arith.select %parallel_loop3A_236, %parallel_loop3A_235, %parallel_loop3A_222 : vector<16xi1>, vector<16xf32>
          %parallel_loop3A_238 = arith.constant 4 : i32
          %parallel_loop3A_239 = vector.broadcast %parallel_loop3A_238 : i32 to vector<16xi32>
          %parallel_loop3A_240 = arith.select %parallel_loop3A_236, %parallel_loop3A_239, %parallel_loop3A_225 : vector<16xi1>, vector<16xi32>
          %parallel_loop3A_241 = arith.constant 168 : i32
          %parallel_loop3A_242 = tpu.memref_slice %arg30[%parallel_loop3A_241] : memref<216xf32, #tpu.memory_space<vmem>> -> memref<8xf32, #tpu.memory_space<vmem>>
          %parallel_loop3A_243 = tpu.vector_load_idx %parallel_loop3A_242[%parallel_loop3A_168] : memref<8xf32, #tpu.memory_space<vmem>>[vector<16xi32>], vector<16xf32>,
          %parallel_loop3A_244 = arith.mulf %gather3A_19, %parallel_loop3A_170 : vector<16xf32>
          %parallel_loop3A_245 = arith.addf %parallel_loop3A_243, %parallel_loop3A_244 : vector<16xf32>
          %parallel_loop3A_246 = arith.constant 10000 : i32
          %parallel_loop3A_247 = arith.addi %parallel_loop3A_149, %parallel_loop3A_246 : i32
          %parallel_loop3A_248 = arith.index_cast %parallel_loop3A_247 : i32 to index
          %parallel_loop3A_249 = tpu.vector_load %arg17[%parallel_loop3A_248] {strides = array<i32>} : memref<16000xf32, #tpu.memory_space<vmem>>, vector<16xf32>,
          %parallel_loop3A_250 = arith.addf %parallel_loop3A_245, %parallel_loop3A_249 : vector<16xf32>
          %parallel_loop3A_251 = arith.cmpf ogt, %parallel_loop3A_250, %parallel_loop3A_237 : vector<16xf32>
          %parallel_loop3A_252 = arith.select %parallel_loop3A_251, %parallel_loop3A_250, %parallel_loop3A_237 : vector<16xi1>, vector<16xf32>
          %parallel_loop3A_253 = arith.constant 5 : i32
          %parallel_loop3A_254 = vector.broadcast %parallel_loop3A_253 : i32 to vector<16xi32>
          %parallel_loop3A_255 = arith.select %parallel_loop3A_251, %parallel_loop3A_254, %parallel_loop3A_240 : vector<16xi1>, vector<16xi32>
          %parallel_loop3A_256 = arith.constant 176 : i32
          %parallel_loop3A_257 = tpu.memref_slice %arg30[%parallel_loop3A_256] : memref<216xf32, #tpu.memory_space<vmem>> -> memref<8xf32, #tpu.memory_space<vmem>>
          %parallel_loop3A_258 = tpu.vector_load_idx %parallel_loop3A_257[%parallel_loop3A_168] : memref<8xf32, #tpu.memory_space<vmem>>[vector<16xi32>], vector<16xf32>,
          %parallel_loop3A_259 = arith.mulf %gather3A_22, %parallel_loop3A_170 : vector<16xf32>
          %parallel_loop3A_260 = arith.addf %parallel_loop3A_258, %parallel_loop3A_259 : vector<16xf32>
          %parallel_loop3A_261 = arith.constant 12000 : i32
          %parallel_loop3A_262 = arith.addi %parallel_loop3A_149, %parallel_loop3A_261 : i32
          %parallel_loop3A_263 = arith.index_cast %parallel_loop3A_262 : i32 to index
          %parallel_loop3A_264 = tpu.vector_load %arg17[%parallel_loop3A_263] {strides = array<i32>} : memref<16000xf32, #tpu.memory_space<vmem>>, vector<16xf32>,
          %parallel_loop3A_265 = arith.addf %parallel_loop3A_260, %parallel_loop3A_264 : vector<16xf32>
          %parallel_loop3A_266 = arith.cmpf ogt, %parallel_loop3A_265, %parallel_loop3A_252 : vector<16xf32>
          %parallel_loop3A_267 = arith.select %parallel_loop3A_266, %parallel_loop3A_265, %parallel_loop3A_252 : vector<16xi1>, vector<16xf32>
          %parallel_loop3A_268 = arith.constant 6 : i32
          %parallel_loop3A_269 = vector.broadcast %parallel_loop3A_268 : i32 to vector<16xi32>
          %parallel_loop3A_270 = arith.select %parallel_loop3A_266, %parallel_loop3A_269, %parallel_loop3A_255 : vector<16xi1>, vector<16xi32>
          %parallel_loop3A_271 = arith.constant 184 : i32
          %parallel_loop3A_272 = tpu.memref_slice %arg30[%parallel_loop3A_271] : memref<216xf32, #tpu.memory_space<vmem>> -> memref<8xf32, #tpu.memory_space<vmem>>
          %parallel_loop3A_273 = tpu.vector_load_idx %parallel_loop3A_272[%parallel_loop3A_168] : memref<8xf32, #tpu.memory_space<vmem>>[vector<16xi32>], vector<16xf32>,
          %parallel_loop3A_274 = arith.mulf %gather3A_25, %parallel_loop3A_170 : vector<16xf32>
          %parallel_loop3A_275 = arith.addf %parallel_loop3A_273, %parallel_loop3A_274 : vector<16xf32>
          %parallel_loop3A_276 = arith.constant 14000 : i32
          %parallel_loop3A_277 = arith.addi %parallel_loop3A_149, %parallel_loop3A_276 : i32
          %parallel_loop3A_278 = arith.index_cast %parallel_loop3A_277 : i32 to index
          %parallel_loop3A_279 = tpu.vector_load %arg17[%parallel_loop3A_278] {strides = array<i32>} : memref<16000xf32, #tpu.memory_space<vmem>>, vector<16xf32>,
          %parallel_loop3A_280 = arith.addf %parallel_loop3A_275, %parallel_loop3A_279 : vector<16xf32>
          %parallel_loop3A_281 = arith.cmpf ogt, %parallel_loop3A_280, %parallel_loop3A_267 : vector<16xf32>
          %parallel_loop3A_282 = arith.select %parallel_loop3A_281, %parallel_loop3A_280, %parallel_loop3A_267 : vector<16xi1>, vector<16xf32>
          %parallel_loop3A_283 = arith.constant 7 : i32
          %parallel_loop3A_284 = vector.broadcast %parallel_loop3A_283 : i32 to vector<16xi32>
          %parallel_loop3A_285 = arith.select %parallel_loop3A_281, %parallel_loop3A_284, %parallel_loop3A_270 : vector<16xi1>, vector<16xi32>
          %parallel_loop3A_286 = arith.constant 200 : i32
          %parallel_loop3A_287 = tpu.memref_slice %arg30[%parallel_loop3A_286] : memref<216xf32, #tpu.memory_space<vmem>> -> memref<8xf32, #tpu.memory_space<vmem>>
          %parallel_loop3A_288 = tpu.vector_load_idx %parallel_loop3A_287[%parallel_loop3A_285] : memref<8xf32, #tpu.memory_space<vmem>>[vector<16xi32>], vector<16xf32>,
          %parallel_loop3A_289 = arith.constant 0.00999999977 : f32
          %parallel_loop3A_290 = vector.broadcast %parallel_loop3A_289 : f32 to vector<16xf32>
          %parallel_loop3A_291 = arith.mulf %parallel_loop3A_290, %parallel_loop3A_169 : vector<16xf32>
          %parallel_loop3A_292 = arith.constant 1.000000e+00 : f32
          %parallel_loop3A_293 = vector.broadcast %parallel_loop3A_292 : f32 to vector<16xf32>
          %parallel_loop3A_294 = arith.addf %parallel_loop3A_293, %parallel_loop3A_291 : vector<16xf32>
          %parallel_loop3A_295 = arith.mulf %parallel_loop3A_288, %parallel_loop3A_294 : vector<16xf32>
          %parallel_loop3A_296 = arith.addf %gather3A, %parallel_loop3A_295 : vector<16xf32>
          %parallel_loop3A_297 = arith.index_cast %parallel_loop3A_149 : i32 to index
          %parallel_loop3A_298 = tpu.vector_load %arg18[%parallel_loop3A_297] {strides = array<i32>} : memref<2000xi32, #tpu.memory_space<vmem>>, vector<16xi32>,
          tpu.vector_store %arg18[%parallel_loop3A_297], %parallel_loop3A_168 {strides = array<i32>} : memref<2000xi32, #tpu.memory_space<vmem>>, vector<16xi32>,
          %parallel_loop3A_299 = arith.select %parallel_loop3A_167, %parallel_loop3A_285, %parallel_loop3A_165 : vector<16xi1>, vector<16xi32>
          %parallel_loop3A_300 = arith.index_cast %parallel_loop3A_149 : i32 to index
          %parallel_loop3A_301 = tpu.vector_load %arg19[%parallel_loop3A_300] {strides = array<i32>} : memref<2000xi32, #tpu.memory_space<vmem>>, vector<16xi32>,
          tpu.vector_store %arg19[%parallel_loop3A_300], %parallel_loop3A_299 {strides = array<i32>} : memref<2000xi32, #tpu.memory_space<vmem>>, vector<16xi32>,
          %parallel_loop3A_302 = arith.select %parallel_loop3A_167, %parallel_loop3A_296, %parallel_loop3A_166 : vector<16xi1>, vector<16xf32>
          %parallel_loop3A_303 = arith.index_cast %parallel_loop3A_149 : i32 to index
          %parallel_loop3A_304 = tpu.vector_load %arg20[%parallel_loop3A_303] {strides = array<i32>} : memref<2000xf32, #tpu.memory_space<vmem>>, vector<16xf32>,
          tpu.vector_store %arg20[%parallel_loop3A_303], %parallel_loop3A_302 {strides = array<i32>} : memref<2000xf32, #tpu.memory_space<vmem>>, vector<16xf32>,
        } {sc.loop_unroll_factor = 5 : i64, sc.parallel_access}
      } else {
      }
      %ge3A_97 = arith.constant 0 : i32
      %ge3A_98 = arith.cmpi sge, %add3A_59, %ge3A_97 : i32
      %lt3A_99 = arith.constant 296 : i32
      %lt3A_100 = arith.cmpi slt, %add3A_59, %lt3A_99 : i32
      %and3A_101 = arith.andi %ge3A_98, %lt3A_100 : i1
      %convert_element_type3A_102 = arith.extui %and3A_101 : i1 to i32
      %cond3A_103 = arith.constant 0 : i32
      %cond3A_104 = arith.cmpi ne, %convert_element_type3A_102, %cond3A_103 : i32
      scf.if %cond3A_104 {
        %mul3A_147 = arith.constant 2000 : i32
        %mul3A_148 = arith.muli %add3A_59, %mul3A_147 : i32
        %dma_start3A = tpu.memref_slice %arg9[%mul3A_148] : memref<592000xi32, #tpu.memory_space<hbm>> -> memref<2000xi32, #tpu.memory_space<hbm>>
        %dma_start3A_149 = tpu.memref_slice %arg9[%mul3A_148] : memref<592000xi32, #tpu.memory_space<hbm>> -> memref<2000xi32, #tpu.memory_space<hbm>>
        tpu.enqueue_dma source(%arg18 : memref<2000xi32, #tpu.memory_space<vmem>>) target(%dma_start3A_149 : memref<2000xi32, #tpu.memory_space<hbm>>) target_semaphore(%arg33 : memref<!tpu.dma_semaphore, #tpu.memory_space<semaphore_mem>>)
        %dma_start3A_150 = tpu.memref_slice %arg10[%mul3A_148] : memref<592000xi32, #tpu.memory_space<hbm>> -> memref<2000xi32, #tpu.memory_space<hbm>>
        %dma_start3A_151 = tpu.memref_slice %arg10[%mul3A_148] : memref<592000xi32, #tpu.memory_space<hbm>> -> memref<2000xi32, #tpu.memory_space<hbm>>
        tpu.enqueue_dma source(%arg19 : memref<2000xi32, #tpu.memory_space<vmem>>) target(%dma_start3A_151 : memref<2000xi32, #tpu.memory_space<hbm>>) target_semaphore(%arg33 : memref<!tpu.dma_semaphore, #tpu.memory_space<semaphore_mem>>)
        %dma_start3A_152 = tpu.memref_slice %arg11[%mul3A_148] : memref<592000xf32, #tpu.memory_space<hbm>> -> memref<2000xf32, #tpu.memory_space<hbm>>
        %dma_start3A_153 = tpu.memref_slice %arg11[%mul3A_148] : memref<592000xf32, #tpu.memory_space<hbm>> -> memref<2000xf32, #tpu.memory_space<hbm>>
        tpu.enqueue_dma source(%arg20 : memref<2000xf32, #tpu.memory_space<vmem>>) target(%dma_start3A_153 : memref<2000xf32, #tpu.memory_space<hbm>>) target_semaphore(%arg33 : memref<!tpu.dma_semaphore, #tpu.memory_space<semaphore_mem>>)
      } else {
      }
      %ge3A_105 = arith.constant 0 : i32
      %ge3A_106 = arith.cmpi sge, %add3A_61, %ge3A_105 : i32
      %lt3A_107 = arith.constant 296 : i32
      %lt3A_108 = arith.cmpi slt, %add3A_61, %lt3A_107 : i32
      %and3A_109 = arith.andi %ge3A_106, %lt3A_108 : i1
      %convert_element_type3A_110 = arith.extui %and3A_109 : i1 to i32
      %cond3A_111 = arith.constant 0 : i32
      %cond3A_112 = arith.cmpi ne, %convert_element_type3A_110, %cond3A_111 : i32
      scf.if %cond3A_112 {
        %dma_wait3A = arith.constant 0 : i32
        %dma_wait3A_147 = tpu.memref_slice %arg2[%dma_wait3A] : memref<2000000xi32, #tpu.memory_space<hbm>> -> memref<2000xi32, #tpu.memory_space<hbm>>
        %dma_wait3A_148 = arith.constant 0 : i32
        %dma_wait3A_149 = tpu.memref_slice %arg2[%dma_wait3A_148] : memref<2000000xi32, #tpu.memory_space<hbm>> -> memref<2000xi32, #tpu.memory_space<hbm>>
        tpu.wait_dma2 semaphore(%arg32 : memref<!tpu.dma_semaphore, #tpu.memory_space<semaphore_mem>>) src(%dma_wait3A_149 : memref<2000xi32, #tpu.memory_space<hbm>>) dst(%arg21 : memref<2000xi32, #tpu.memory_space<vmem>>)
        %dma_wait3A_150 = arith.constant 0 : i32
        %dma_wait3A_151 = tpu.memref_slice %arg3[%dma_wait3A_150] : memref<2000000xi32, #tpu.memory_space<hbm>> -> memref<2000xi32, #tpu.memory_space<hbm>>
        %dma_wait3A_152 = arith.constant 0 : i32
        %dma_wait3A_153 = tpu.memref_slice %arg3[%dma_wait3A_152] : memref<2000000xi32, #tpu.memory_space<hbm>> -> memref<2000xi32, #tpu.memory_space<hbm>>
        tpu.wait_dma2 semaphore(%arg32 : memref<!tpu.dma_semaphore, #tpu.memory_space<semaphore_mem>>) src(%dma_wait3A_153 : memref<2000xi32, #tpu.memory_space<hbm>>) dst(%arg22 : memref<2000xi32, #tpu.memory_space<vmem>>)
        %dma_wait3A_154 = arith.constant 0 : i32
        %dma_wait3A_155 = tpu.memref_slice %arg4[%dma_wait3A_154] : memref<2000000xi32, #tpu.memory_space<hbm>> -> memref<2000xi32, #tpu.memory_space<hbm>>
        %dma_wait3A_156 = arith.constant 0 : i32
        %dma_wait3A_157 = tpu.memref_slice %arg4[%dma_wait3A_156] : memref<2000000xi32, #tpu.memory_space<hbm>> -> memref<2000xi32, #tpu.memory_space<hbm>>
        tpu.wait_dma2 semaphore(%arg32 : memref<!tpu.dma_semaphore, #tpu.memory_space<semaphore_mem>>) src(%dma_wait3A_157 : memref<2000xi32, #tpu.memory_space<hbm>>) dst(%arg23 : memref<2000xi32, #tpu.memory_space<vmem>>)
        %dma_wait3A_158 = arith.constant 0 : i32
        %dma_wait3A_159 = tpu.memref_slice %arg5[%dma_wait3A_158] : memref<2000000xf32, #tpu.memory_space<hbm>> -> memref<2000xf32, #tpu.memory_space<hbm>>
        %dma_wait3A_160 = arith.constant 0 : i32
        %dma_wait3A_161 = tpu.memref_slice %arg5[%dma_wait3A_160] : memref<2000000xf32, #tpu.memory_space<hbm>> -> memref<2000xf32, #tpu.memory_space<hbm>>
        tpu.wait_dma2 semaphore(%arg32 : memref<!tpu.dma_semaphore, #tpu.memory_space<semaphore_mem>>) src(%dma_wait3A_161 : memref<2000xf32, #tpu.memory_space<hbm>>) dst(%arg24 : memref<2000xf32, #tpu.memory_space<vmem>>)
        %dma_wait3A_162 = arith.constant 0 : i32
        %dma_wait3A_163 = tpu.memref_slice %arg6[%dma_wait3A_162] : memref<2000000xi32, #tpu.memory_space<hbm>> -> memref<2000xi32, #tpu.memory_space<hbm>>
        %dma_wait3A_164 = arith.constant 0 : i32
        %dma_wait3A_165 = tpu.memref_slice %arg6[%dma_wait3A_164] : memref<2000000xi32, #tpu.memory_space<hbm>> -> memref<2000xi32, #tpu.memory_space<hbm>>
        tpu.wait_dma2 semaphore(%arg32 : memref<!tpu.dma_semaphore, #tpu.memory_space<semaphore_mem>>) src(%dma_wait3A_165 : memref<2000xi32, #tpu.memory_space<hbm>>) dst(%arg25 : memref<2000xi32, #tpu.memory_space<vmem>>)
        %dma_wait3A_166 = arith.constant 0 : i32
        %dma_wait3A_167 = tpu.memref_slice %arg7[%dma_wait3A_166] : memref<4736000xf32, #tpu.memory_space<hbm>> -> memref<16000xf32, #tpu.memory_space<hbm>>
        %dma_wait3A_168 = arith.constant 0 : i32
        %dma_wait3A_169 = tpu.memref_slice %arg7[%dma_wait3A_168] : memref<4736000xf32, #tpu.memory_space<hbm>> -> memref<16000xf32, #tpu.memory_space<hbm>>
        tpu.wait_dma2 semaphore(%arg32 : memref<!tpu.dma_semaphore, #tpu.memory_space<semaphore_mem>>) src(%dma_wait3A_169 : memref<16000xf32, #tpu.memory_space<hbm>>) dst(%arg26 : memref<16000xf32, #tpu.memory_space<vmem>>)
      } else {
      }
      %ge3A_113 = arith.constant 0 : i32
      %ge3A_114 = arith.cmpi sge, %add3A_63, %ge3A_113 : i32
      %lt3A_115 = arith.constant 296 : i32
      %lt3A_116 = arith.cmpi slt, %add3A_63, %lt3A_115 : i32
      %and3A_117 = arith.andi %ge3A_114, %lt3A_116 : i1
      %convert_element_type3A_118 = arith.extui %and3A_117 : i1 to i32
      %cond3A_119 = arith.constant 0 : i32
      %cond3A_120 = arith.cmpi ne, %convert_element_type3A_118, %cond3A_119 : i32
      scf.if %cond3A_120 {
        %mul3A_147 = arith.constant 2000 : i32
        %mul3A_148 = arith.muli %add3A_63, %mul3A_147 : i32
        %add3A_149 = arith.constant 1408000 : i32
        %add3A_150 = arith.addi %add3A_149, %mul3A_148 : i32
        %dma_start3A = tpu.memref_slice %arg2[%add3A_150] : memref<2000000xi32, #tpu.memory_space<hbm>> -> memref<2000xi32, #tpu.memory_space<hbm>>
        %dma_start3A_151 = tpu.memref_slice %arg2[%add3A_150] : memref<2000000xi32, #tpu.memory_space<hbm>> -> memref<2000xi32, #tpu.memory_space<hbm>>
        tpu.enqueue_dma source(%dma_start3A_151 : memref<2000xi32, #tpu.memory_space<hbm>>) target(%arg12 : memref<2000xi32, #tpu.memory_space<vmem>>) target_semaphore(%arg31 : memref<!tpu.dma_semaphore, #tpu.memory_space<semaphore_mem>>)
        %dma_start3A_152 = tpu.memref_slice %arg3[%add3A_150] : memref<2000000xi32, #tpu.memory_space<hbm>> -> memref<2000xi32, #tpu.memory_space<hbm>>
        %dma_start3A_153 = tpu.memref_slice %arg3[%add3A_150] : memref<2000000xi32, #tpu.memory_space<hbm>> -> memref<2000xi32, #tpu.memory_space<hbm>>
        tpu.enqueue_dma source(%dma_start3A_153 : memref<2000xi32, #tpu.memory_space<hbm>>) target(%arg13 : memref<2000xi32, #tpu.memory_space<vmem>>) target_semaphore(%arg31 : memref<!tpu.dma_semaphore, #tpu.memory_space<semaphore_mem>>)
        %dma_start3A_154 = tpu.memref_slice %arg4[%add3A_150] : memref<2000000xi32, #tpu.memory_space<hbm>> -> memref<2000xi32, #tpu.memory_space<hbm>>
        %dma_start3A_155 = tpu.memref_slice %arg4[%add3A_150] : memref<2000000xi32, #tpu.memory_space<hbm>> -> memref<2000xi32, #tpu.memory_space<hbm>>
        tpu.enqueue_dma source(%dma_start3A_155 : memref<2000xi32, #tpu.memory_space<hbm>>) target(%arg14 : memref<2000xi32, #tpu.memory_space<vmem>>) target_semaphore(%arg31 : memref<!tpu.dma_semaphore, #tpu.memory_space<semaphore_mem>>)
        %dma_start3A_156 = tpu.memref_slice %arg5[%add3A_150] : memref<2000000xf32, #tpu.memory_space<hbm>> -> memref<2000xf32, #tpu.memory_space<hbm>>
        %dma_start3A_157 = tpu.memref_slice %arg5[%add3A_150] : memref<2000000xf32, #tpu.memory_space<hbm>> -> memref<2000xf32, #tpu.memory_space<hbm>>
        tpu.enqueue_dma source(%dma_start3A_157 : memref<2000xf32, #tpu.memory_space<hbm>>) target(%arg15 : memref<2000xf32, #tpu.memory_space<vmem>>) target_semaphore(%arg31 : memref<!tpu.dma_semaphore, #tpu.memory_space<semaphore_mem>>)
        %dma_start3A_158 = tpu.memref_slice %arg6[%add3A_150] : memref<2000000xi32, #tpu.memory_space<hbm>> -> memref<2000xi32, #tpu.memory_space<hbm>>
        %dma_start3A_159 = tpu.memref_slice %arg6[%add3A_150] : memref<2000000xi32, #tpu.memory_space<hbm>> -> memref<2000xi32, #tpu.memory_space<hbm>>
        tpu.enqueue_dma source(%dma_start3A_159 : memref<2000xi32, #tpu.memory_space<hbm>>) target(%arg16 : memref<2000xi32, #tpu.memory_space<vmem>>) target_semaphore(%arg31 : memref<!tpu.dma_semaphore, #tpu.memory_space<semaphore_mem>>)
        %mul3A_160 = arith.constant 16000 : i32
        %mul3A_161 = arith.muli %add3A_63, %mul3A_160 : i32
        %dma_start3A_162 = tpu.memref_slice %arg7[%mul3A_161] : memref<4736000xf32, #tpu.memory_space<hbm>> -> memref<16000xf32, #tpu.memory_space<hbm>>
        %dma_start3A_163 = tpu.memref_slice %arg7[%mul3A_161] : memref<4736000xf32, #tpu.memory_space<hbm>> -> memref<16000xf32, #tpu.memory_space<hbm>>
        tpu.enqueue_dma source(%dma_start3A_163 : memref<16000xf32, #tpu.memory_space<hbm>>) target(%arg17 : memref<16000xf32, #tpu.memory_space<vmem>>) target_semaphore(%arg31 : memref<!tpu.dma_semaphore, #tpu.memory_space<semaphore_mem>>)
      } else {
      }
      %sub3A_121 = arith.constant 64 : i32
      %sub3A_122 = arith.subi %add3A_61, %sub3A_121 : i32
      %ge3A_123 = arith.constant 0 : i32
      %ge3A_124 = arith.cmpi sge, %sub3A_122, %ge3A_123 : i32
      %lt3A_125 = arith.constant 296 : i32
      %lt3A_126 = arith.cmpi slt, %sub3A_122, %lt3A_125 : i32
      %and3A_127 = arith.andi %ge3A_124, %lt3A_126 : i1
      %convert_element_type3A_128 = arith.extui %and3A_127 : i1 to i32
      %cond3A_129 = arith.constant 0 : i32
      %cond3A_130 = arith.cmpi ne, %convert_element_type3A_128, %cond3A_129 : i32
      scf.if %cond3A_130 {
        %dma_wait3A = arith.constant 0 : i32
        %dma_wait3A_147 = tpu.memref_slice %arg9[%dma_wait3A] : memref<592000xi32, #tpu.memory_space<hbm>> -> memref<2000xi32, #tpu.memory_space<hbm>>
        %dma_wait3A_148 = arith.constant 0 : i32
        %dma_wait3A_149 = tpu.memref_slice %arg9[%dma_wait3A_148] : memref<592000xi32, #tpu.memory_space<hbm>> -> memref<2000xi32, #tpu.memory_space<hbm>>
        tpu.wait_dma2 semaphore(%arg34 : memref<!tpu.dma_semaphore, #tpu.memory_space<semaphore_mem>>) src(%arg27 : memref<2000xi32, #tpu.memory_space<vmem>>) dst(%dma_wait3A_149 : memref<2000xi32, #tpu.memory_space<hbm>>)
        %dma_wait3A_150 = arith.constant 0 : i32
        %dma_wait3A_151 = tpu.memref_slice %arg10[%dma_wait3A_150] : memref<592000xi32, #tpu.memory_space<hbm>> -> memref<2000xi32, #tpu.memory_space<hbm>>
        %dma_wait3A_152 = arith.constant 0 : i32
        %dma_wait3A_153 = tpu.memref_slice %arg10[%dma_wait3A_152] : memref<592000xi32, #tpu.memory_space<hbm>> -> memref<2000xi32, #tpu.memory_space<hbm>>
        tpu.wait_dma2 semaphore(%arg34 : memref<!tpu.dma_semaphore, #tpu.memory_space<semaphore_mem>>) src(%arg28 : memref<2000xi32, #tpu.memory_space<vmem>>) dst(%dma_wait3A_153 : memref<2000xi32, #tpu.memory_space<hbm>>)
        %dma_wait3A_154 = arith.constant 0 : i32
        %dma_wait3A_155 = tpu.memref_slice %arg11[%dma_wait3A_154] : memref<592000xf32, #tpu.memory_space<hbm>> -> memref<2000xf32, #tpu.memory_space<hbm>>
        %dma_wait3A_156 = arith.constant 0 : i32
        %dma_wait3A_157 = tpu.memref_slice %arg11[%dma_wait3A_156] : memref<592000xf32, #tpu.memory_space<hbm>> -> memref<2000xf32, #tpu.memory_space<hbm>>
        tpu.wait_dma2 semaphore(%arg34 : memref<!tpu.dma_semaphore, #tpu.memory_space<semaphore_mem>>) src(%arg29 : memref<2000xf32, #tpu.memory_space<vmem>>) dst(%dma_wait3A_157 : memref<2000xf32, #tpu.memory_space<hbm>>)
      } else {
      }
      %ge3A_131 = arith.constant 0 : i32
      %ge3A_132 = arith.cmpi sge, %add3A_61, %ge3A_131 : i32
      %lt3A_133 = arith.constant 296 : i32
      %lt3A_134 = arith.cmpi slt, %add3A_61, %lt3A_133 : i32
      %and3A_135 = arith.andi %ge3A_132, %lt3A_134 : i1
      %convert_element_type3A_136 = arith.extui %and3A_135 : i1 to i32
      %cond3A_137 = arith.constant 0 : i32
      %cond3A_138 = arith.cmpi ne, %convert_element_type3A_136, %cond3A_137 : i32
      scf.if %cond3A_138 {
        %parallel_loop3A = arith.constant 0 : i32
        %parallel_loop3A_147 = arith.constant 2000 : i32
        %parallel_loop3A_148 = arith.constant 16 : i32
        scf.for %parallel_loop3A_149 = %parallel_loop3A to %parallel_loop3A_147 step %parallel_loop3A_148  : i32 {
          %parallel_loop3A_150 = arith.index_cast %parallel_loop3A_149 : i32 to index
          %parallel_loop3A_151 = tpu.vector_load %arg21[%parallel_loop3A_150] {strides = array<i32>} : memref<2000xi32, #tpu.memory_space<vmem>>, vector<16xi32>,
          %parallel_loop3A_152 = arith.index_cast %parallel_loop3A_149 : i32 to index
          %parallel_loop3A_153 = tpu.vector_load %arg22[%parallel_loop3A_152] {strides = array<i32>} : memref<2000xi32, #tpu.memory_space<vmem>>, vector<16xi32>,
          %parallel_loop3A_154 = arith.index_cast %parallel_loop3A_149 : i32 to index
          %parallel_loop3A_155 = tpu.vector_load %arg23[%parallel_loop3A_154] {strides = array<i32>} : memref<2000xi32, #tpu.memory_space<vmem>>, vector<16xi32>,
          %parallel_loop3A_156 = arith.index_cast %parallel_loop3A_149 : i32 to index
          %parallel_loop3A_157 = tpu.vector_load %arg24[%parallel_loop3A_156] {strides = array<i32>} : memref<2000xf32, #tpu.memory_space<vmem>>, vector<16xf32>,
          %parallel_loop3A_158 = arith.index_cast %parallel_loop3A_149 : i32 to index
          %parallel_loop3A_159 = tpu.vector_load %arg25[%parallel_loop3A_158] {strides = array<i32>} : memref<2000xi32, #tpu.memory_space<vmem>>, vector<16xi32>,
          %parallel_loop3A_160 = arith.constant 0 : i32
          %parallel_loop3A_161 = vector.broadcast %parallel_loop3A_160 : i32 to vector<16xi32>
          %parallel_loop3A_162 = arith.cmpi ne, %parallel_loop3A_159, %parallel_loop3A_161 : vector<16xi32>
          %parallel_loop3A_163 = arith.constant 2 : i32
          %parallel_loop3A_164 = vector.broadcast %parallel_loop3A_163 : i32 to vector<16xi32>
          %parallel_loop3A_165 = arith.select %parallel_loop3A_162, %parallel_loop3A_164, %parallel_loop3A_155 : vector<16xi1>, vector<16xi32>
          %parallel_loop3A_166 = arith.select %parallel_loop3A_162, %gather3A, %parallel_loop3A_157 : vector<16xi1>, vector<16xf32>
          %parallel_loop3A_167 = arith.cmpf ole, %parallel_loop3A_166, %gather3A : vector<16xf32>
          %parallel_loop3A_168 = arith.select %parallel_loop3A_167, %parallel_loop3A_165, %parallel_loop3A_153 : vector<16xi1>, vector<16xi32>
          %parallel_loop3A_169 = arith.sitofp %parallel_loop3A_151 : vector<16xi32> to vector<16xf32>
          %parallel_loop3A_170 = tpu.vector_load_idx %arg30[%parallel_loop3A_151] : memref<216xf32, #tpu.memory_space<vmem>>[vector<16xi32>], vector<16xf32>,
          %parallel_loop3A_171 = arith.constant 128 : i32
          %parallel_loop3A_172 = tpu.memref_slice %arg30[%parallel_loop3A_171] : memref<216xf32, #tpu.memory_space<vmem>> -> memref<8xf32, #tpu.memory_space<vmem>>
          %parallel_loop3A_173 = tpu.vector_load_idx %parallel_loop3A_172[%parallel_loop3A_168] : memref<8xf32, #tpu.memory_space<vmem>>[vector<16xi32>], vector<16xf32>,
          %parallel_loop3A_174 = arith.mulf %gather3A_4, %parallel_loop3A_170 : vector<16xf32>
          %parallel_loop3A_175 = arith.addf %parallel_loop3A_173, %parallel_loop3A_174 : vector<16xf32>
          %parallel_loop3A_176 = arith.index_cast %parallel_loop3A_149 : i32 to index
          %parallel_loop3A_177 = tpu.vector_load %arg26[%parallel_loop3A_176] {strides = array<i32>} : memref<16000xf32, #tpu.memory_space<vmem>>, vector<16xf32>,
          %parallel_loop3A_178 = arith.addf %parallel_loop3A_175, %parallel_loop3A_177 : vector<16xf32>
          %parallel_loop3A_179 = arith.constant 0 : i32
          %parallel_loop3A_180 = vector.broadcast %parallel_loop3A_179 : i32 to vector<16xi32>
          %parallel_loop3A_181 = arith.constant 136 : i32
          %parallel_loop3A_182 = tpu.memref_slice %arg30[%parallel_loop3A_181] : memref<216xf32, #tpu.memory_space<vmem>> -> memref<8xf32, #tpu.memory_space<vmem>>
          %parallel_loop3A_183 = tpu.vector_load_idx %parallel_loop3A_182[%parallel_loop3A_168] : memref<8xf32, #tpu.memory_space<vmem>>[vector<16xi32>], vector<16xf32>,
          %parallel_loop3A_184 = arith.mulf %gather3A_7, %parallel_loop3A_170 : vector<16xf32>
          %parallel_loop3A_185 = arith.addf %parallel_loop3A_183, %parallel_loop3A_184 : vector<16xf32>
          %parallel_loop3A_186 = arith.constant 2000 : i32
          %parallel_loop3A_187 = arith.addi %parallel_loop3A_149, %parallel_loop3A_186 : i32
          %parallel_loop3A_188 = arith.index_cast %parallel_loop3A_187 : i32 to index
          %parallel_loop3A_189 = tpu.vector_load %arg26[%parallel_loop3A_188] {strides = array<i32>} : memref<16000xf32, #tpu.memory_space<vmem>>, vector<16xf32>,
          %parallel_loop3A_190 = arith.addf %parallel_loop3A_185, %parallel_loop3A_189 : vector<16xf32>
          %parallel_loop3A_191 = arith.cmpf ogt, %parallel_loop3A_190, %parallel_loop3A_178 : vector<16xf32>
          %parallel_loop3A_192 = arith.select %parallel_loop3A_191, %parallel_loop3A_190, %parallel_loop3A_178 : vector<16xi1>, vector<16xf32>
          %parallel_loop3A_193 = arith.constant 1 : i32
          %parallel_loop3A_194 = vector.broadcast %parallel_loop3A_193 : i32 to vector<16xi32>
          %parallel_loop3A_195 = arith.select %parallel_loop3A_191, %parallel_loop3A_194, %parallel_loop3A_180 : vector<16xi1>, vector<16xi32>
          %parallel_loop3A_196 = arith.constant 144 : i32
          %parallel_loop3A_197 = tpu.memref_slice %arg30[%parallel_loop3A_196] : memref<216xf32, #tpu.memory_space<vmem>> -> memref<8xf32, #tpu.memory_space<vmem>>
          %parallel_loop3A_198 = tpu.vector_load_idx %parallel_loop3A_197[%parallel_loop3A_168] : memref<8xf32, #tpu.memory_space<vmem>>[vector<16xi32>], vector<16xf32>,
          %parallel_loop3A_199 = arith.mulf %gather3A_10, %parallel_loop3A_170 : vector<16xf32>
          %parallel_loop3A_200 = arith.addf %parallel_loop3A_198, %parallel_loop3A_199 : vector<16xf32>
          %parallel_loop3A_201 = arith.constant 4000 : i32
          %parallel_loop3A_202 = arith.addi %parallel_loop3A_149, %parallel_loop3A_201 : i32
          %parallel_loop3A_203 = arith.index_cast %parallel_loop3A_202 : i32 to index
          %parallel_loop3A_204 = tpu.vector_load %arg26[%parallel_loop3A_203] {strides = array<i32>} : memref<16000xf32, #tpu.memory_space<vmem>>, vector<16xf32>,
          %parallel_loop3A_205 = arith.addf %parallel_loop3A_200, %parallel_loop3A_204 : vector<16xf32>
          %parallel_loop3A_206 = arith.cmpf ogt, %parallel_loop3A_205, %parallel_loop3A_192 : vector<16xf32>
          %parallel_loop3A_207 = arith.select %parallel_loop3A_206, %parallel_loop3A_205, %parallel_loop3A_192 : vector<16xi1>, vector<16xf32>
          %parallel_loop3A_208 = arith.constant 2 : i32
          %parallel_loop3A_209 = vector.broadcast %parallel_loop3A_208 : i32 to vector<16xi32>
          %parallel_loop3A_210 = arith.select %parallel_loop3A_206, %parallel_loop3A_209, %parallel_loop3A_195 : vector<16xi1>, vector<16xi32>
          %parallel_loop3A_211 = arith.constant 152 : i32
          %parallel_loop3A_212 = tpu.memref_slice %arg30[%parallel_loop3A_211] : memref<216xf32, #tpu.memory_space<vmem>> -> memref<8xf32, #tpu.memory_space<vmem>>
          %parallel_loop3A_213 = tpu.vector_load_idx %parallel_loop3A_212[%parallel_loop3A_168] : memref<8xf32, #tpu.memory_space<vmem>>[vector<16xi32>], vector<16xf32>,
          %parallel_loop3A_214 = arith.mulf %gather3A_13, %parallel_loop3A_170 : vector<16xf32>
          %parallel_loop3A_215 = arith.addf %parallel_loop3A_213, %parallel_loop3A_214 : vector<16xf32>
          %parallel_loop3A_216 = arith.constant 6000 : i32
          %parallel_loop3A_217 = arith.addi %parallel_loop3A_149, %parallel_loop3A_216 : i32
          %parallel_loop3A_218 = arith.index_cast %parallel_loop3A_217 : i32 to index
          %parallel_loop3A_219 = tpu.vector_load %arg26[%parallel_loop3A_218] {strides = array<i32>} : memref<16000xf32, #tpu.memory_space<vmem>>, vector<16xf32>,
          %parallel_loop3A_220 = arith.addf %parallel_loop3A_215, %parallel_loop3A_219 : vector<16xf32>
          %parallel_loop3A_221 = arith.cmpf ogt, %parallel_loop3A_220, %parallel_loop3A_207 : vector<16xf32>
          %parallel_loop3A_222 = arith.select %parallel_loop3A_221, %parallel_loop3A_220, %parallel_loop3A_207 : vector<16xi1>, vector<16xf32>
          %parallel_loop3A_223 = arith.constant 3 : i32
          %parallel_loop3A_224 = vector.broadcast %parallel_loop3A_223 : i32 to vector<16xi32>
          %parallel_loop3A_225 = arith.select %parallel_loop3A_221, %parallel_loop3A_224, %parallel_loop3A_210 : vector<16xi1>, vector<16xi32>
          %parallel_loop3A_226 = arith.constant 160 : i32
          %parallel_loop3A_227 = tpu.memref_slice %arg30[%parallel_loop3A_226] : memref<216xf32, #tpu.memory_space<vmem>> -> memref<8xf32, #tpu.memory_space<vmem>>
          %parallel_loop3A_228 = tpu.vector_load_idx %parallel_loop3A_227[%parallel_loop3A_168] : memref<8xf32, #tpu.memory_space<vmem>>[vector<16xi32>], vector<16xf32>,
          %parallel_loop3A_229 = arith.mulf %gather3A_16, %parallel_loop3A_170 : vector<16xf32>
          %parallel_loop3A_230 = arith.addf %parallel_loop3A_228, %parallel_loop3A_229 : vector<16xf32>
          %parallel_loop3A_231 = arith.constant 8000 : i32
          %parallel_loop3A_232 = arith.addi %parallel_loop3A_149, %parallel_loop3A_231 : i32
          %parallel_loop3A_233 = arith.index_cast %parallel_loop3A_232 : i32 to index
          %parallel_loop3A_234 = tpu.vector_load %arg26[%parallel_loop3A_233] {strides = array<i32>} : memref<16000xf32, #tpu.memory_space<vmem>>, vector<16xf32>,
          %parallel_loop3A_235 = arith.addf %parallel_loop3A_230, %parallel_loop3A_234 : vector<16xf32>
          %parallel_loop3A_236 = arith.cmpf ogt, %parallel_loop3A_235, %parallel_loop3A_222 : vector<16xf32>
          %parallel_loop3A_237 = arith.select %parallel_loop3A_236, %parallel_loop3A_235, %parallel_loop3A_222 : vector<16xi1>, vector<16xf32>
          %parallel_loop3A_238 = arith.constant 4 : i32
          %parallel_loop3A_239 = vector.broadcast %parallel_loop3A_238 : i32 to vector<16xi32>
          %parallel_loop3A_240 = arith.select %parallel_loop3A_236, %parallel_loop3A_239, %parallel_loop3A_225 : vector<16xi1>, vector<16xi32>
          %parallel_loop3A_241 = arith.constant 168 : i32
          %parallel_loop3A_242 = tpu.memref_slice %arg30[%parallel_loop3A_241] : memref<216xf32, #tpu.memory_space<vmem>> -> memref<8xf32, #tpu.memory_space<vmem>>
          %parallel_loop3A_243 = tpu.vector_load_idx %parallel_loop3A_242[%parallel_loop3A_168] : memref<8xf32, #tpu.memory_space<vmem>>[vector<16xi32>], vector<16xf32>,
          %parallel_loop3A_244 = arith.mulf %gather3A_19, %parallel_loop3A_170 : vector<16xf32>
          %parallel_loop3A_245 = arith.addf %parallel_loop3A_243, %parallel_loop3A_244 : vector<16xf32>
          %parallel_loop3A_246 = arith.constant 10000 : i32
          %parallel_loop3A_247 = arith.addi %parallel_loop3A_149, %parallel_loop3A_246 : i32
          %parallel_loop3A_248 = arith.index_cast %parallel_loop3A_247 : i32 to index
          %parallel_loop3A_249 = tpu.vector_load %arg26[%parallel_loop3A_248] {strides = array<i32>} : memref<16000xf32, #tpu.memory_space<vmem>>, vector<16xf32>,
          %parallel_loop3A_250 = arith.addf %parallel_loop3A_245, %parallel_loop3A_249 : vector<16xf32>
          %parallel_loop3A_251 = arith.cmpf ogt, %parallel_loop3A_250, %parallel_loop3A_237 : vector<16xf32>
          %parallel_loop3A_252 = arith.select %parallel_loop3A_251, %parallel_loop3A_250, %parallel_loop3A_237 : vector<16xi1>, vector<16xf32>
          %parallel_loop3A_253 = arith.constant 5 : i32
          %parallel_loop3A_254 = vector.broadcast %parallel_loop3A_253 : i32 to vector<16xi32>
          %parallel_loop3A_255 = arith.select %parallel_loop3A_251, %parallel_loop3A_254, %parallel_loop3A_240 : vector<16xi1>, vector<16xi32>
          %parallel_loop3A_256 = arith.constant 176 : i32
          %parallel_loop3A_257 = tpu.memref_slice %arg30[%parallel_loop3A_256] : memref<216xf32, #tpu.memory_space<vmem>> -> memref<8xf32, #tpu.memory_space<vmem>>
          %parallel_loop3A_258 = tpu.vector_load_idx %parallel_loop3A_257[%parallel_loop3A_168] : memref<8xf32, #tpu.memory_space<vmem>>[vector<16xi32>], vector<16xf32>,
          %parallel_loop3A_259 = arith.mulf %gather3A_22, %parallel_loop3A_170 : vector<16xf32>
          %parallel_loop3A_260 = arith.addf %parallel_loop3A_258, %parallel_loop3A_259 : vector<16xf32>
          %parallel_loop3A_261 = arith.constant 12000 : i32
          %parallel_loop3A_262 = arith.addi %parallel_loop3A_149, %parallel_loop3A_261 : i32
          %parallel_loop3A_263 = arith.index_cast %parallel_loop3A_262 : i32 to index
          %parallel_loop3A_264 = tpu.vector_load %arg26[%parallel_loop3A_263] {strides = array<i32>} : memref<16000xf32, #tpu.memory_space<vmem>>, vector<16xf32>,
          %parallel_loop3A_265 = arith.addf %parallel_loop3A_260, %parallel_loop3A_264 : vector<16xf32>
          %parallel_loop3A_266 = arith.cmpf ogt, %parallel_loop3A_265, %parallel_loop3A_252 : vector<16xf32>
          %parallel_loop3A_267 = arith.select %parallel_loop3A_266, %parallel_loop3A_265, %parallel_loop3A_252 : vector<16xi1>, vector<16xf32>
          %parallel_loop3A_268 = arith.constant 6 : i32
          %parallel_loop3A_269 = vector.broadcast %parallel_loop3A_268 : i32 to vector<16xi32>
          %parallel_loop3A_270 = arith.select %parallel_loop3A_266, %parallel_loop3A_269, %parallel_loop3A_255 : vector<16xi1>, vector<16xi32>
          %parallel_loop3A_271 = arith.constant 184 : i32
          %parallel_loop3A_272 = tpu.memref_slice %arg30[%parallel_loop3A_271] : memref<216xf32, #tpu.memory_space<vmem>> -> memref<8xf32, #tpu.memory_space<vmem>>
          %parallel_loop3A_273 = tpu.vector_load_idx %parallel_loop3A_272[%parallel_loop3A_168] : memref<8xf32, #tpu.memory_space<vmem>>[vector<16xi32>], vector<16xf32>,
          %parallel_loop3A_274 = arith.mulf %gather3A_25, %parallel_loop3A_170 : vector<16xf32>
          %parallel_loop3A_275 = arith.addf %parallel_loop3A_273, %parallel_loop3A_274 : vector<16xf32>
          %parallel_loop3A_276 = arith.constant 14000 : i32
          %parallel_loop3A_277 = arith.addi %parallel_loop3A_149, %parallel_loop3A_276 : i32
          %parallel_loop3A_278 = arith.index_cast %parallel_loop3A_277 : i32 to index
          %parallel_loop3A_279 = tpu.vector_load %arg26[%parallel_loop3A_278] {strides = array<i32>} : memref<16000xf32, #tpu.memory_space<vmem>>, vector<16xf32>,
          %parallel_loop3A_280 = arith.addf %parallel_loop3A_275, %parallel_loop3A_279 : vector<16xf32>
          %parallel_loop3A_281 = arith.cmpf ogt, %parallel_loop3A_280, %parallel_loop3A_267 : vector<16xf32>
          %parallel_loop3A_282 = arith.select %parallel_loop3A_281, %parallel_loop3A_280, %parallel_loop3A_267 : vector<16xi1>, vector<16xf32>
          %parallel_loop3A_283 = arith.constant 7 : i32
          %parallel_loop3A_284 = vector.broadcast %parallel_loop3A_283 : i32 to vector<16xi32>
          %parallel_loop3A_285 = arith.select %parallel_loop3A_281, %parallel_loop3A_284, %parallel_loop3A_270 : vector<16xi1>, vector<16xi32>
          %parallel_loop3A_286 = arith.constant 200 : i32
          %parallel_loop3A_287 = tpu.memref_slice %arg30[%parallel_loop3A_286] : memref<216xf32, #tpu.memory_space<vmem>> -> memref<8xf32, #tpu.memory_space<vmem>>
          %parallel_loop3A_288 = tpu.vector_load_idx %parallel_loop3A_287[%parallel_loop3A_285] : memref<8xf32, #tpu.memory_space<vmem>>[vector<16xi32>], vector<16xf32>,
          %parallel_loop3A_289 = arith.constant 0.00999999977 : f32
          %parallel_loop3A_290 = vector.broadcast %parallel_loop3A_289 : f32 to vector<16xf32>
          %parallel_loop3A_291 = arith.mulf %parallel_loop3A_290, %parallel_loop3A_169 : vector<16xf32>
          %parallel_loop3A_292 = arith.constant 1.000000e+00 : f32
          %parallel_loop3A_293 = vector.broadcast %parallel_loop3A_292 : f32 to vector<16xf32>
          %parallel_loop3A_294 = arith.addf %parallel_loop3A_293, %parallel_loop3A_291 : vector<16xf32>
          %parallel_loop3A_295 = arith.mulf %parallel_loop3A_288, %parallel_loop3A_294 : vector<16xf32>
          %parallel_loop3A_296 = arith.addf %gather3A, %parallel_loop3A_295 : vector<16xf32>
          %parallel_loop3A_297 = arith.index_cast %parallel_loop3A_149 : i32 to index
          %parallel_loop3A_298 = tpu.vector_load %arg27[%parallel_loop3A_297] {strides = array<i32>} : memref<2000xi32, #tpu.memory_space<vmem>>, vector<16xi32>,
          tpu.vector_store %arg27[%parallel_loop3A_297], %parallel_loop3A_168 {strides = array<i32>} : memref<2000xi32, #tpu.memory_space<vmem>>, vector<16xi32>,
          %parallel_loop3A_299 = arith.select %parallel_loop3A_167, %parallel_loop3A_285, %parallel_loop3A_165 : vector<16xi1>, vector<16xi32>
          %parallel_loop3A_300 = arith.index_cast %parallel_loop3A_149 : i32 to index
          %parallel_loop3A_301 = tpu.vector_load %arg28[%parallel_loop3A_300] {strides = array<i32>} : memref<2000xi32, #tpu.memory_space<vmem>>, vector<16xi32>,
          tpu.vector_store %arg28[%parallel_loop3A_300], %parallel_loop3A_299 {strides = array<i32>} : memref<2000xi32, #tpu.memory_space<vmem>>, vector<16xi32>,
          %parallel_loop3A_302 = arith.select %parallel_loop3A_167, %parallel_loop3A_296, %parallel_loop3A_166 : vector<16xi1>, vector<16xf32>
          %parallel_loop3A_303 = arith.index_cast %parallel_loop3A_149 : i32 to index
          %parallel_loop3A_304 = tpu.vector_load %arg29[%parallel_loop3A_303] {strides = array<i32>} : memref<2000xf32, #tpu.memory_space<vmem>>, vector<16xf32>,
          tpu.vector_store %arg29[%parallel_loop3A_303], %parallel_loop3A_302 {strides = array<i32>} : memref<2000xf32, #tpu.memory_space<vmem>>, vector<16xf32>,
        } {sc.loop_unroll_factor = 5 : i64, sc.parallel_access}
      } else {
      }
      %ge3A_139 = arith.constant 0 : i32
      %ge3A_140 = arith.cmpi sge, %add3A_61, %ge3A_139 : i32
      %lt3A_141 = arith.constant 296 : i32
      %lt3A_142 = arith.cmpi slt, %add3A_61, %lt3A_141 : i32
      %and3A_143 = arith.andi %ge3A_140, %lt3A_142 : i1
      %convert_element_type3A_144 = arith.extui %and3A_143 : i1 to i32
      %cond3A_145 = arith.constant 0 : i32
      %cond3A_146 = arith.cmpi ne, %convert_element_type3A_144, %cond3A_145 : i32
      scf.if %cond3A_146 {
        %mul3A_147 = arith.constant 2000 : i32
        %mul3A_148 = arith.muli %add3A_61, %mul3A_147 : i32
        %dma_start3A = tpu.memref_slice %arg9[%mul3A_148] : memref<592000xi32, #tpu.memory_space<hbm>> -> memref<2000xi32, #tpu.memory_space<hbm>>
        %dma_start3A_149 = tpu.memref_slice %arg9[%mul3A_148] : memref<592000xi32, #tpu.memory_space<hbm>> -> memref<2000xi32, #tpu.memory_space<hbm>>
        tpu.enqueue_dma source(%arg27 : memref<2000xi32, #tpu.memory_space<vmem>>) target(%dma_start3A_149 : memref<2000xi32, #tpu.memory_space<hbm>>) target_semaphore(%arg34 : memref<!tpu.dma_semaphore, #tpu.memory_space<semaphore_mem>>)
        %dma_start3A_150 = tpu.memref_slice %arg10[%mul3A_148] : memref<592000xi32, #tpu.memory_space<hbm>> -> memref<2000xi32, #tpu.memory_space<hbm>>
        %dma_start3A_151 = tpu.memref_slice %arg10[%mul3A_148] : memref<592000xi32, #tpu.memory_space<hbm>> -> memref<2000xi32, #tpu.memory_space<hbm>>
        tpu.enqueue_dma source(%arg28 : memref<2000xi32, #tpu.memory_space<vmem>>) target(%dma_start3A_151 : memref<2000xi32, #tpu.memory_space<hbm>>) target_semaphore(%arg34 : memref<!tpu.dma_semaphore, #tpu.memory_space<semaphore_mem>>)
        %dma_start3A_152 = tpu.memref_slice %arg11[%mul3A_148] : memref<592000xf32, #tpu.memory_space<hbm>> -> memref<2000xf32, #tpu.memory_space<hbm>>
        %dma_start3A_153 = tpu.memref_slice %arg11[%mul3A_148] : memref<592000xf32, #tpu.memory_space<hbm>> -> memref<2000xf32, #tpu.memory_space<hbm>>
        tpu.enqueue_dma source(%arg29 : memref<2000xf32, #tpu.memory_space<vmem>>) target(%dma_start3A_153 : memref<2000xf32, #tpu.memory_space<hbm>>) target_semaphore(%arg34 : memref<!tpu.dma_semaphore, #tpu.memory_space<semaphore_mem>>)
      } else {
      }
    }
    %scan3A_33 = arith.constant 5 : i32
    %add3A_34 = arith.constant 256 : i32
    %add3A_35 = arith.addi %add3A, %add3A_34 : i32
    %ge3A_36 = arith.constant 0 : i32
    %ge3A_37 = arith.cmpi sge, %add3A_35, %ge3A_36 : i32
    %lt3A_38 = arith.constant 296 : i32
    %lt3A_39 = arith.cmpi slt, %add3A_35, %lt3A_38 : i32
    %and3A_40 = arith.andi %ge3A_37, %lt3A_39 : i1
    %convert_element_type3A_41 = arith.extui %and3A_40 : i1 to i32
    %cond3A_42 = arith.constant 0 : i32
    %cond3A_43 = arith.cmpi ne, %convert_element_type3A_41, %cond3A_42 : i32
    scf.if %cond3A_43 {
      %dma_wait3A = arith.constant 0 : i32
      %dma_wait3A_54 = tpu.memref_slice %arg9[%dma_wait3A] : memref<592000xi32, #tpu.memory_space<hbm>> -> memref<2000xi32, #tpu.memory_space<hbm>>
      %dma_wait3A_55 = arith.constant 0 : i32
      %dma_wait3A_56 = tpu.memref_slice %arg9[%dma_wait3A_55] : memref<592000xi32, #tpu.memory_space<hbm>> -> memref<2000xi32, #tpu.memory_space<hbm>>
      tpu.wait_dma2 semaphore(%arg33 : memref<!tpu.dma_semaphore, #tpu.memory_space<semaphore_mem>>) src(%arg18 : memref<2000xi32, #tpu.memory_space<vmem>>) dst(%dma_wait3A_56 : memref<2000xi32, #tpu.memory_space<hbm>>)
      %dma_wait3A_57 = arith.constant 0 : i32
      %dma_wait3A_58 = tpu.memref_slice %arg10[%dma_wait3A_57] : memref<592000xi32, #tpu.memory_space<hbm>> -> memref<2000xi32, #tpu.memory_space<hbm>>
      %dma_wait3A_59 = arith.constant 0 : i32
      %dma_wait3A_60 = tpu.memref_slice %arg10[%dma_wait3A_59] : memref<592000xi32, #tpu.memory_space<hbm>> -> memref<2000xi32, #tpu.memory_space<hbm>>
      tpu.wait_dma2 semaphore(%arg33 : memref<!tpu.dma_semaphore, #tpu.memory_space<semaphore_mem>>) src(%arg19 : memref<2000xi32, #tpu.memory_space<vmem>>) dst(%dma_wait3A_60 : memref<2000xi32, #tpu.memory_space<hbm>>)
      %dma_wait3A_61 = arith.constant 0 : i32
      %dma_wait3A_62 = tpu.memref_slice %arg11[%dma_wait3A_61] : memref<592000xf32, #tpu.memory_space<hbm>> -> memref<2000xf32, #tpu.memory_space<hbm>>
      %dma_wait3A_63 = arith.constant 0 : i32
      %dma_wait3A_64 = tpu.memref_slice %arg11[%dma_wait3A_63] : memref<592000xf32, #tpu.memory_space<hbm>> -> memref<2000xf32, #tpu.memory_space<hbm>>
      tpu.wait_dma2 semaphore(%arg33 : memref<!tpu.dma_semaphore, #tpu.memory_space<semaphore_mem>>) src(%arg20 : memref<2000xf32, #tpu.memory_space<vmem>>) dst(%dma_wait3A_64 : memref<2000xf32, #tpu.memory_space<hbm>>)
    } else {
    }
    %add3A_44 = arith.constant 288 : i32
    %add3A_45 = arith.addi %add3A, %add3A_44 : i32
    %ge3A_46 = arith.constant 0 : i32
    %ge3A_47 = arith.cmpi sge, %add3A_45, %ge3A_46 : i32
    %lt3A_48 = arith.constant 296 : i32
    %lt3A_49 = arith.cmpi slt, %add3A_45, %lt3A_48 : i32
    %and3A_50 = arith.andi %ge3A_47, %lt3A_49 : i1
    %convert_element_type3A_51 = arith.extui %and3A_50 : i1 to i32
    %cond3A_52 = arith.constant 0 : i32
    %cond3A_53 = arith.cmpi ne, %convert_element_type3A_51, %cond3A_52 : i32
    scf.if %cond3A_53 {
      %dma_wait3A = arith.constant 0 : i32
      %dma_wait3A_54 = tpu.memref_slice %arg9[%dma_wait3A] : memref<592000xi32, #tpu.memory_space<hbm>> -> memref<2000xi32, #tpu.memory_space<hbm>>
      %dma_wait3A_55 = arith.constant 0 : i32
      %dma_wait3A_56 = tpu.memref_slice %arg9[%dma_wait3A_55] : memref<592000xi32, #tpu.memory_space<hbm>> -> memref<2000xi32, #tpu.memory_space<hbm>>
      tpu.wait_dma2 semaphore(%arg34 : memref<!tpu.dma_semaphore, #tpu.memory_space<semaphore_mem>>) src(%arg27 : memref<2000xi32, #tpu.memory_space<vmem>>) dst(%dma_wait3A_56 : memref<2000xi32, #tpu.memory_space<hbm>>)
      %dma_wait3A_57 = arith.constant 0 : i32
      %dma_wait3A_58 = tpu.memref_slice %arg10[%dma_wait3A_57] : memref<592000xi32, #tpu.memory_space<hbm>> -> memref<2000xi32, #tpu.memory_space<hbm>>
      %dma_wait3A_59 = arith.constant 0 : i32
      %dma_wait3A_60 = tpu.memref_slice %arg10[%dma_wait3A_59] : memref<592000xi32, #tpu.memory_space<hbm>> -> memref<2000xi32, #tpu.memory_space<hbm>>
      tpu.wait_dma2 semaphore(%arg34 : memref<!tpu.dma_semaphore, #tpu.memory_space<semaphore_mem>>) src(%arg28 : memref<2000xi32, #tpu.memory_space<vmem>>) dst(%dma_wait3A_60 : memref<2000xi32, #tpu.memory_space<hbm>>)
      %dma_wait3A_61 = arith.constant 0 : i32
      %dma_wait3A_62 = tpu.memref_slice %arg11[%dma_wait3A_61] : memref<592000xf32, #tpu.memory_space<hbm>> -> memref<2000xf32, #tpu.memory_space<hbm>>
      %dma_wait3A_63 = arith.constant 0 : i32
      %dma_wait3A_64 = tpu.memref_slice %arg11[%dma_wait3A_63] : memref<592000xf32, #tpu.memory_space<hbm>> -> memref<2000xf32, #tpu.memory_space<hbm>>
      tpu.wait_dma2 semaphore(%arg34 : memref<!tpu.dma_semaphore, #tpu.memory_space<semaphore_mem>>) src(%arg29 : memref<2000xf32, #tpu.memory_space<vmem>>) dst(%dma_wait3A_64 : memref<2000xf32, #tpu.memory_space<hbm>>)
    } else {
    }
    return
  }
}

module attributes {stable_mosaic.version = 14 : i64} {
  func.func @_tc_body(%arg0: i32, %arg1: memref<1x128xf32, #tpu.memory_space<smem>>, %arg2: memref<128000xi32, #tpu.memory_space<vmem>>, %arg3: memref<128000xi32, #tpu.memory_space<vmem>>, %arg4: memref<128000xi32, #tpu.memory_space<vmem>>, %arg5: memref<128000xf32, #tpu.memory_space<vmem>>, %arg6: memref<128000xi32, #tpu.memory_space<vmem>>, %arg7: memref<128000xf32, #tpu.memory_space<vmem>>, %arg8: memref<128000xf32, #tpu.memory_space<vmem>>, %arg9: memref<128000xf32, #tpu.memory_space<vmem>>, %arg10: memref<128000xf32, #tpu.memory_space<vmem>>, %arg11: memref<128000xf32, #tpu.memory_space<vmem>>, %arg12: memref<128000xf32, #tpu.memory_space<vmem>>, %arg13: memref<128000xf32, #tpu.memory_space<vmem>>, %arg14: memref<128000xf32, #tpu.memory_space<vmem>>, %arg15: memref<128000xi32, #tpu.memory_space<vmem>>, %arg16: memref<128000xi32, #tpu.memory_space<vmem>>, %arg17: memref<128000xf32, #tpu.memory_space<vmem>>) attributes {dimension_semantics = [#tpu.dimension_semantics<arbitrary>], iteration_bounds = array<i64: 11>, scalar_prefetch = 0 : i64, scratch_operands = 0 : i64, tpu.core_type = #tpu.core_type<tc>, window_params = [{transform_indices = @transform_0, window_bounds = array<i64: 1, 128>}, {transform_indices = @transform_1, window_bounds = array<i64: 128000>}, {transform_indices = @transform_2, window_bounds = array<i64: 128000>}, {transform_indices = @transform_3, window_bounds = array<i64: 128000>}, {transform_indices = @transform_4, window_bounds = array<i64: 128000>}, {transform_indices = @transform_5, window_bounds = array<i64: 128000>}, {transform_indices = @transform_6, window_bounds = array<i64: 128000>}, {transform_indices = @transform_7, window_bounds = array<i64: 128000>}, {transform_indices = @transform_8, window_bounds = array<i64: 128000>}, {transform_indices = @transform_9, window_bounds = array<i64: 128000>}, {transform_indices = @transform_10, window_bounds = array<i64: 128000>}, {transform_indices = @transform_11, window_bounds = array<i64: 128000>}, {transform_indices = @transform_12, window_bounds = array<i64: 128000>}, {transform_indices = @transform_13, window_bounds = array<i64: 128000>}, {transform_indices = @transform_14, window_bounds = array<i64: 128000>}, {transform_indices = @transform_15, window_bounds = array<i64: 128000>}, {transform_indices = @transform_16, window_bounds = array<i64: 128000>}]} {
    %get3A = arith.constant 0 : index
    %get3A_0 = arith.constant 80 : index
    %get3A_1 = memref.load %arg1[%get3A, %get3A_0] : memref<1x128xf32, #tpu.memory_space<smem>>
    %get3A_2 = arith.constant 0 : index
    %get3A_3 = vector.load %arg6[%get3A_2] : memref<128000xi32, #tpu.memory_space<vmem>>, vector<128000xi32>
    %ne3A = arith.constant 0 : i32
    %ne3A_4 = vector.broadcast %ne3A : i32 to vector<128000xi32>
    %ne3A_5 = arith.cmpi ne, %get3A_3, %ne3A_4 : vector<128000xi32>
    %get3A_6 = arith.constant 0 : index
    %get3A_7 = vector.load %arg4[%get3A_6] : memref<128000xi32, #tpu.memory_space<vmem>>, vector<128000xi32>
    %jit3A = arith.constant 2 : i32
    %broadcast_in_dim3A = vector.broadcast %jit3A : i32 to vector<128000xi32>
    %select_n3A = arith.select %ne3A_5, %broadcast_in_dim3A, %get3A_7 : vector<128000xi1>, vector<128000xi32>
    %get3A_8 = arith.constant 0 : index
    %get3A_9 = vector.load %arg5[%get3A_8] : memref<128000xf32, #tpu.memory_space<vmem>>, vector<128000xf32>
    %broadcast_in_dim3A_10 = vector.broadcast %get3A_1 : f32 to vector<128000xf32>
    %select_n3A_11 = arith.select %ne3A_5, %broadcast_in_dim3A_10, %get3A_9 : vector<128000xi1>, vector<128000xf32>
    %le3A = vector.broadcast %get3A_1 : f32 to vector<128000xf32>
    %le3A_12 = arith.cmpf ole, %select_n3A_11, %le3A : vector<128000xf32>
    %get3A_13 = arith.constant 0 : index
    %get3A_14 = vector.load %arg3[%get3A_13] : memref<128000xi32, #tpu.memory_space<vmem>>, vector<128000xi32>
    %select_n3A_15 = arith.select %le3A_12, %select_n3A, %get3A_14 : vector<128000xi1>, vector<128000xi32>
    %get3A_16 = arith.constant 0 : index
    %get3A_17 = vector.load %arg2[%get3A_16] : memref<128000xi32, #tpu.memory_space<vmem>>, vector<128000xi32>
    %convert_element_type3A = arith.sitofp %get3A_17 : vector<128000xi32> to vector<128000xf32>
    %div3A = arith.constant 1.000000e+02 : f32
    %div3A_18 = vector.broadcast %div3A : f32 to vector<128000xf32>
    %div3A_19 = arith.divf %convert_element_type3A, %div3A_18 : vector<128000xf32>
    %eq3A = arith.constant 1 : i32
    %eq3A_20 = vector.broadcast %eq3A : i32 to vector<128000xi32>
    %eq3A_21 = arith.cmpi eq, %select_n3A_15, %eq3A_20 : vector<128000xi32>
    %eq3A_22 = arith.constant 2 : i32
    %eq3A_23 = vector.broadcast %eq3A_22 : i32 to vector<128000xi32>
    %eq3A_24 = arith.cmpi eq, %select_n3A_15, %eq3A_23 : vector<128000xi32>
    %eq3A_25 = arith.constant 3 : i32
    %eq3A_26 = vector.broadcast %eq3A_25 : i32 to vector<128000xi32>
    %eq3A_27 = arith.cmpi eq, %select_n3A_15, %eq3A_26 : vector<128000xi32>
    %eq3A_28 = arith.constant 4 : i32
    %eq3A_29 = vector.broadcast %eq3A_28 : i32 to vector<128000xi32>
    %eq3A_30 = arith.cmpi eq, %select_n3A_15, %eq3A_29 : vector<128000xi32>
    %eq3A_31 = arith.constant 5 : i32
    %eq3A_32 = vector.broadcast %eq3A_31 : i32 to vector<128000xi32>
    %eq3A_33 = arith.cmpi eq, %select_n3A_15, %eq3A_32 : vector<128000xi32>
    %eq3A_34 = arith.constant 6 : i32
    %eq3A_35 = vector.broadcast %eq3A_34 : i32 to vector<128000xi32>
    %eq3A_36 = arith.cmpi eq, %select_n3A_15, %eq3A_35 : vector<128000xi32>
    %eq3A_37 = arith.constant 7 : i32
    %eq3A_38 = vector.broadcast %eq3A_37 : i32 to vector<128000xi32>
    %eq3A_39 = arith.cmpi eq, %select_n3A_15, %eq3A_38 : vector<128000xi32>
    %get3A_40 = arith.constant 0 : index
    %get3A_41 = arith.constant 0 : index
    %get3A_42 = memref.load %arg1[%get3A_40, %get3A_41] : memref<1x128xf32, #tpu.memory_space<smem>>
    %broadcast_in_dim3A_43 = vector.broadcast %get3A_42 : f32 to vector<128000xf32>
    %get3A_44 = arith.constant 0 : index
    %get3A_45 = arith.constant 1 : index
    %get3A_46 = memref.load %arg1[%get3A_44, %get3A_45] : memref<1x128xf32, #tpu.memory_space<smem>>
    %broadcast_in_dim3A_47 = vector.broadcast %get3A_46 : f32 to vector<128000xf32>
    %select_n3A_48 = arith.select %eq3A_21, %broadcast_in_dim3A_47, %broadcast_in_dim3A_43 : vector<128000xi1>, vector<128000xf32>
    %get3A_49 = arith.constant 0 : index
    %get3A_50 = arith.constant 2 : index
    %get3A_51 = memref.load %arg1[%get3A_49, %get3A_50] : memref<1x128xf32, #tpu.memory_space<smem>>
    %broadcast_in_dim3A_52 = vector.broadcast %get3A_51 : f32 to vector<128000xf32>
    %select_n3A_53 = arith.select %eq3A_24, %broadcast_in_dim3A_52, %select_n3A_48 : vector<128000xi1>, vector<128000xf32>
    %get3A_54 = arith.constant 0 : index
    %get3A_55 = arith.constant 3 : index
    %get3A_56 = memref.load %arg1[%get3A_54, %get3A_55] : memref<1x128xf32, #tpu.memory_space<smem>>
    %broadcast_in_dim3A_57 = vector.broadcast %get3A_56 : f32 to vector<128000xf32>
    %select_n3A_58 = arith.select %eq3A_27, %broadcast_in_dim3A_57, %select_n3A_53 : vector<128000xi1>, vector<128000xf32>
    %get3A_59 = arith.constant 0 : index
    %get3A_60 = arith.constant 4 : index
    %get3A_61 = memref.load %arg1[%get3A_59, %get3A_60] : memref<1x128xf32, #tpu.memory_space<smem>>
    %broadcast_in_dim3A_62 = vector.broadcast %get3A_61 : f32 to vector<128000xf32>
    %select_n3A_63 = arith.select %eq3A_30, %broadcast_in_dim3A_62, %select_n3A_58 : vector<128000xi1>, vector<128000xf32>
    %get3A_64 = arith.constant 0 : index
    %get3A_65 = arith.constant 5 : index
    %get3A_66 = memref.load %arg1[%get3A_64, %get3A_65] : memref<1x128xf32, #tpu.memory_space<smem>>
    %broadcast_in_dim3A_67 = vector.broadcast %get3A_66 : f32 to vector<128000xf32>
    %select_n3A_68 = arith.select %eq3A_33, %broadcast_in_dim3A_67, %select_n3A_63 : vector<128000xi1>, vector<128000xf32>
    %get3A_69 = arith.constant 0 : index
    %get3A_70 = arith.constant 6 : index
    %get3A_71 = memref.load %arg1[%get3A_69, %get3A_70] : memref<1x128xf32, #tpu.memory_space<smem>>
    %broadcast_in_dim3A_72 = vector.broadcast %get3A_71 : f32 to vector<128000xf32>
    %select_n3A_73 = arith.select %eq3A_36, %broadcast_in_dim3A_72, %select_n3A_68 : vector<128000xi1>, vector<128000xf32>
    %get3A_74 = arith.constant 0 : index
    %get3A_75 = arith.constant 7 : index
    %get3A_76 = memref.load %arg1[%get3A_74, %get3A_75] : memref<1x128xf32, #tpu.memory_space<smem>>
    %broadcast_in_dim3A_77 = vector.broadcast %get3A_76 : f32 to vector<128000xf32>
    %select_n3A_78 = arith.select %eq3A_39, %broadcast_in_dim3A_77, %select_n3A_73 : vector<128000xi1>, vector<128000xf32>
    %get3A_79 = arith.constant 0 : index
    %get3A_80 = arith.constant 64 : index
    %get3A_81 = memref.load %arg1[%get3A_79, %get3A_80] : memref<1x128xf32, #tpu.memory_space<smem>>
    %mul3A = vector.broadcast %get3A_81 : f32 to vector<128000xf32>
    %mul3A_82 = arith.mulf %mul3A, %div3A_19 : vector<128000xf32>
    %add3A = arith.addf %select_n3A_78, %mul3A_82 : vector<128000xf32>
    %get3A_83 = arith.constant 0 : index
    %get3A_84 = vector.load %arg7[%get3A_83] : memref<128000xf32, #tpu.memory_space<vmem>>, vector<128000xf32>
    %add3A_85 = arith.addf %add3A, %get3A_84 : vector<128000xf32>
    %broadcast_in_dim3A_86 = arith.constant 0 : i32
    %broadcast_in_dim3A_87 = vector.broadcast %broadcast_in_dim3A_86 : i32 to vector<128000xi32>
    %get3A_88 = arith.constant 0 : index
    %get3A_89 = arith.constant 8 : index
    %get3A_90 = memref.load %arg1[%get3A_88, %get3A_89] : memref<1x128xf32, #tpu.memory_space<smem>>
    %broadcast_in_dim3A_91 = vector.broadcast %get3A_90 : f32 to vector<128000xf32>
    %get3A_92 = arith.constant 0 : index
    %get3A_93 = arith.constant 9 : index
    %get3A_94 = memref.load %arg1[%get3A_92, %get3A_93] : memref<1x128xf32, #tpu.memory_space<smem>>
    %broadcast_in_dim3A_95 = vector.broadcast %get3A_94 : f32 to vector<128000xf32>
    %select_n3A_96 = arith.select %eq3A_21, %broadcast_in_dim3A_95, %broadcast_in_dim3A_91 : vector<128000xi1>, vector<128000xf32>
    %get3A_97 = arith.constant 0 : index
    %get3A_98 = arith.constant 10 : index
    %get3A_99 = memref.load %arg1[%get3A_97, %get3A_98] : memref<1x128xf32, #tpu.memory_space<smem>>
    %broadcast_in_dim3A_100 = vector.broadcast %get3A_99 : f32 to vector<128000xf32>
    %select_n3A_101 = arith.select %eq3A_24, %broadcast_in_dim3A_100, %select_n3A_96 : vector<128000xi1>, vector<128000xf32>
    %get3A_102 = arith.constant 0 : index
    %get3A_103 = arith.constant 11 : index
    %get3A_104 = memref.load %arg1[%get3A_102, %get3A_103] : memref<1x128xf32, #tpu.memory_space<smem>>
    %broadcast_in_dim3A_105 = vector.broadcast %get3A_104 : f32 to vector<128000xf32>
    %select_n3A_106 = arith.select %eq3A_27, %broadcast_in_dim3A_105, %select_n3A_101 : vector<128000xi1>, vector<128000xf32>
    %get3A_107 = arith.constant 0 : index
    %get3A_108 = arith.constant 12 : index
    %get3A_109 = memref.load %arg1[%get3A_107, %get3A_108] : memref<1x128xf32, #tpu.memory_space<smem>>
    %broadcast_in_dim3A_110 = vector.broadcast %get3A_109 : f32 to vector<128000xf32>
    %select_n3A_111 = arith.select %eq3A_30, %broadcast_in_dim3A_110, %select_n3A_106 : vector<128000xi1>, vector<128000xf32>
    %get3A_112 = arith.constant 0 : index
    %get3A_113 = arith.constant 13 : index
    %get3A_114 = memref.load %arg1[%get3A_112, %get3A_113] : memref<1x128xf32, #tpu.memory_space<smem>>
    %broadcast_in_dim3A_115 = vector.broadcast %get3A_114 : f32 to vector<128000xf32>
    %select_n3A_116 = arith.select %eq3A_33, %broadcast_in_dim3A_115, %select_n3A_111 : vector<128000xi1>, vector<128000xf32>
    %get3A_117 = arith.constant 0 : index
    %get3A_118 = arith.constant 14 : index
    %get3A_119 = memref.load %arg1[%get3A_117, %get3A_118] : memref<1x128xf32, #tpu.memory_space<smem>>
    %broadcast_in_dim3A_120 = vector.broadcast %get3A_119 : f32 to vector<128000xf32>
    %select_n3A_121 = arith.select %eq3A_36, %broadcast_in_dim3A_120, %select_n3A_116 : vector<128000xi1>, vector<128000xf32>
    %get3A_122 = arith.constant 0 : index
    %get3A_123 = arith.constant 15 : index
    %get3A_124 = memref.load %arg1[%get3A_122, %get3A_123] : memref<1x128xf32, #tpu.memory_space<smem>>
    %broadcast_in_dim3A_125 = vector.broadcast %get3A_124 : f32 to vector<128000xf32>
    %select_n3A_126 = arith.select %eq3A_39, %broadcast_in_dim3A_125, %select_n3A_121 : vector<128000xi1>, vector<128000xf32>
    %get3A_127 = arith.constant 0 : index
    %get3A_128 = arith.constant 65 : index
    %get3A_129 = memref.load %arg1[%get3A_127, %get3A_128] : memref<1x128xf32, #tpu.memory_space<smem>>
    %mul3A_130 = vector.broadcast %get3A_129 : f32 to vector<128000xf32>
    %mul3A_131 = arith.mulf %mul3A_130, %div3A_19 : vector<128000xf32>
    %add3A_132 = arith.addf %select_n3A_126, %mul3A_131 : vector<128000xf32>
    %get3A_133 = arith.constant 0 : index
    %get3A_134 = vector.load %arg8[%get3A_133] : memref<128000xf32, #tpu.memory_space<vmem>>, vector<128000xf32>
    %add3A_135 = arith.addf %add3A_132, %get3A_134 : vector<128000xf32>
    %gt3A = arith.cmpf ogt, %add3A_135, %add3A_85 : vector<128000xf32>
    %select_n3A_136 = arith.select %gt3A, %add3A_135, %add3A_85 : vector<128000xi1>, vector<128000xf32>
    %jit3A_137 = arith.constant 1 : i32
    %broadcast_in_dim3A_138 = vector.broadcast %jit3A_137 : i32 to vector<128000xi32>
    %select_n3A_139 = arith.select %gt3A, %broadcast_in_dim3A_138, %broadcast_in_dim3A_87 : vector<128000xi1>, vector<128000xi32>
    %get3A_140 = arith.constant 0 : index
    %get3A_141 = arith.constant 16 : index
    %get3A_142 = memref.load %arg1[%get3A_140, %get3A_141] : memref<1x128xf32, #tpu.memory_space<smem>>
    %broadcast_in_dim3A_143 = vector.broadcast %get3A_142 : f32 to vector<128000xf32>
    %get3A_144 = arith.constant 0 : index
    %get3A_145 = arith.constant 17 : index
    %get3A_146 = memref.load %arg1[%get3A_144, %get3A_145] : memref<1x128xf32, #tpu.memory_space<smem>>
    %broadcast_in_dim3A_147 = vector.broadcast %get3A_146 : f32 to vector<128000xf32>
    %select_n3A_148 = arith.select %eq3A_21, %broadcast_in_dim3A_147, %broadcast_in_dim3A_143 : vector<128000xi1>, vector<128000xf32>
    %get3A_149 = arith.constant 0 : index
    %get3A_150 = arith.constant 18 : index
    %get3A_151 = memref.load %arg1[%get3A_149, %get3A_150] : memref<1x128xf32, #tpu.memory_space<smem>>
    %broadcast_in_dim3A_152 = vector.broadcast %get3A_151 : f32 to vector<128000xf32>
    %select_n3A_153 = arith.select %eq3A_24, %broadcast_in_dim3A_152, %select_n3A_148 : vector<128000xi1>, vector<128000xf32>
    %get3A_154 = arith.constant 0 : index
    %get3A_155 = arith.constant 19 : index
    %get3A_156 = memref.load %arg1[%get3A_154, %get3A_155] : memref<1x128xf32, #tpu.memory_space<smem>>
    %broadcast_in_dim3A_157 = vector.broadcast %get3A_156 : f32 to vector<128000xf32>
    %select_n3A_158 = arith.select %eq3A_27, %broadcast_in_dim3A_157, %select_n3A_153 : vector<128000xi1>, vector<128000xf32>
    %get3A_159 = arith.constant 0 : index
    %get3A_160 = arith.constant 20 : index
    %get3A_161 = memref.load %arg1[%get3A_159, %get3A_160] : memref<1x128xf32, #tpu.memory_space<smem>>
    %broadcast_in_dim3A_162 = vector.broadcast %get3A_161 : f32 to vector<128000xf32>
    %select_n3A_163 = arith.select %eq3A_30, %broadcast_in_dim3A_162, %select_n3A_158 : vector<128000xi1>, vector<128000xf32>
    %get3A_164 = arith.constant 0 : index
    %get3A_165 = arith.constant 21 : index
    %get3A_166 = memref.load %arg1[%get3A_164, %get3A_165] : memref<1x128xf32, #tpu.memory_space<smem>>
    %broadcast_in_dim3A_167 = vector.broadcast %get3A_166 : f32 to vector<128000xf32>
    %select_n3A_168 = arith.select %eq3A_33, %broadcast_in_dim3A_167, %select_n3A_163 : vector<128000xi1>, vector<128000xf32>
    %get3A_169 = arith.constant 0 : index
    %get3A_170 = arith.constant 22 : index
    %get3A_171 = memref.load %arg1[%get3A_169, %get3A_170] : memref<1x128xf32, #tpu.memory_space<smem>>
    %broadcast_in_dim3A_172 = vector.broadcast %get3A_171 : f32 to vector<128000xf32>
    %select_n3A_173 = arith.select %eq3A_36, %broadcast_in_dim3A_172, %select_n3A_168 : vector<128000xi1>, vector<128000xf32>
    %get3A_174 = arith.constant 0 : index
    %get3A_175 = arith.constant 23 : index
    %get3A_176 = memref.load %arg1[%get3A_174, %get3A_175] : memref<1x128xf32, #tpu.memory_space<smem>>
    %broadcast_in_dim3A_177 = vector.broadcast %get3A_176 : f32 to vector<128000xf32>
    %select_n3A_178 = arith.select %eq3A_39, %broadcast_in_dim3A_177, %select_n3A_173 : vector<128000xi1>, vector<128000xf32>
    %get3A_179 = arith.constant 0 : index
    %get3A_180 = arith.constant 66 : index
    %get3A_181 = memref.load %arg1[%get3A_179, %get3A_180] : memref<1x128xf32, #tpu.memory_space<smem>>
    %mul3A_182 = vector.broadcast %get3A_181 : f32 to vector<128000xf32>
    %mul3A_183 = arith.mulf %mul3A_182, %div3A_19 : vector<128000xf32>
    %add3A_184 = arith.addf %select_n3A_178, %mul3A_183 : vector<128000xf32>
    %get3A_185 = arith.constant 0 : index
    %get3A_186 = vector.load %arg9[%get3A_185] : memref<128000xf32, #tpu.memory_space<vmem>>, vector<128000xf32>
    %add3A_187 = arith.addf %add3A_184, %get3A_186 : vector<128000xf32>
    %gt3A_188 = arith.cmpf ogt, %add3A_187, %select_n3A_136 : vector<128000xf32>
    %select_n3A_189 = arith.select %gt3A_188, %add3A_187, %select_n3A_136 : vector<128000xi1>, vector<128000xf32>
    %jit3A_190 = arith.constant 2 : i32
    %broadcast_in_dim3A_191 = vector.broadcast %jit3A_190 : i32 to vector<128000xi32>
    %select_n3A_192 = arith.select %gt3A_188, %broadcast_in_dim3A_191, %select_n3A_139 : vector<128000xi1>, vector<128000xi32>
    %get3A_193 = arith.constant 0 : index
    %get3A_194 = arith.constant 24 : index
    %get3A_195 = memref.load %arg1[%get3A_193, %get3A_194] : memref<1x128xf32, #tpu.memory_space<smem>>
    %broadcast_in_dim3A_196 = vector.broadcast %get3A_195 : f32 to vector<128000xf32>
    %get3A_197 = arith.constant 0 : index
    %get3A_198 = arith.constant 25 : index
    %get3A_199 = memref.load %arg1[%get3A_197, %get3A_198] : memref<1x128xf32, #tpu.memory_space<smem>>
    %broadcast_in_dim3A_200 = vector.broadcast %get3A_199 : f32 to vector<128000xf32>
    %select_n3A_201 = arith.select %eq3A_21, %broadcast_in_dim3A_200, %broadcast_in_dim3A_196 : vector<128000xi1>, vector<128000xf32>
    %get3A_202 = arith.constant 0 : index
    %get3A_203 = arith.constant 26 : index
    %get3A_204 = memref.load %arg1[%get3A_202, %get3A_203] : memref<1x128xf32, #tpu.memory_space<smem>>
    %broadcast_in_dim3A_205 = vector.broadcast %get3A_204 : f32 to vector<128000xf32>
    %select_n3A_206 = arith.select %eq3A_24, %broadcast_in_dim3A_205, %select_n3A_201 : vector<128000xi1>, vector<128000xf32>
    %get3A_207 = arith.constant 0 : index
    %get3A_208 = arith.constant 27 : index
    %get3A_209 = memref.load %arg1[%get3A_207, %get3A_208] : memref<1x128xf32, #tpu.memory_space<smem>>
    %broadcast_in_dim3A_210 = vector.broadcast %get3A_209 : f32 to vector<128000xf32>
    %select_n3A_211 = arith.select %eq3A_27, %broadcast_in_dim3A_210, %select_n3A_206 : vector<128000xi1>, vector<128000xf32>
    %get3A_212 = arith.constant 0 : index
    %get3A_213 = arith.constant 28 : index
    %get3A_214 = memref.load %arg1[%get3A_212, %get3A_213] : memref<1x128xf32, #tpu.memory_space<smem>>
    %broadcast_in_dim3A_215 = vector.broadcast %get3A_214 : f32 to vector<128000xf32>
    %select_n3A_216 = arith.select %eq3A_30, %broadcast_in_dim3A_215, %select_n3A_211 : vector<128000xi1>, vector<128000xf32>
    %get3A_217 = arith.constant 0 : index
    %get3A_218 = arith.constant 29 : index
    %get3A_219 = memref.load %arg1[%get3A_217, %get3A_218] : memref<1x128xf32, #tpu.memory_space<smem>>
    %broadcast_in_dim3A_220 = vector.broadcast %get3A_219 : f32 to vector<128000xf32>
    %select_n3A_221 = arith.select %eq3A_33, %broadcast_in_dim3A_220, %select_n3A_216 : vector<128000xi1>, vector<128000xf32>
    %get3A_222 = arith.constant 0 : index
    %get3A_223 = arith.constant 30 : index
    %get3A_224 = memref.load %arg1[%get3A_222, %get3A_223] : memref<1x128xf32, #tpu.memory_space<smem>>
    %broadcast_in_dim3A_225 = vector.broadcast %get3A_224 : f32 to vector<128000xf32>
    %select_n3A_226 = arith.select %eq3A_36, %broadcast_in_dim3A_225, %select_n3A_221 : vector<128000xi1>, vector<128000xf32>
    %get3A_227 = arith.constant 0 : index
    %get3A_228 = arith.constant 31 : index
    %get3A_229 = memref.load %arg1[%get3A_227, %get3A_228] : memref<1x128xf32, #tpu.memory_space<smem>>
    %broadcast_in_dim3A_230 = vector.broadcast %get3A_229 : f32 to vector<128000xf32>
    %select_n3A_231 = arith.select %eq3A_39, %broadcast_in_dim3A_230, %select_n3A_226 : vector<128000xi1>, vector<128000xf32>
    %get3A_232 = arith.constant 0 : index
    %get3A_233 = arith.constant 67 : index
    %get3A_234 = memref.load %arg1[%get3A_232, %get3A_233] : memref<1x128xf32, #tpu.memory_space<smem>>
    %mul3A_235 = vector.broadcast %get3A_234 : f32 to vector<128000xf32>
    %mul3A_236 = arith.mulf %mul3A_235, %div3A_19 : vector<128000xf32>
    %add3A_237 = arith.addf %select_n3A_231, %mul3A_236 : vector<128000xf32>
    %get3A_238 = arith.constant 0 : index
    %get3A_239 = vector.load %arg10[%get3A_238] : memref<128000xf32, #tpu.memory_space<vmem>>, vector<128000xf32>
    %add3A_240 = arith.addf %add3A_237, %get3A_239 : vector<128000xf32>
    %gt3A_241 = arith.cmpf ogt, %add3A_240, %select_n3A_189 : vector<128000xf32>
    %select_n3A_242 = arith.select %gt3A_241, %add3A_240, %select_n3A_189 : vector<128000xi1>, vector<128000xf32>
    %jit3A_243 = arith.constant 3 : i32
    %broadcast_in_dim3A_244 = vector.broadcast %jit3A_243 : i32 to vector<128000xi32>
    %select_n3A_245 = arith.select %gt3A_241, %broadcast_in_dim3A_244, %select_n3A_192 : vector<128000xi1>, vector<128000xi32>
    %get3A_246 = arith.constant 0 : index
    %get3A_247 = arith.constant 32 : index
    %get3A_248 = memref.load %arg1[%get3A_246, %get3A_247] : memref<1x128xf32, #tpu.memory_space<smem>>
    %broadcast_in_dim3A_249 = vector.broadcast %get3A_248 : f32 to vector<128000xf32>
    %get3A_250 = arith.constant 0 : index
    %get3A_251 = arith.constant 33 : index
    %get3A_252 = memref.load %arg1[%get3A_250, %get3A_251] : memref<1x128xf32, #tpu.memory_space<smem>>
    %broadcast_in_dim3A_253 = vector.broadcast %get3A_252 : f32 to vector<128000xf32>
    %select_n3A_254 = arith.select %eq3A_21, %broadcast_in_dim3A_253, %broadcast_in_dim3A_249 : vector<128000xi1>, vector<128000xf32>
    %get3A_255 = arith.constant 0 : index
    %get3A_256 = arith.constant 34 : index
    %get3A_257 = memref.load %arg1[%get3A_255, %get3A_256] : memref<1x128xf32, #tpu.memory_space<smem>>
    %broadcast_in_dim3A_258 = vector.broadcast %get3A_257 : f32 to vector<128000xf32>
    %select_n3A_259 = arith.select %eq3A_24, %broadcast_in_dim3A_258, %select_n3A_254 : vector<128000xi1>, vector<128000xf32>
    %get3A_260 = arith.constant 0 : index
    %get3A_261 = arith.constant 35 : index
    %get3A_262 = memref.load %arg1[%get3A_260, %get3A_261] : memref<1x128xf32, #tpu.memory_space<smem>>
    %broadcast_in_dim3A_263 = vector.broadcast %get3A_262 : f32 to vector<128000xf32>
    %select_n3A_264 = arith.select %eq3A_27, %broadcast_in_dim3A_263, %select_n3A_259 : vector<128000xi1>, vector<128000xf32>
    %get3A_265 = arith.constant 0 : index
    %get3A_266 = arith.constant 36 : index
    %get3A_267 = memref.load %arg1[%get3A_265, %get3A_266] : memref<1x128xf32, #tpu.memory_space<smem>>
    %broadcast_in_dim3A_268 = vector.broadcast %get3A_267 : f32 to vector<128000xf32>
    %select_n3A_269 = arith.select %eq3A_30, %broadcast_in_dim3A_268, %select_n3A_264 : vector<128000xi1>, vector<128000xf32>
    %get3A_270 = arith.constant 0 : index
    %get3A_271 = arith.constant 37 : index
    %get3A_272 = memref.load %arg1[%get3A_270, %get3A_271] : memref<1x128xf32, #tpu.memory_space<smem>>
    %broadcast_in_dim3A_273 = vector.broadcast %get3A_272 : f32 to vector<128000xf32>
    %select_n3A_274 = arith.select %eq3A_33, %broadcast_in_dim3A_273, %select_n3A_269 : vector<128000xi1>, vector<128000xf32>
    %get3A_275 = arith.constant 0 : index
    %get3A_276 = arith.constant 38 : index
    %get3A_277 = memref.load %arg1[%get3A_275, %get3A_276] : memref<1x128xf32, #tpu.memory_space<smem>>
    %broadcast_in_dim3A_278 = vector.broadcast %get3A_277 : f32 to vector<128000xf32>
    %select_n3A_279 = arith.select %eq3A_36, %broadcast_in_dim3A_278, %select_n3A_274 : vector<128000xi1>, vector<128000xf32>
    %get3A_280 = arith.constant 0 : index
    %get3A_281 = arith.constant 39 : index
    %get3A_282 = memref.load %arg1[%get3A_280, %get3A_281] : memref<1x128xf32, #tpu.memory_space<smem>>
    %broadcast_in_dim3A_283 = vector.broadcast %get3A_282 : f32 to vector<128000xf32>
    %select_n3A_284 = arith.select %eq3A_39, %broadcast_in_dim3A_283, %select_n3A_279 : vector<128000xi1>, vector<128000xf32>
    %get3A_285 = arith.constant 0 : index
    %get3A_286 = arith.constant 68 : index
    %get3A_287 = memref.load %arg1[%get3A_285, %get3A_286] : memref<1x128xf32, #tpu.memory_space<smem>>
    %mul3A_288 = vector.broadcast %get3A_287 : f32 to vector<128000xf32>
    %mul3A_289 = arith.mulf %mul3A_288, %div3A_19 : vector<128000xf32>
    %add3A_290 = arith.addf %select_n3A_284, %mul3A_289 : vector<128000xf32>
    %get3A_291 = arith.constant 0 : index
    %get3A_292 = vector.load %arg11[%get3A_291] : memref<128000xf32, #tpu.memory_space<vmem>>, vector<128000xf32>
    %add3A_293 = arith.addf %add3A_290, %get3A_292 : vector<128000xf32>
    %gt3A_294 = arith.cmpf ogt, %add3A_293, %select_n3A_242 : vector<128000xf32>
    %select_n3A_295 = arith.select %gt3A_294, %add3A_293, %select_n3A_242 : vector<128000xi1>, vector<128000xf32>
    %jit3A_296 = arith.constant 4 : i32
    %broadcast_in_dim3A_297 = vector.broadcast %jit3A_296 : i32 to vector<128000xi32>
    %select_n3A_298 = arith.select %gt3A_294, %broadcast_in_dim3A_297, %select_n3A_245 : vector<128000xi1>, vector<128000xi32>
    %get3A_299 = arith.constant 0 : index
    %get3A_300 = arith.constant 40 : index
    %get3A_301 = memref.load %arg1[%get3A_299, %get3A_300] : memref<1x128xf32, #tpu.memory_space<smem>>
    %broadcast_in_dim3A_302 = vector.broadcast %get3A_301 : f32 to vector<128000xf32>
    %get3A_303 = arith.constant 0 : index
    %get3A_304 = arith.constant 41 : index
    %get3A_305 = memref.load %arg1[%get3A_303, %get3A_304] : memref<1x128xf32, #tpu.memory_space<smem>>
    %broadcast_in_dim3A_306 = vector.broadcast %get3A_305 : f32 to vector<128000xf32>
    %select_n3A_307 = arith.select %eq3A_21, %broadcast_in_dim3A_306, %broadcast_in_dim3A_302 : vector<128000xi1>, vector<128000xf32>
    %get3A_308 = arith.constant 0 : index
    %get3A_309 = arith.constant 42 : index
    %get3A_310 = memref.load %arg1[%get3A_308, %get3A_309] : memref<1x128xf32, #tpu.memory_space<smem>>
    %broadcast_in_dim3A_311 = vector.broadcast %get3A_310 : f32 to vector<128000xf32>
    %select_n3A_312 = arith.select %eq3A_24, %broadcast_in_dim3A_311, %select_n3A_307 : vector<128000xi1>, vector<128000xf32>
    %get3A_313 = arith.constant 0 : index
    %get3A_314 = arith.constant 43 : index
    %get3A_315 = memref.load %arg1[%get3A_313, %get3A_314] : memref<1x128xf32, #tpu.memory_space<smem>>
    %broadcast_in_dim3A_316 = vector.broadcast %get3A_315 : f32 to vector<128000xf32>
    %select_n3A_317 = arith.select %eq3A_27, %broadcast_in_dim3A_316, %select_n3A_312 : vector<128000xi1>, vector<128000xf32>
    %get3A_318 = arith.constant 0 : index
    %get3A_319 = arith.constant 44 : index
    %get3A_320 = memref.load %arg1[%get3A_318, %get3A_319] : memref<1x128xf32, #tpu.memory_space<smem>>
    %broadcast_in_dim3A_321 = vector.broadcast %get3A_320 : f32 to vector<128000xf32>
    %select_n3A_322 = arith.select %eq3A_30, %broadcast_in_dim3A_321, %select_n3A_317 : vector<128000xi1>, vector<128000xf32>
    %get3A_323 = arith.constant 0 : index
    %get3A_324 = arith.constant 45 : index
    %get3A_325 = memref.load %arg1[%get3A_323, %get3A_324] : memref<1x128xf32, #tpu.memory_space<smem>>
    %broadcast_in_dim3A_326 = vector.broadcast %get3A_325 : f32 to vector<128000xf32>
    %select_n3A_327 = arith.select %eq3A_33, %broadcast_in_dim3A_326, %select_n3A_322 : vector<128000xi1>, vector<128000xf32>
    %get3A_328 = arith.constant 0 : index
    %get3A_329 = arith.constant 46 : index
    %get3A_330 = memref.load %arg1[%get3A_328, %get3A_329] : memref<1x128xf32, #tpu.memory_space<smem>>
    %broadcast_in_dim3A_331 = vector.broadcast %get3A_330 : f32 to vector<128000xf32>
    %select_n3A_332 = arith.select %eq3A_36, %broadcast_in_dim3A_331, %select_n3A_327 : vector<128000xi1>, vector<128000xf32>
    %get3A_333 = arith.constant 0 : index
    %get3A_334 = arith.constant 47 : index
    %get3A_335 = memref.load %arg1[%get3A_333, %get3A_334] : memref<1x128xf32, #tpu.memory_space<smem>>
    %broadcast_in_dim3A_336 = vector.broadcast %get3A_335 : f32 to vector<128000xf32>
    %select_n3A_337 = arith.select %eq3A_39, %broadcast_in_dim3A_336, %select_n3A_332 : vector<128000xi1>, vector<128000xf32>
    %get3A_338 = arith.constant 0 : index
    %get3A_339 = arith.constant 69 : index
    %get3A_340 = memref.load %arg1[%get3A_338, %get3A_339] : memref<1x128xf32, #tpu.memory_space<smem>>
    %mul3A_341 = vector.broadcast %get3A_340 : f32 to vector<128000xf32>
    %mul3A_342 = arith.mulf %mul3A_341, %div3A_19 : vector<128000xf32>
    %add3A_343 = arith.addf %select_n3A_337, %mul3A_342 : vector<128000xf32>
    %get3A_344 = arith.constant 0 : index
    %get3A_345 = vector.load %arg12[%get3A_344] : memref<128000xf32, #tpu.memory_space<vmem>>, vector<128000xf32>
    %add3A_346 = arith.addf %add3A_343, %get3A_345 : vector<128000xf32>
    %gt3A_347 = arith.cmpf ogt, %add3A_346, %select_n3A_295 : vector<128000xf32>
    %select_n3A_348 = arith.select %gt3A_347, %add3A_346, %select_n3A_295 : vector<128000xi1>, vector<128000xf32>
    %jit3A_349 = arith.constant 5 : i32
    %broadcast_in_dim3A_350 = vector.broadcast %jit3A_349 : i32 to vector<128000xi32>
    %select_n3A_351 = arith.select %gt3A_347, %broadcast_in_dim3A_350, %select_n3A_298 : vector<128000xi1>, vector<128000xi32>
    %get3A_352 = arith.constant 0 : index
    %get3A_353 = arith.constant 48 : index
    %get3A_354 = memref.load %arg1[%get3A_352, %get3A_353] : memref<1x128xf32, #tpu.memory_space<smem>>
    %broadcast_in_dim3A_355 = vector.broadcast %get3A_354 : f32 to vector<128000xf32>
    %get3A_356 = arith.constant 0 : index
    %get3A_357 = arith.constant 49 : index
    %get3A_358 = memref.load %arg1[%get3A_356, %get3A_357] : memref<1x128xf32, #tpu.memory_space<smem>>
    %broadcast_in_dim3A_359 = vector.broadcast %get3A_358 : f32 to vector<128000xf32>
    %select_n3A_360 = arith.select %eq3A_21, %broadcast_in_dim3A_359, %broadcast_in_dim3A_355 : vector<128000xi1>, vector<128000xf32>
    %get3A_361 = arith.constant 0 : index
    %get3A_362 = arith.constant 50 : index
    %get3A_363 = memref.load %arg1[%get3A_361, %get3A_362] : memref<1x128xf32, #tpu.memory_space<smem>>
    %broadcast_in_dim3A_364 = vector.broadcast %get3A_363 : f32 to vector<128000xf32>
    %select_n3A_365 = arith.select %eq3A_24, %broadcast_in_dim3A_364, %select_n3A_360 : vector<128000xi1>, vector<128000xf32>
    %get3A_366 = arith.constant 0 : index
    %get3A_367 = arith.constant 51 : index
    %get3A_368 = memref.load %arg1[%get3A_366, %get3A_367] : memref<1x128xf32, #tpu.memory_space<smem>>
    %broadcast_in_dim3A_369 = vector.broadcast %get3A_368 : f32 to vector<128000xf32>
    %select_n3A_370 = arith.select %eq3A_27, %broadcast_in_dim3A_369, %select_n3A_365 : vector<128000xi1>, vector<128000xf32>
    %get3A_371 = arith.constant 0 : index
    %get3A_372 = arith.constant 52 : index
    %get3A_373 = memref.load %arg1[%get3A_371, %get3A_372] : memref<1x128xf32, #tpu.memory_space<smem>>
    %broadcast_in_dim3A_374 = vector.broadcast %get3A_373 : f32 to vector<128000xf32>
    %select_n3A_375 = arith.select %eq3A_30, %broadcast_in_dim3A_374, %select_n3A_370 : vector<128000xi1>, vector<128000xf32>
    %get3A_376 = arith.constant 0 : index
    %get3A_377 = arith.constant 53 : index
    %get3A_378 = memref.load %arg1[%get3A_376, %get3A_377] : memref<1x128xf32, #tpu.memory_space<smem>>
    %broadcast_in_dim3A_379 = vector.broadcast %get3A_378 : f32 to vector<128000xf32>
    %select_n3A_380 = arith.select %eq3A_33, %broadcast_in_dim3A_379, %select_n3A_375 : vector<128000xi1>, vector<128000xf32>
    %get3A_381 = arith.constant 0 : index
    %get3A_382 = arith.constant 54 : index
    %get3A_383 = memref.load %arg1[%get3A_381, %get3A_382] : memref<1x128xf32, #tpu.memory_space<smem>>
    %broadcast_in_dim3A_384 = vector.broadcast %get3A_383 : f32 to vector<128000xf32>
    %select_n3A_385 = arith.select %eq3A_36, %broadcast_in_dim3A_384, %select_n3A_380 : vector<128000xi1>, vector<128000xf32>
    %get3A_386 = arith.constant 0 : index
    %get3A_387 = arith.constant 55 : index
    %get3A_388 = memref.load %arg1[%get3A_386, %get3A_387] : memref<1x128xf32, #tpu.memory_space<smem>>
    %broadcast_in_dim3A_389 = vector.broadcast %get3A_388 : f32 to vector<128000xf32>
    %select_n3A_390 = arith.select %eq3A_39, %broadcast_in_dim3A_389, %select_n3A_385 : vector<128000xi1>, vector<128000xf32>
    %get3A_391 = arith.constant 0 : index
    %get3A_392 = arith.constant 70 : index
    %get3A_393 = memref.load %arg1[%get3A_391, %get3A_392] : memref<1x128xf32, #tpu.memory_space<smem>>
    %mul3A_394 = vector.broadcast %get3A_393 : f32 to vector<128000xf32>
    %mul3A_395 = arith.mulf %mul3A_394, %div3A_19 : vector<128000xf32>
    %add3A_396 = arith.addf %select_n3A_390, %mul3A_395 : vector<128000xf32>
    %get3A_397 = arith.constant 0 : index
    %get3A_398 = vector.load %arg13[%get3A_397] : memref<128000xf32, #tpu.memory_space<vmem>>, vector<128000xf32>
    %add3A_399 = arith.addf %add3A_396, %get3A_398 : vector<128000xf32>
    %gt3A_400 = arith.cmpf ogt, %add3A_399, %select_n3A_348 : vector<128000xf32>
    %select_n3A_401 = arith.select %gt3A_400, %add3A_399, %select_n3A_348 : vector<128000xi1>, vector<128000xf32>
    %jit3A_402 = arith.constant 6 : i32
    %broadcast_in_dim3A_403 = vector.broadcast %jit3A_402 : i32 to vector<128000xi32>
    %select_n3A_404 = arith.select %gt3A_400, %broadcast_in_dim3A_403, %select_n3A_351 : vector<128000xi1>, vector<128000xi32>
    %get3A_405 = arith.constant 0 : index
    %get3A_406 = arith.constant 56 : index
    %get3A_407 = memref.load %arg1[%get3A_405, %get3A_406] : memref<1x128xf32, #tpu.memory_space<smem>>
    %broadcast_in_dim3A_408 = vector.broadcast %get3A_407 : f32 to vector<128000xf32>
    %get3A_409 = arith.constant 0 : index
    %get3A_410 = arith.constant 57 : index
    %get3A_411 = memref.load %arg1[%get3A_409, %get3A_410] : memref<1x128xf32, #tpu.memory_space<smem>>
    %broadcast_in_dim3A_412 = vector.broadcast %get3A_411 : f32 to vector<128000xf32>
    %select_n3A_413 = arith.select %eq3A_21, %broadcast_in_dim3A_412, %broadcast_in_dim3A_408 : vector<128000xi1>, vector<128000xf32>
    %get3A_414 = arith.constant 0 : index
    %get3A_415 = arith.constant 58 : index
    %get3A_416 = memref.load %arg1[%get3A_414, %get3A_415] : memref<1x128xf32, #tpu.memory_space<smem>>
    %broadcast_in_dim3A_417 = vector.broadcast %get3A_416 : f32 to vector<128000xf32>
    %select_n3A_418 = arith.select %eq3A_24, %broadcast_in_dim3A_417, %select_n3A_413 : vector<128000xi1>, vector<128000xf32>
    %get3A_419 = arith.constant 0 : index
    %get3A_420 = arith.constant 59 : index
    %get3A_421 = memref.load %arg1[%get3A_419, %get3A_420] : memref<1x128xf32, #tpu.memory_space<smem>>
    %broadcast_in_dim3A_422 = vector.broadcast %get3A_421 : f32 to vector<128000xf32>
    %select_n3A_423 = arith.select %eq3A_27, %broadcast_in_dim3A_422, %select_n3A_418 : vector<128000xi1>, vector<128000xf32>
    %get3A_424 = arith.constant 0 : index
    %get3A_425 = arith.constant 60 : index
    %get3A_426 = memref.load %arg1[%get3A_424, %get3A_425] : memref<1x128xf32, #tpu.memory_space<smem>>
    %broadcast_in_dim3A_427 = vector.broadcast %get3A_426 : f32 to vector<128000xf32>
    %select_n3A_428 = arith.select %eq3A_30, %broadcast_in_dim3A_427, %select_n3A_423 : vector<128000xi1>, vector<128000xf32>
    %get3A_429 = arith.constant 0 : index
    %get3A_430 = arith.constant 61 : index
    %get3A_431 = memref.load %arg1[%get3A_429, %get3A_430] : memref<1x128xf32, #tpu.memory_space<smem>>
    %broadcast_in_dim3A_432 = vector.broadcast %get3A_431 : f32 to vector<128000xf32>
    %select_n3A_433 = arith.select %eq3A_33, %broadcast_in_dim3A_432, %select_n3A_428 : vector<128000xi1>, vector<128000xf32>
    %get3A_434 = arith.constant 0 : index
    %get3A_435 = arith.constant 62 : index
    %get3A_436 = memref.load %arg1[%get3A_434, %get3A_435] : memref<1x128xf32, #tpu.memory_space<smem>>
    %broadcast_in_dim3A_437 = vector.broadcast %get3A_436 : f32 to vector<128000xf32>
    %select_n3A_438 = arith.select %eq3A_36, %broadcast_in_dim3A_437, %select_n3A_433 : vector<128000xi1>, vector<128000xf32>
    %get3A_439 = arith.constant 0 : index
    %get3A_440 = arith.constant 63 : index
    %get3A_441 = memref.load %arg1[%get3A_439, %get3A_440] : memref<1x128xf32, #tpu.memory_space<smem>>
    %broadcast_in_dim3A_442 = vector.broadcast %get3A_441 : f32 to vector<128000xf32>
    %select_n3A_443 = arith.select %eq3A_39, %broadcast_in_dim3A_442, %select_n3A_438 : vector<128000xi1>, vector<128000xf32>
    %get3A_444 = arith.constant 0 : index
    %get3A_445 = arith.constant 71 : index
    %get3A_446 = memref.load %arg1[%get3A_444, %get3A_445] : memref<1x128xf32, #tpu.memory_space<smem>>
    %mul3A_447 = vector.broadcast %get3A_446 : f32 to vector<128000xf32>
    %mul3A_448 = arith.mulf %mul3A_447, %div3A_19 : vector<128000xf32>
    %add3A_449 = arith.addf %select_n3A_443, %mul3A_448 : vector<128000xf32>
    %get3A_450 = arith.constant 0 : index
    %get3A_451 = vector.load %arg14[%get3A_450] : memref<128000xf32, #tpu.memory_space<vmem>>, vector<128000xf32>
    %add3A_452 = arith.addf %add3A_449, %get3A_451 : vector<128000xf32>
    %gt3A_453 = arith.cmpf ogt, %add3A_452, %select_n3A_401 : vector<128000xf32>
    %jit3A_454 = arith.constant 7 : i32
    %broadcast_in_dim3A_455 = vector.broadcast %jit3A_454 : i32 to vector<128000xi32>
    %select_n3A_456 = arith.select %gt3A_453, %broadcast_in_dim3A_455, %select_n3A_404 : vector<128000xi1>, vector<128000xi32>
    %eq3A_457 = arith.constant 1 : i32
    %eq3A_458 = vector.broadcast %eq3A_457 : i32 to vector<128000xi32>
    %eq3A_459 = arith.cmpi eq, %select_n3A_456, %eq3A_458 : vector<128000xi32>
    %eq3A_460 = arith.constant 2 : i32
    %eq3A_461 = vector.broadcast %eq3A_460 : i32 to vector<128000xi32>
    %eq3A_462 = arith.cmpi eq, %select_n3A_456, %eq3A_461 : vector<128000xi32>
    %eq3A_463 = arith.constant 3 : i32
    %eq3A_464 = vector.broadcast %eq3A_463 : i32 to vector<128000xi32>
    %eq3A_465 = arith.cmpi eq, %select_n3A_456, %eq3A_464 : vector<128000xi32>
    %eq3A_466 = arith.constant 4 : i32
    %eq3A_467 = vector.broadcast %eq3A_466 : i32 to vector<128000xi32>
    %eq3A_468 = arith.cmpi eq, %select_n3A_456, %eq3A_467 : vector<128000xi32>
    %eq3A_469 = arith.constant 5 : i32
    %eq3A_470 = vector.broadcast %eq3A_469 : i32 to vector<128000xi32>
    %eq3A_471 = arith.cmpi eq, %select_n3A_456, %eq3A_470 : vector<128000xi32>
    %eq3A_472 = arith.constant 6 : i32
    %eq3A_473 = vector.broadcast %eq3A_472 : i32 to vector<128000xi32>
    %eq3A_474 = arith.cmpi eq, %select_n3A_456, %eq3A_473 : vector<128000xi32>
    %eq3A_475 = arith.constant 7 : i32
    %eq3A_476 = vector.broadcast %eq3A_475 : i32 to vector<128000xi32>
    %eq3A_477 = arith.cmpi eq, %select_n3A_456, %eq3A_476 : vector<128000xi32>
    %get3A_478 = arith.constant 0 : index
    %get3A_479 = arith.constant 72 : index
    %get3A_480 = memref.load %arg1[%get3A_478, %get3A_479] : memref<1x128xf32, #tpu.memory_space<smem>>
    %broadcast_in_dim3A_481 = vector.broadcast %get3A_480 : f32 to vector<128000xf32>
    %get3A_482 = arith.constant 0 : index
    %get3A_483 = arith.constant 73 : index
    %get3A_484 = memref.load %arg1[%get3A_482, %get3A_483] : memref<1x128xf32, #tpu.memory_space<smem>>
    %broadcast_in_dim3A_485 = vector.broadcast %get3A_484 : f32 to vector<128000xf32>
    %select_n3A_486 = arith.select %eq3A_459, %broadcast_in_dim3A_485, %broadcast_in_dim3A_481 : vector<128000xi1>, vector<128000xf32>
    %get3A_487 = arith.constant 0 : index
    %get3A_488 = arith.constant 74 : index
    %get3A_489 = memref.load %arg1[%get3A_487, %get3A_488] : memref<1x128xf32, #tpu.memory_space<smem>>
    %broadcast_in_dim3A_490 = vector.broadcast %get3A_489 : f32 to vector<128000xf32>
    %select_n3A_491 = arith.select %eq3A_462, %broadcast_in_dim3A_490, %select_n3A_486 : vector<128000xi1>, vector<128000xf32>
    %get3A_492 = arith.constant 0 : index
    %get3A_493 = arith.constant 75 : index
    %get3A_494 = memref.load %arg1[%get3A_492, %get3A_493] : memref<1x128xf32, #tpu.memory_space<smem>>
    %broadcast_in_dim3A_495 = vector.broadcast %get3A_494 : f32 to vector<128000xf32>
    %select_n3A_496 = arith.select %eq3A_465, %broadcast_in_dim3A_495, %select_n3A_491 : vector<128000xi1>, vector<128000xf32>
    %get3A_497 = arith.constant 0 : index
    %get3A_498 = arith.constant 76 : index
    %get3A_499 = memref.load %arg1[%get3A_497, %get3A_498] : memref<1x128xf32, #tpu.memory_space<smem>>
    %broadcast_in_dim3A_500 = vector.broadcast %get3A_499 : f32 to vector<128000xf32>
    %select_n3A_501 = arith.select %eq3A_468, %broadcast_in_dim3A_500, %select_n3A_496 : vector<128000xi1>, vector<128000xf32>
    %get3A_502 = arith.constant 0 : index
    %get3A_503 = arith.constant 77 : index
    %get3A_504 = memref.load %arg1[%get3A_502, %get3A_503] : memref<1x128xf32, #tpu.memory_space<smem>>
    %broadcast_in_dim3A_505 = vector.broadcast %get3A_504 : f32 to vector<128000xf32>
    %select_n3A_506 = arith.select %eq3A_471, %broadcast_in_dim3A_505, %select_n3A_501 : vector<128000xi1>, vector<128000xf32>
    %get3A_507 = arith.constant 0 : index
    %get3A_508 = arith.constant 78 : index
    %get3A_509 = memref.load %arg1[%get3A_507, %get3A_508] : memref<1x128xf32, #tpu.memory_space<smem>>
    %broadcast_in_dim3A_510 = vector.broadcast %get3A_509 : f32 to vector<128000xf32>
    %select_n3A_511 = arith.select %eq3A_474, %broadcast_in_dim3A_510, %select_n3A_506 : vector<128000xi1>, vector<128000xf32>
    %get3A_512 = arith.constant 0 : index
    %get3A_513 = arith.constant 79 : index
    %get3A_514 = memref.load %arg1[%get3A_512, %get3A_513] : memref<1x128xf32, #tpu.memory_space<smem>>
    %broadcast_in_dim3A_515 = vector.broadcast %get3A_514 : f32 to vector<128000xf32>
    %select_n3A_516 = arith.select %eq3A_477, %broadcast_in_dim3A_515, %select_n3A_511 : vector<128000xi1>, vector<128000xf32>
    %mul3A_517 = arith.constant 0.00999999977 : f32
    %mul3A_518 = vector.broadcast %mul3A_517 : f32 to vector<128000xf32>
    %mul3A_519 = arith.mulf %mul3A_518, %convert_element_type3A : vector<128000xf32>
    %add3A_520 = arith.constant 1.000000e+00 : f32
    %add3A_521 = vector.broadcast %add3A_520 : f32 to vector<128000xf32>
    %add3A_522 = arith.addf %add3A_521, %mul3A_519 : vector<128000xf32>
    %mul3A_523 = arith.mulf %select_n3A_516, %add3A_522 : vector<128000xf32>
    %add3A_524 = vector.broadcast %get3A_1 : f32 to vector<128000xf32>
    %add3A_525 = arith.addf %add3A_524, %mul3A_523 : vector<128000xf32>
    %swap3A = arith.constant 0 : index
    %swap3A_526 = vector.load %arg15[%swap3A] : memref<128000xi32, #tpu.memory_space<vmem>>, vector<128000xi32>
    tpu.vector_store %arg15[%swap3A], %select_n3A_15 {strides = array<i32>} : memref<128000xi32, #tpu.memory_space<vmem>>, vector<128000xi32>,
    %select_n3A_527 = arith.select %le3A_12, %select_n3A_456, %select_n3A : vector<128000xi1>, vector<128000xi32>
    %swap3A_528 = arith.constant 0 : index
    %swap3A_529 = vector.load %arg16[%swap3A_528] : memref<128000xi32, #tpu.memory_space<vmem>>, vector<128000xi32>
    tpu.vector_store %arg16[%swap3A_528], %select_n3A_527 {strides = array<i32>} : memref<128000xi32, #tpu.memory_space<vmem>>, vector<128000xi32>,
    %select_n3A_530 = arith.select %le3A_12, %add3A_525, %select_n3A_11 : vector<128000xi1>, vector<128000xf32>
    %swap3A_531 = arith.constant 0 : index
    %swap3A_532 = vector.load %arg17[%swap3A_531] : memref<128000xf32, #tpu.memory_space<vmem>>, vector<128000xf32>
    tpu.vector_store %arg17[%swap3A_531], %select_n3A_530 {strides = array<i32>} : memref<128000xf32, #tpu.memory_space<vmem>>, vector<128000xf32>,
    return
  }
  func.func @transform_0(%arg0: i32) -> (i32, i32) {
    %c0_i32 = arith.constant 0 : i32
    %c0_i32_0 = arith.constant 0 : i32
    %c0_i32_1 = arith.constant 0 : i32
    return %c0_i32, %c0_i32_0 : i32, i32
  }
  func.func @transform_1(%arg0: i32) -> i32 {
    %c0_i32 = arith.constant 0 : i32
    return %arg0 : i32
  }
  func.func @transform_2(%arg0: i32) -> i32 {
    %c0_i32 = arith.constant 0 : i32
    return %arg0 : i32
  }
  func.func @transform_3(%arg0: i32) -> i32 {
    %c0_i32 = arith.constant 0 : i32
    return %arg0 : i32
  }
  func.func @transform_4(%arg0: i32) -> i32 {
    %c0_i32 = arith.constant 0 : i32
    return %arg0 : i32
  }
  func.func @transform_5(%arg0: i32) -> i32 {
    %c0_i32 = arith.constant 0 : i32
    return %arg0 : i32
  }
  func.func @transform_6(%arg0: i32) -> i32 {
    %c0_i32 = arith.constant 0 : i32
    return %arg0 : i32
  }
  func.func @transform_7(%arg0: i32) -> i32 {
    %c0_i32 = arith.constant 0 : i32
    return %arg0 : i32
  }
  func.func @transform_8(%arg0: i32) -> i32 {
    %c0_i32 = arith.constant 0 : i32
    return %arg0 : i32
  }
  func.func @transform_9(%arg0: i32) -> i32 {
    %c0_i32 = arith.constant 0 : i32
    return %arg0 : i32
  }
  func.func @transform_10(%arg0: i32) -> i32 {
    %c0_i32 = arith.constant 0 : i32
    return %arg0 : i32
  }
  func.func @transform_11(%arg0: i32) -> i32 {
    %c0_i32 = arith.constant 0 : i32
    return %arg0 : i32
  }
  func.func @transform_12(%arg0: i32) -> i32 {
    %c0_i32 = arith.constant 0 : i32
    return %arg0 : i32
  }
  func.func @transform_13(%arg0: i32) -> i32 {
    %c0_i32 = arith.constant 0 : i32
    return %arg0 : i32
  }
  func.func @transform_14(%arg0: i32) -> i32 {
    %c0_i32 = arith.constant 0 : i32
    return %arg0 : i32
  }
  func.func @transform_15(%arg0: i32) -> i32 {
    %c0_i32 = arith.constant 0 : i32
    return %arg0 : i32
  }
  func.func @transform_16(%arg0: i32) -> i32 {
    %c0_i32 = arith.constant 0 : i32
    return %arg0 : i32
  }
}

</mosaic_0001>

<sc_bundles>
// kernel: _run.4.cloned.1.call-start
scs
__scs_entry_jumppad:
0x0: {  	(pc) =	sbr.rel $0x88, $3  }
0x1: {  	(tag) =	ssettag $0x0;
	lr =	simm.s32 $0x1  }
0x2: {  	[smem:$0x3F9A] =	sst lr;
	_ =	strace $0xD0000000  }
0x3: {  	_ = 	snop  }
0x4: {  	_ = 	snop  }
0x5: {  	_ = 	snop  }
0x6: {  	_ = 	snop  }
0x7: {  	_ = 	snop  }
__scs_overlays_trampoline_lowered:
0x8: {  	[smem:$0x3FA9] =	sst s0  }
0x9: {  	[smem:$0x3FAA] =	sst s1  }
0xa: {  	[smem:$0x3FAB] =	sst s2  }
0xb: {  	[smem:$0x3FAC] =	sst s3  }
0xc: {  	[smem:$0x3FAD] =	sst s4  }
0xd: {  	[smem:$0x3FAE] =	sst s5  }
0xe: {  	[smem:$0x3FAF] =	sst s6  }
0xf: {  	[smem:$0x3FB0] =	sst s7  }
0x10: {  	[smem:$0x3FB1] =	sst s8  }
0x11: {  	[smem:$0x3FB2] =	sst s9;
	s0 =	simm.s32 @!p0 $0x0  }
0x12: {  	s1 =	sld [smem:$0x3F98];
	s0 =	simm.s32 @p0 $0x1  }
0x13: {  	[smem:$0x3FB3] =	sst s0;
	s0 =	simm.s32 @!p1 $0x0  }
0x14: {  	s2 =	sld [smem:$0x3F97];
	s0 =	simm.s32 @p1 $0x1  }
0x15: {  	[smem:$0x3FB4] =	sst s0;
	s0 =	simm.s32 @!p2 $0x0  }
0x16: {  	s3 =	sld [smem:$0x3FDB];
	s0 =	simm.s32 @p2 $0x1  }
0x17: {  	s4 =	simm.s32 $0x1BF5;
	[smem:$0x3FB6] =	sst s0  }
0x18: {  	s0 =	sld [smem:$0x3F99];
	_ =	swait.ge [sflag:s4], $0x0  }
0x19: {  	s7 =	sld [smem:$0x3F9A]  }
0x1a: {  	s8 =	sadd.s32 $0xFFFFE003, lr  }
0x1b: {  	s9 =	sadd.s32 $0xFFFFFEF7, lr;
	s5 =	simm.s32 $0xFFFFFFFF;
	p2 =	slt.u32 s8, $0xFFFFF086  }
0x1c: {  	p1 =	slt.u32 s9, $0xF7A;
	s5 =	simm.s32 @!p2 $0x0  }
0x1d: {  	s5 =	simm.s32 @p1 $0x1;
	p0 =	seq.s32 s7, s2  }
0x1e: {  	s7 =	smul.u32 @!p0 $0xF7A, s2;
	p2 =	seq.s32 @!p0 s5, $0x0  }
0x1f: {  	s9 =	smul.u32 $0xF7A, s1;
	s8 =	simm.s32 @!p0 $0x1BF5;
	p2 =	por !p2, p0  }
0x20: {  	[sflag:s8] =	ssyncset.s32 @!p0 $0xFFFFF086;
	s6 =	sadd.s32 @!p0 s3, s7;
	s7 =	simm.s32 @!p0 $0x108  }
0x21: {  	s3 =	sadd.s32 s3, s9;
	s6 =	sadd.s32 @!p0 $0x88, s6;
	s7 =	simm.s32 @p2 $0x1082  }
0x22: {  	[simem:s7], [sflag:s8] =	dma.local @!p0 [hbm:s6], $0xF7A  }
0x23: {  	s9 =	sor.u32 $0xD0000000, s2;
	s6 =	simm.s32 $0x108;
	_ =	swait.ge @!p0 [sflag:s8], $0x0  }
0x24: {  	s3 =	sadd.s32 $0x88, s3;
	s6 =	simm.s32 @!p1 $0x1082;
	[sflag:s4] =	ssyncset.s32 $0xFFFFF086  }
0x25: {  	[simem:s6], [sflag:s4] =	dma.local [hbm:s3], $0xF7A  }
0x26: {  	[smem:$0x3F9A] =	sst s1;
	(tag) =	ssettag s2;
	_ =	strace s9  }
0x27: {  	s1 =	sld [smem:$0x3FAA]  }
0x28: {  	s2 =	sld [smem:$0x3FAB]  }
0x29: {  	s4 =	sld [smem:$0x3FAD]  }
0x2a: {  	p0 =	seq.s32 s5, $0x0;
	s5 =	sld [smem:$0x3FAE]  }
0x2b: {  	s6 =	sld [smem:$0x3FAF]  }
0x2c: {  	s7 =	sld [smem:$0x3FB0]  }
0x2d: {  	s3 =	simm.s32 $0x108;
	s8 =	sld [smem:$0x3FB1]  }
0x2e: {  	s3 =	simm.s32 @!p0 $0x1082;
	s9 =	sld [smem:$0x3FB2]  }
0x2f: {  	lr =	sadd.s32 s0, s3;
	s0 =	sld [smem:$0x3FA9]  }
0x30: {  	s3 =	sld [smem:$0x3FAC]  }
0x31: {  	[smem:$0x3FB5] =	sst s10  }
0x32: {  	s10 =	sld [smem:$0x3FB3];
	_ =	sdelay $0x3  }
0x33: {  	p0 =	seq.s32 s10, $0x1;
	s10 =	sld [smem:$0x3FB5];
	_ =	sdelay $0x3  }
0x34: {  	[smem:$0x3FB5] =	sst s10  }
0x35: {  	s10 =	sld [smem:$0x3FB4];
	_ =	sdelay $0x3  }
0x36: {  	p1 =	seq.s32 s10, $0x1;
	s10 =	sld [smem:$0x3FB5];
	_ =	sdelay $0x3  }
0x37: {  	[smem:$0x3FB5] =	sst s10  }
0x38: {  	s10 =	sld [smem:$0x3FB6]  }
0x39: {  	_ = 	snop;
	(pc) =	sbr.ind lr, $3  }
0x3a: {  	_ = 	snop  }
0x3b: {  	_ = 	snop  }
0x3c: {  	p2 =	seq.s32 s10, $0x1;
	s10 =	sld [smem:$0x3FB5]  }
0x3d: {  	_ =	shalt  }
0x3e: {  	_ =	shalt  }
0x3f: {  	_ =	shalt  }
0x40: {  	_ =	shalt  }
0x41: {  	_ =	shalt  }
0x42: {  	_ =	shalt  }
0x43: {  	_ =	shalt  }
0x44: {  	_ =	shalt  }
0x45: {  	_ =	shalt  }
0x46: {  	_ =	shalt  }
0x47: {  	_ =	shalt  }
0x48: {  	_ =	shalt  }
0x49: {  	_ =	shalt  }
0x4a: {  	_ =	shalt  }
0x4b: {  	_ =	shalt  }
0x4c: {  	_ =	shalt  }
0x4d: {  	_ =	shalt  }
0x4e: {  	_ =	shalt  }
0x4f: {  	_ =	shalt  }
0x50: {  	_ =	shalt  }
0x51: {  	_ =	shalt  }
0x52: {  	_ =	shalt  }
0x53: {  	_ =	shalt  }
0x54: {  	_ =	shalt  }
0x55: {  	_ =	shalt  }
0x56: {  	_ =	shalt  }
0x57: {  	_ =	shalt  }
0x58: {  	_ =	shalt  }
0x59: {  	_ =	shalt  }
0x5a: {  	_ =	shalt  }
0x5b: {  	_ =	shalt  }
0x5c: {  	_ =	shalt  }
0x5d: {  	_ =	shalt  }
0x5e: {  	_ =	shalt  }
0x5f: {  	_ =	shalt  }
0x60: {  	_ =	shalt  }
0x61: {  	_ =	shalt  }
0x62: {  	_ =	shalt  }
0x63: {  	_ =	shalt  }
0x64: {  	_ =	shalt  }
0x65: {  	_ =	shalt  }
0x66: {  	_ =	shalt  }
0x67: {  	_ =	shalt  }
0x68: {  	_ =	shalt  }
0x69: {  	_ =	shalt  }
0x6a: {  	_ =	shalt  }
0x6b: {  	_ =	shalt  }
0x6c: {  	_ =	shalt  }
0x6d: {  	_ =	shalt  }
0x6e: {  	_ =	shalt  }
0x6f: {  	_ =	shalt  }
0x70: {  	_ =	shalt  }
0x71: {  	_ =	shalt  }
0x72: {  	_ =	shalt  }
0x73: {  	_ =	shalt  }
0x74: {  	_ =	shalt  }
0x75: {  	_ =	shalt  }
0x76: {  	_ =	shalt  }
0x77: {  	_ =	shalt  }
0x78: {  	_ =	shalt  }
0x79: {  	_ =	shalt  }
0x7a: {  	_ =	shalt  }
0x7b: {  	_ =	shalt  }
0x7c: {  	_ =	shalt  }
0x7d: {  	_ =	shalt  }
0x7e: {  	_ =	shalt  }
0x7f: {  	_ =	shalt  }
0x80: {  	_ =	shalt  }
0x81: {  	_ =	shalt  }
0x82: {  	_ =	shalt  }
0x83: {  	_ =	shalt  }
0x84: {  	_ =	shalt  }
0x85: {  	_ =	shalt  }
0x86: {  	_ =	shalt  }
0x87: {  	_ =	shalt  }
.Lfunc_end0:
.L_simem_size_0:
called_computation_lowered:
.L_overlay_start_0:
0x88: {  	s2 =	sld [smem:$0x3FD9]  }
0x89: {  	s3 =	sld [smem:$0x3FFE];
	_ =	sdelay $0x1  }
0x8a: {  	s1 =	srdreg.scid  }
0x8b: {  	s0 =	sand.u32 $0x1, s1  }
0x8c: {  	s17 =	sshll.u32 s0, $0xA;
	s2 =	sadd.s32 s3, s2  }
0x8d: {  	s2 =	sadd.s32 s2, s17  }
0x8e: {  	[smem:$0x3FC1] =	sst s2  }
0x8f: {  	_ = 	snop  }
0x90: {  	s2 =	sld [smem:$0x3FC9]  }
0x91: {  	s18 =	sld [smem:$0x3FC8]  }
0x92: {  	s4 =	sld [smem:$0x3FC7]  }
0x93: {  	s5 =	sld [smem:$0x3FC6]  }
0x94: {  	s6 =	sld [smem:$0x3FC5]  }
0x95: {  	s7 =	sld [smem:$0x3FC4];
	(tm) =	ssettm $0x1  }
0x96: {  	s8 =	sld [smem:$0x3FFB];
	_ =	sdelay $0x3  }
0x97: {  	_ =	strace s8  }
0x98: {  	s8 =	sld [smem:$0x3FFC];
	_ =	sdelay $0x3  }
0x99: {  	_ =	strace s8  }
0x9a: {  	s8 =	sld [smem:$0x3FFD];
	_ =	sdelay $0x3  }
0x9b: {  	_ =	strace s8  }
0x9c: {  	_ =	strace $0x8FFFFFFF  }
0x9d: {  	s19 =	sld [smem:$0x3FDB];
	_ =	sdelay $0x1  }
0x9e: {  	s9 =	simm.s32 $_scs_section_size  }
0x9f: {  	s10 =	simm.s32 $_size__tile_overlayer_lowered;
	s11 =	simm.s32 $_tile_overlayer_lowered  }
0xa0: {  	s22 =	simm.s32 $0x1BFF;
	s21 =	sshll.u32 s11, $0x1;
	s8 =	sadd.s32 s9, s19  }
0xa1: {  	s12 =	simm.s32 $0x0;
	s20 =	sshll.u32 s10, $0x1;
	s10 =	sadd.s32 s21, s8  }
0xa2: {  	[timem:s12], [sflag:s22] =	dma.local [hbm:s10], s20  }
0xa3: {  	_ =	swait.ge [sflag:s22], s20  }
0xa4: {  	s9 =	ssub.s32 $0x0, s20;
	[sflag:s22] =	ssyncset.done $0x0  }
0xa5: {  	[sflag:s22] =	ssyncadd.s32 s9;
	_ =	sdelay $0x1  }
0xa6: {  	s23 =	simm.s32 $0x1B8B  }
0xa7: {  	_ =	swait.ge [sflag:s23], $0x1  }
0xa8: {  	[sflag:s23] =	ssyncset.done $0x0  }
0xa9: {  	s25 =	simm.s32 $0x1B8E;
	s24 =	sld [smem:$0x3FFE];
	[sflag:s23] =	ssyncadd.s32 $0xFFFFFFFF  }
0xaa: {  	s26 =	simm.s32 $execute0_lowered;
	[smem:$0x3FD2] =	sst s25  }
0xab: {  	s10 =	sshll.u32 s26, $0x1;
	_ =	strace $0x80000046;
	[dreg:$0x1] =	wrdreg $0xFFFFFFFF  }
0xac: {  	s28 =	simm.s32 $_size_execute0_lowered;
	s8 =	sadd.s32 s8, s10;
	[dreg:$0x0] =	wrdreg $0x0  }
0xad: {  	s10 =	sshll.u32 s28, $0x1;
	[dreg:$0x2] =	wrdreg s8  }
0xae: {  	[dreg:$0x3] =	wrdreg s10  }
0xaf: {  	[dreg:$0x4] =	wrdreg $0xC0  }
0xb0: {  	_ =	task [dreg:s12], $0x5FFFF  }
0xb1: {  	[dreg:$0x1] =	wrdreg $0xFFFFFFFF  }
0xb2: {  	[dreg:$0x0] =	wrdreg $0x60  }
0xb3: {  	[dreg:$0x2] =	wrdreg s2  }
0xb4: {  	[dreg:$0x3] =	wrdreg s18  }
0xb5: {  	[dreg:$0x4] =	wrdreg s4  }
0xb6: {  	[dreg:$0x5] =	wrdreg s5  }
0xb7: {  	[dreg:$0x6] =	wrdreg s6  }
0xb8: {  	[dreg:$0x7] =	wrdreg s24  }
0xb9: {  	[dreg:$0x8] =	wrdreg s7  }
0xba: {  	[dreg:$0x9] =	wrdreg $0x9  }
0xbb: {  	_ =	task.clear_ibuf [dreg:s12], $0xAFFFF;
	_ =	strace $0x90000046  }
0xbc: {  	s29 =	simm.s32 $0x9;
	_ =	strace $0x80000048  }
0xbd: {  	_ =	swait.ge [sflag:s29], $0x1  }
0xbe: {  	[sflag:s29] =	ssyncadd.s32 $0xFFFFFFFF  }
0xbf: {  	_ =	strace $0x90000048  }
0xc0: {  	_ =	sfence  }
0xc1: {  	s30 =	sld [smem:$0x0];
	_ =	sdelay $0x2  }
0xc2: {  	s31 =	sshll.u32 s1, $0xD;
	s1 =	sshrl.u32 s1, $0x2  }
0xc3: {  	s3 =	sand.u32 $0x4000, s31;
	s1 =	sadd.s32 s1, s30  }
0xc4: {  	s0 =	sor.u32 s3, s0;
	s1 =	sshll.u32 s1, $0x11  }
0xc5: {  	s0 =	sor.u32 s1, s0  }
0xc6: {  	s0 =	sadd.s32 $0x8F2B, s0  }
0xc7: {  	[sflag:s0] =	ssyncadd.remote.s32 $0x1  }
0xc8: {  	_ =	sfence.sel $0xFFFF  }
0xc9: {  	[dreg:$0x0] =	wrdreg $0xFFFFFFFF;
	(pc) =	sbr.abs _section_cstart, $3  }
0xca: {  	[dreg:$0x1] =	wrdreg $0xFFFFFFFF  }
0xcb: {  	_ =	task.clear_ibuf [dreg:s12], $0x2FFFF;
	_ =	strace $0x9FFFFFFF  }
0xcc: {  	(tm) =	ssettm $0x7FFFFFFF  }
0xcd: {  	_ =	shalt  }
tec
execute0_lowered:
.L_overlay_start_1:
0x0: {  	(tag) =	ssettag $0x1  }
0x1: {  	s15 =	rddreg [dreg:$0x0]  }
0x2: {  	s16 =	rddreg [dreg:$0x1]  }
0x3: {  	s17 =	rddreg [dreg:$0x2]  }
0x4: {  	s19 =	rddreg [dreg:$0x3]  }
0x5: {  	s20 =	rddreg [dreg:$0x4]  }
0x6: {  	s0 =	rddreg [dreg:$0x5]  }
0x7: {  	s3 =	srdreg.scid;
	s18 =	stileid.u32  }
0x8: {  	s8 =	simm.s32 $0x0;
	s22 =	simm.s32 $0xFD00;
	s30 =	simm.s32 $0x1  }
0x9: {  	s31 =	simm.s32 $0x3;
	s24 =	simm.s32 $0xFD98;
	s25 =	simm.s32 $0xFDA0  }
0xa: {  	s28 =	simm.s32 $0xFDB0;
	s29 =	simm.s32 $0xFDB8;
	s3 =	sand.u32 $0x1, s3  }
0xb: {  	s6 =	sshll.u32 s18, $0x1;
	[smem:$0x7FF] =	sst s8;
	s21 =	sadd.s32 $0x2E00, s0  }
0xc: {  	s11 =	sadd.s32 $0xA5A00, s0;
	s12 =	sadd.s32 $0xB7C00, s0;
	s13 =	sadd.s32 $0x93800, s0  }
0xd: {  	s0 =	sadd.s32 $0x22200, s0;
	p0 =	sgt.u32 s18, $0x3;
	s1 =	sor.u32 s3, s6  }
0xe: {  	_ =	strace $0x80000047;
	s3 =	ssub.s32 $0x2, s3;
	[dreg:$0xe] =	wrdreg s0  }
0xf: {  	s10 =	smov.u32 s1;
	s6 =	smul.u32 $0x7D0, s1;
	s14 =	sshrl.u32 s3, $0x1  }
0x10: {  	s1 =	smov.u32 s15;
	s3 =	ssub.s32 s3, s14;
	s14 =	simm.s32 $0xFDC8  }
0x11: {  	s7 =	sshrl.u32 s6, $0x3;
	s6 =	sadd.s32 s21, s6;
	s26 =	smax.u32 s3, $0x1  }
0x12: {  	s3 =	simm.s32 $0xFD88;
	s7 =	sadd.s32 $0x2AF80, s7;
	[dreg:$0xd] =	wrdreg s6  }
0x13: {  	[dreg:$0xf] =	wrdreg s26;
	s6 =	simm.s32 $0xFD80;
	s2 =	sadd.s32 s15, s7  }
0x14: {  	s26 =	simm.s32 $0xFDA8;
	s4 =	sadd.s32 s16, s7;
	[dreg:$0x8] =	wrdreg s2  }
.Ltmp0:
0x15: {  	s5 =	sadd.s32 s17, s7;
	[dreg:$0x9] =	wrdreg s4;
	(pc) =	sbr.rel .LBB2_1-.Ltmp0, $4  }
0x16: {  	s9 =	sadd.s32 s19, s7;
	s7 =	sadd.s32 s20, s7;
	[dreg:$0xa] =	wrdreg s5  }
0x17: {  	s2 =	smov.u32 s16;
	s4 =	smov.u32 s17;
	[dreg:$0xb] =	wrdreg s9  }
0x18: {  	s5 =	smov.u32 s19;
	s9 =	smov.u32 s20;
	[dreg:$0xc] =	wrdreg s7  }
0x19: {  	v3 =	vimm.s32 $0x0;
	s20 =	smov.u32 s21;
	s7 =	simm.s32 $0xFD90;
	s16 =	simm.s32 $0x0  }
.LBB2_9:
0x1a: {  	_ =	swait.ge [sflag:s31], $0x7D0  }
0x1b: {  	[sflag:s31] =	ssyncset.done $0x0  }
0x1c: {  	[sflag:s31] =	ssyncadd.s32 $0xFFFFF830  }
0x1d: {  	_ =	swait.ge [sflag:s31], $0x7D0  }
0x1e: {  	[sflag:s31] =	ssyncset.done $0x0  }
0x1f: {  	[sflag:s31] =	ssyncadd.s32 $0xFFFFF830  }
0x20: {  	_ =	swait.ge [sflag:s31], $0x7D0  }
0x21: {  	[sflag:s31] =	ssyncset.done $0x0  }
0x22: {  	s0 =	simm.s32 @!p0 $0x4;
	[sflag:s31] =	ssyncadd.s32 $0xFFFFF830  }
0x23: {  	_ =	swait.ge @!p0 [sflag:s0], $0x7D0  }
0x24: {  	[sflag:s0] =	ssyncset.done @!p0 $0x0  }
0x25: {  	[sflag:s0] =	ssyncadd.s32 @!p0 $0xFFFFF830  }
0x26: {  	_ =	swait.ge @!p0 [sflag:s0], $0x7D0  }
0x27: {  	[sflag:s0] =	ssyncset.done @!p0 $0x0  }
0x28: {  	[sflag:s0] =	ssyncadd.s32 @!p0 $0xFFFFF830  }
0x29: {  	_ =	swait.ge @!p0 [sflag:s0], $0x7D0  }
0x2a: {  	s16 =	rddreg [dreg:$0x10]  }
0x2b: {  	s15 =	rddreg [dreg:$0xf];
	s16 =	sadd.s32 $0x1, s16  }
0x2c: {  	p1 =	sne.s32 s16, s15  }
.Ltmp1:
0x2d: {  	_ = 	snop;
	(pc) =	sbr.rel @!p1 .LBB2_10-.Ltmp1, $3  }
0x2e: {  	_ =	sdelay $0x1  }
0x2f: {  	[sflag:s0] =	ssyncset.done @!p0 $0x0  }
0x30: {  	[sflag:s0] =	ssyncadd.s32 @!p0 $0xFFFFF830  }
.LBB2_1:
0x31: {  	[dreg:$0x10] =	wrdreg s16  }
0x32: {  	s0 =	rddreg [dreg:$0x6];
	s17 =	simm.s32 $0x5;
	v0 =	vimm.s32 $0xD0  }
0x33: {  	[tilespmem:s22], [sflag:$0x5] =	stream.linear.gather [hbm4b:s0+s8], $0x100, $0x38;
	[tilespmem:$0xFE00] =	vst v63  }
0x34: {  	_ =	swait.ge [sflag:s17], $0x100  }
0x35: {  	[sflag:s17] =	ssyncset.done $0x0  }
0x36: {  	[sflag:s17] =	ssyncadd.s32 $0xFFFFFF00  }
0x37: {  	v10 =	vld.idx.msk [tilespmem:v0+s22+$0x0], $0xffff;
	v0 =	vimm.s32 $0xC0;
	_ =	sdelay $0x4  }
0x38: {  	v11 =	vld.idx.msk [tilespmem:v0+s22+$0x0], $0xffff;
	v0 =	vimm.s32 $0xC1;
	_ =	sdelay $0x4  }
0x39: {  	v12 =	vld.idx.msk [tilespmem:v0+s22+$0x0], $0xffff;
	v0 =	vimm.s32 $0xC2;
	_ =	sdelay $0x4  }
0x3a: {  	v24 =	vld.idx.msk [tilespmem:v0+s22+$0x0], $0xffff;
	v0 =	vimm.s32 $0xC3;
	_ =	sdelay $0x4  }
0x3b: {  	v8 =	vld.idx.msk [tilespmem:v0+s22+$0x0], $0xffff;
	v0 =	vimm.s32 $0xC4;
	_ =	sdelay $0x4  }
0x3c: {  	v28 =	vld.idx.msk [tilespmem:v0+s22+$0x0], $0xffff;
	v0 =	vimm.s32 $0xC5;
	_ =	sdelay $0x4  }
0x3d: {  	v13 =	vld.idx.msk [tilespmem:v0+s22+$0x0], $0xffff;
	v0 =	vimm.s32 $0xC6;
	_ =	sdelay $0x4  }
0x3e: {  	v14 =	vld.idx.msk [tilespmem:v0+s22+$0x0], $0xffff;
	v0 =	vimm.s32 $0xC7;
	_ =	sdelay $0x3  }
0x3f: {  	s18 =	rddreg [dreg:$0x8];
	[tilespmem:$0x1FFE0] =	vst v11  }
0x40: {  	[tilespmem:$0x1FFF0] =	vst v12;
	v15 =	vld.idx.msk [tilespmem:v0+s22+$0x0], $0xffff;
	[tilespmem:s8], [sflag:$0x1] =	stream.linear.gather [hbm4b:s18+s8], $0x7D0, $0x38  }
0x41: {  	s15 =	simm.s32 $0x800;
	s19 =	rddreg [dreg:$0x9];
	[tilespmem:$0x1FF80] =	vst v24  }
0x42: {  	[tilespmem:s15], [sflag:$0x1] =	stream.linear.gather [hbm4b:s19+s8], $0x7D0, $0x38;
	[tilespmem:$0xFE00] =	vst v63  }
0x43: {  	s23 =	simm.s32 $0x1000;
	s21 =	rddreg [dreg:$0xa];
	[tilespmem:$0x1FF90] =	vst v8  }
0x44: {  	[tilespmem:s23], [sflag:$0x1] =	stream.linear.gather [hbm4b:s21+s8], $0x7D0, $0x38;
	[tilespmem:$0xFE00] =	vst v63  }
0x45: {  	s16 =	rddreg [dreg:$0xb];
	s17 =	simm.s32 $0x1800;
	[tilespmem:$0x1FFA0] =	vst v28  }
0x46: {  	[tilespmem:s17], [sflag:$0x1] =	stream.linear.gather [hbm4b:s16+s8], $0x7D0, $0x38;
	[tilespmem:$0xFE00] =	vst v63  }
.Ltmp2:
0x47: {  	[tilespmem:$0x1FFB0] =	vst v13;
	s18 =	rddreg [dreg:$0xc];
	s19 =	simm.s32 $0x2000;
	(pc) =	sbr.rel .LBB2_2-.Ltmp2, $4  }
0x48: {  	[tilespmem:s19], [sflag:$0x1] =	stream.linear.gather [hbm4b:s18+s8], $0x7D0, $0x38;
	[tilespmem:$0xFE00] =	vst v63  }
0x49: {  	[tilespmem:$0x1FFC0] =	vst v14;
	s21 =	rddreg [dreg:$0xd];
	s23 =	simm.s32 $0x2800  }
0x4a: {  	[tilespmem:s23], [sflag:$0x1] =	stream.linear.gather [hbm4b:s21+s8], $0x3E80, $0x38;
	[tilespmem:$0xFE00] =	vst v63  }
0x4b: {  	[tilespmem:$0x1FFD0] =	vst v15;
	s23 =	simm.s32 $0x0  }
.LBB2_8:
0x4c: {  	s23 =	sadd.s32 $0x1, s23  }
0x4d: {  	p1 =	sne.s32 s23, $0x5  }
.Ltmp3:
0x4e: {  	_ = 	snop;
	(pc) =	sbr.rel @!p1 .LBB2_9-.Ltmp3, $4  }
0x4f: {  	v8 =	vld [tilespmem:$0x1FF90]  }
0x50: {  	v13 =	vld [tilespmem:$0x1FFB0]  }
0x51: {  	v14 =	vld [tilespmem:$0x1FFC0]  }
0x52: {  	v3 =	vimm.s32 $0x0;
	v15 =	vld [tilespmem:$0x1FFD0]  }
.LBB2_2:
0x53: {  	_ =	swait.ge [sflag:s30], $0x7D0  }
0x54: {  	[sflag:s30] =	ssyncset.done $0x0  }
0x55: {  	[sflag:s30] =	ssyncadd.s32 $0xFFFFF830  }
0x56: {  	_ =	swait.ge [sflag:s30], $0x7D0  }
0x57: {  	[sflag:s30] =	ssyncset.done $0x0  }
0x58: {  	[sflag:s30] =	ssyncadd.s32 $0xFFFFF830  }
0x59: {  	_ =	swait.ge [sflag:s30], $0x7D0  }
0x5a: {  	[sflag:s30] =	ssyncset.done $0x0  }
0x5b: {  	[sflag:s30] =	ssyncadd.s32 $0xFFFFF830  }
0x5c: {  	s0 =	sshll.u32 s23, $0x6;
	_ =	swait.ge [sflag:s30], $0x7D0  }
0x5d: {  	s19 =	sor.u32 s10, s0;
	[sflag:s30] =	ssyncset.done $0x0  }
0x5e: {  	s18 =	sor.u32 $0x20, s19;
	[sflag:s30] =	ssyncadd.s32 $0xFFFFF830  }
0x5f: {  	p1 =	sgt.u32 s18, $0x127;
	_ =	swait.ge [sflag:s30], $0x7D0  }
0x60: {  	s0 =	smul.u32 @!p1 $0x7D0, s18;
	[sflag:s30] =	ssyncset.done $0x0  }
0x61: {  	[sflag:s30] =	ssyncadd.s32 $0xFFFFF830  }
0x62: {  	s15 =	sshrl.u32 @!p1 s0, $0x3;
	_ =	swait.ge [sflag:s30], $0x3E80  }
0x63: {  	s17 =	simm.s32 @!p1 $0x0;
	s15 =	sadd.s32 @!p1 $0x2AF80, s15;
	[sflag:s30] =	ssyncset.done $0x0  }
0x64: {  	s21 =	simm.s32 @!p1 $0x7E80;
	s16 =	sadd.s32 @!p1 s1, s15;
	[sflag:s30] =	ssyncadd.s32 $0xFFFFC180  }
0x65: {  	[tilespmem:s21], [sflag:$0x2] =	stream.linear.gather @!p1 [hbm4b:s16+s17], $0x7D0, $0x38;
	[tilespmem:$0xFE00] =	vst v63  }
0x66: {  	s16 =	sadd.s32 @!p1 s2, s15;
	s21 =	simm.s32 @!p1 $0x8680  }
0x67: {  	[tilespmem:s21], [sflag:$0x2] =	stream.linear.gather @!p1 [hbm4b:s16+s17], $0x7D0, $0x38;
	[tilespmem:$0xFE00] =	vst v63  }
0x68: {  	s16 =	sadd.s32 @!p1 s4, s15;
	s21 =	simm.s32 @!p1 $0x8E80  }
0x69: {  	[tilespmem:s21], [sflag:$0x2] =	stream.linear.gather @!p1 [hbm4b:s16+s17], $0x7D0, $0x38;
	[tilespmem:$0xFE00] =	vst v63  }
0x6a: {  	s16 =	sadd.s32 @!p1 s5, s15;
	s21 =	simm.s32 @!p1 $0x9680  }
0x6b: {  	[tilespmem:s21], [sflag:$0x2] =	stream.linear.gather @!p1 [hbm4b:s16+s17], $0x7D0, $0x38;
	[tilespmem:$0xFE00] =	vst v63  }
0x6c: {  	s15 =	sadd.s32 @!p1 s9, s15;
	s16 =	simm.s32 @!p1 $0x9E80  }
0x6d: {  	[tilespmem:s16], [sflag:$0x2] =	stream.linear.gather @!p1 [hbm4b:s15+s17], $0x7D0, $0x38;
	[tilespmem:$0xFE00] =	vst v63  }
0x6e: {  	s0 =	sadd.s32 @!p1 s20, s0;
	s15 =	simm.s32 @!p1 $0xA680  }
0x6f: {  	[tilespmem:s15], [sflag:$0x2] =	stream.linear.gather @!p1 [hbm4b:s0+s17], $0x3E80, $0x38;
	[tilespmem:$0xFE00] =	vst v63  }
0x70: {  	s0 =	sadd.s32 @!p1 $0xFFFFFFC0, s19  }
0x71: {  	p2 =	sgt.u32 @!p1 s0, $0x127  }
0x72: {  	p2 =	por p1, !p2  }
0x73: {  	_ =	swait.ge @p2 [sflag:s31], $0x7D0  }
0x74: {  	[sflag:s31] =	ssyncset.done @p2 $0x0  }
0x75: {  	[sflag:s31] =	ssyncadd.s32 @p2 $0xFFFFF830  }
0x76: {  	_ =	swait.ge @p2 [sflag:s31], $0x7D0  }
0x77: {  	[sflag:s31] =	ssyncset.done @p2 $0x0  }
0x78: {  	[sflag:s31] =	ssyncadd.s32 @p2 $0xFFFFF830  }
0x79: {  	_ =	swait.ge @p2 [sflag:s31], $0x7D0  }
0x7a: {  	[sflag:s31] =	ssyncset.done @p2 $0x0  }
0x7b: {  	s21 =	simm.s32 $0x0;
	v9 =	vld [tilespmem:$0x1FFA0];
	[sflag:s31] =	ssyncadd.s32 @p2 $0xFFFFF830  }
0x7c: {  	v0 =	vld [tilespmem:s21+$0x2040]  }
0x7d: {  	v1 =	vld [tilespmem:s21+$0x1840]  }
0x7e: {  	v2 =	vld [tilespmem:s21+$0x1040]  }
0x7f: {  	v4 =	vld [tilespmem:s21+$0x840]  }
0x80: {  	v44 =	vld [tilespmem:s21+$0x40]  }
0x81: {  	v5 =	vld [tilespmem:s21+$0x2000];
	vm0 =	veq.s32 v0, $0x0  }
0x82: {  	v0 =	vld [tilespmem:s21+$0x2010];
	v1 =	vsel vm0, v1, v10  }
0x83: {  	v2 =	vnsel vm0, $0x2, v2;
	[tilespmem:$0x1FD00] =	vst v1;
	vm0 =	vle.f32 v1, v10;
	v1 =	vld [tilespmem:$0x1FF80]  }
0x84: {  	v6 =	vld [tilespmem:s21+$0x2020];
	[tilespmem:$0x1FCF0] =	vst v2;
	v2 =	vsel vm0, v2, v4  }
0x85: {  	v7 =	vld [tilespmem:s21+$0x2030];
	[tilespmem:$0x1FF20] =	vst v2  }
0x86: {  	v4 =	vld [tilespmem:s21+$0x1800]  }
0x87: {  	v20 =	vld [tilespmem:s21+$0x1810]  }
0x88: {  	v19 =	vld [tilespmem:s21+$0x4F50]  }
0x89: {  	v21 =	vld.idx.msk [tilespmem:v44+s22+$0x0], $0xffff  }
0x8a: {  	v25 =	vld [tilespmem:s21+$0x2840]  }
0x8b: {  	v26 =	vld [tilespmem:s21+$0x3010]  }
0x8c: {  	v22 =	vld.idx.msk [tilespmem:v2+s6+$0x0], $0xffff  }
0x8d: {  	v23 =	vld.idx.msk [tilespmem:v2+s3+$0x0], $0xffff  }
0x8e: {  	s16 =	simm.s32 $0x0;
	v24 =	vld.idx.msk [tilespmem:v2+s7+$0x0], $0xffff  }
0x8f: {  	s0 =	sand.u32 $0x7F0, s16;
	v31 =	vld [tilespmem:s21+$0x37E0]  }
0x90: {  	v32 =	vld [tilespmem:s0+$0x4780];
	v27 =	vmul.f32 v21, v11;
	v28 =	vmul.f32 v21, v12  }
0x91: {  	v29 =	vld.idx.msk [tilespmem:v2+s24+$0x0], $0xffff;
	v30 =	vmul.f32 v21, v1  }
0x92: {  	v22 =	vadd.f32 v27, v22;
	v23 =	vadd.f32 v23, v28;
	v27 =	vld.idx.msk [tilespmem:v2+s25+$0x0], $0xffff  }
0x93: {  	v24 =	vadd.f32 v24, v30;
	v28 =	vld [tilespmem:s21+$0x3FB0]  }
0x94: {  	v22 =	vadd.f32 v25, v22;
	v23 =	vadd.f32 v26, v23;
	v25 =	vmul.f32 v21, v8;
	v26 =	vld.idx.msk [tilespmem:v2+s26+$0x0], $0xffff  }
0x95: {  	v33 =	vld [tilespmem:s21+$0x1820];
	v30 =	vmul.f32 v21, v9  }
0x96: {  	v24 =	vadd.f32 v31, v24;
	vm1 =	vgt.f32 v23, v22;
	v25 =	vadd.f32 v29, v25;
	v29 =	vld.idx.msk [tilespmem:v2+s28+$0x0], $0xffff  }
0x97: {  	v31 =	vld.idx.msk [tilespmem:v2+s29+$0x0], $0xffff;
	v22 =	vsel vm1, v23, v22;
	v23 =	vmul.f32 v21, v13  }
0x98: {  	v2 =	vld [tilespmem:s21+$0x0];
	v27 =	vadd.f32 v27, v30;
	vm2 =	vgt.f32 v24, v22;
	v25 =	vadd.f32 v28, v25  }
0x99: {  	v30 =	vld [tilespmem:s21+$0x1830];
	v22 =	vsel vm2, v24, v22;
	v24 =	vmul.f32 v21, v14;
	v23 =	vadd.f32 v26, v23  }
0x9a: {  	v28 =	vld [tilespmem:s21+$0x5720];
	v27 =	vadd.f32 v32, v27;
	vm3 =	vgt.f32 v25, v22  }
0x9b: {  	v26 =	vld [tilespmem:s21+$0x1000];
	v19 =	vadd.f32 v19, v23;
	v23 =	vadd.f32 v29, v24;
	v24 =	vsel vm1, $0x1, v3  }
0x9c: {  	v22 =	vsel vm3, v25, v22;
	v25 =	vld [tilespmem:s21+$0x5EF0];
	v24 =	vsel vm2, $0x2, v24  }
0x9d: {  	v29 =	vld [tilespmem:s21+$0x1010];
	vm4 =	vgt.f32 v27, v22;
	v24 =	vsel vm3, $0x3, v24  }
0x9e: {  	v22 =	vsel vm4, v27, v22;
	v27 =	vld [tilespmem:s21+$0x1020]  }
0x9f: {  	v23 =	vadd.f32 v28, v23;
	v28 =	vld [tilespmem:s21+$0x1030];
	[tilespmem:$0x1FE50] =	vst v2;
	vm1 =	vgt.f32 v19, v22  }
0xa0: {  	v19 =	vsel vm1, v19, v22;
	v22 =	vsel vm4, $0x4, v24;
	v24 =	vmov v1;
	v1 =	vld [tilespmem:s21+$0x10];
	_ =	sdelay $0x4  }
0xa1: {  	vm2 =	vgt.f32 v23, v19;
	[tilespmem:$0x1FE60] =	vst v1  }
0xa2: {  	v19 =	vsel vm2, v23, v19;
	v23 =	vld [tilespmem:s21+$0x20];
	_ =	sdelay $0x4  }
0xa3: {  	v21 =	vmul.f32 v21, v15;
	[tilespmem:$0x1FE70] =	vst v23  }
0xa4: {  	v3 =	vld [tilespmem:s21+$0x30]  }
0xa5: {  	v21 =	vadd.f32 v31, v21;
	_ =	sdelay $0x1  }
0xa6: {  	v21 =	vadd.f32 v25, v21  }
0xa7: {  	v22 =	vsel vm1, $0x5, v22  }
0xa8: {  	v22 =	vsel vm2, $0x6, v22;
	vm1 =	vgt.f32 v21, v19;
	[tilespmem:$0x1FE80] =	vst v3  }
0xa9: {  	v34 =	vsel vm1, $0x7, v22;
	v21 =	vld [tilespmem:s21+$0x800];
	_ =	sdelay $0x1  }
0xaa: {  	vm1 =	veq.s32 v5, $0x0;
	v22 =	vld [tilespmem:s21+$0x810]  }
0xab: {  	vm2 =	veq.s32 v0, $0x0;
	v16 =	vsel vm1, v4, v10;
	v0 =	vnsel vm1, $0x2, v26;
	v5 =	vld [tilespmem:s21+$0x820]  }
0xac: {  	v17 =	vsel vm2, v20, v10;
	vm1 =	veq.s32 v6, $0x0;
	vm5 =	vle.f32 v16, v10;
	v4 =	vld [tilespmem:s21+$0x830];
	[tilespmem:$0x1FE90] =	vst v0  }
0xad: {  	v18 =	vsel vm1, v33, v10;
	v51 =	vld.idx.msk [tilespmem:v34+s14+$0x0], $0xffff;
	v21 =	vsel vm5, v0, v21;
	v0 =	vnsel vm2, $0x2, v29  }
0xae: {  	vm6 =	vle.f32 v17, v10;
	vm7 =	vle.f32 v18, v10;
	v55 =	vld.idx.msk [tilespmem:v2+s22+$0x0], $0xffff;
	vm2 =	veq.s32 v7, $0x0;
	[tilespmem:$0x1FEA0] =	vst v0  }
0xaf: {  	v20 =	vsel vm6, v0, v22;
	v0 =	vnsel vm1, $0x2, v27;
	v19 =	vsel vm2, v30, v10;
	v54 =	vld.idx.msk [tilespmem:v1+s22+$0x0], $0xffff  }
0xb0: {  	v49 =	vld.idx.msk [tilespmem:v23+s22+$0x0], $0xffff;
	[tilespmem:$0x1FEB0] =	vst v0;
	v23 =	vsel vm7, v0, v5;
	vm1 =	vle.f32 v19, v10;
	v0 =	vimm.s32 $0x0  }
0xb1: {  	v40 =	vld.idx.msk [tilespmem:v3+s22+$0x0], $0xffff;
	v0 =	vsel vm1, $0xFFFFFFFF, v0  }
0xb2: {  	v29 =	vld [tilespmem:s0+$0x3000];
	[tilespmem:$0x1FED0] =	vst v0;
	v0 =	vnsel vm2, $0x2, v28  }
0xb3: {  	[tilespmem:$0x1FEE0] =	vst v0  }
0xb4: {  	v6 =	vld.idx.msk [tilespmem:v21+s6+$0x0], $0xffff  }
0xb5: {  	v22 =	vsel vm1, v0, v4;
	v4 =	vld.idx.msk [tilespmem:v21+s3+$0x0], $0xffff  }
0xb6: {  	v7 =	vld.idx.msk [tilespmem:v20+s6+$0x0], $0xffff  }
0xb7: {  	v30 =	vld.idx.msk [tilespmem:v20+s3+$0x0], $0xffff  }
0xb8: {  	v56 =	vld.idx.msk [tilespmem:v21+s7+$0x0], $0xffff  }
0xb9: {  	v57 =	vld.idx.msk [tilespmem:v20+s7+$0x0], $0xffff  }
0xba: {  	v60 =	vld [tilespmem:s21+$0x2800]  }
0xbb: {  	v61 =	vld [tilespmem:s21+$0x2FD0]  }
0xbc: {  	v62 =	vld [tilespmem:s21+$0x2810]  }
0xbd: {  	v63 =	vld [tilespmem:s21+$0x2FE0]  }
0xbe: {  	v28 =	vld [tilespmem:s21+$0x2820]  }
0xbf: {  	v35 =	vld [tilespmem:s21+$0x2FF0]  }
0xc0: {  	v32 =	vld [tilespmem:s21+$0x2830]  }
0xc1: {  	v33 =	vld.idx.msk [tilespmem:v21+s24+$0x0], $0xffff  }
0xc2: {  	v39 =	vld.idx.msk [tilespmem:v20+s24+$0x0], $0xffff  }
0xc3: {  	v31 =	vld.idx.msk [tilespmem:v23+s6+$0x0], $0xffff  }
0xc4: {  	v0 =	vld.idx.msk [tilespmem:v23+s24+$0x0], $0xffff  }
0xc5: {  	v50 =	vld.idx.msk [tilespmem:v23+s3+$0x0], $0xffff  }
0xc6: {  	v58 =	vld.idx.msk [tilespmem:v23+s7+$0x0], $0xffff  }
0xc7: {  	v52 =	vld.idx.msk [tilespmem:v22+s6+$0x0], $0xffff  }
0xc8: {  	v53 =	vld.idx.msk [tilespmem:v22+s3+$0x0], $0xffff  }
0xc9: {  	v59 =	vld.idx.msk [tilespmem:v22+s7+$0x0], $0xffff;
	[tilespmem:$0x1FD30] =	vst v0  }
0xca: {  	v0 =	vld.idx.msk [tilespmem:v22+s24+$0x0], $0xffff;
	_ =	sdelay $0x4  }
0xcb: {  	[tilespmem:$0x1FD40] =	vst v0  }
0xcc: {  	v36 =	vld [tilespmem:s21+$0x37A0]  }
0xcd: {  	v0 =	vld.idx.msk [tilespmem:v23+s25+$0x0], $0xffff  }
0xce: {  	v37 =	vld [tilespmem:s21+$0x37B0]  }
0xcf: {  	v38 =	vld [tilespmem:s21+$0x37C0]  }
0xd0: {  	v41 =	vld [tilespmem:s21+$0x37D0]  }
0xd1: {  	v45 =	vld.idx.msk [tilespmem:v21+s25+$0x0], $0xffff  }
0xd2: {  	v47 =	vld.idx.msk [tilespmem:v20+s25+$0x0], $0xffff;
	[tilespmem:$0x1FD60] =	vst v0  }
0xd3: {  	v0 =	vld.idx.msk [tilespmem:v22+s25+$0x0], $0xffff;
	_ =	sdelay $0x4  }
0xd4: {  	[tilespmem:$0x1FD80] =	vst v0  }
0xd5: {  	v0 =	vld [tilespmem:s21+$0x3F90];
	_ =	sdelay $0x3  }
0xd6: {  	v42 =	vld [tilespmem:s0+$0x3F80]  }
0xd7: {  	v46 =	vld [tilespmem:s21+$0x3F70];
	[tilespmem:$0x1FD50] =	vst v0  }
0xd8: {  	v0 =	vld [tilespmem:s21+$0x3FA0];
	_ =	sdelay $0x4  }
0xd9: {  	[tilespmem:$0x1FD70] =	vst v0  }
0xda: {  	v0 =	vld.idx.msk [tilespmem:v21+s26+$0x0], $0xffff;
	_ =	sdelay $0x4  }
0xdb: {  	[tilespmem:$0x1FD10] =	vst v0  }
0xdc: {  	v0 =	vld.idx.msk [tilespmem:v20+s26+$0x0], $0xffff;
	_ =	sdelay $0x4  }
0xdd: {  	[tilespmem:$0x1FD20] =	vst v0  }
0xde: {  	v1 =	vld.idx.msk [tilespmem:v23+s26+$0x0], $0xffff;
	_ =	sdelay $0x4  }
0xdf: {  	[tilespmem:$0x1FDA0] =	vst v1  }
0xe0: {  	v2 =	vld.idx.msk [tilespmem:v22+s26+$0x0], $0xffff;
	_ =	sdelay $0x4  }
0xe1: {  	[tilespmem:$0x1FDB0] =	vst v2  }
0xe2: {  	v3 =	vld [tilespmem:s21+$0x4760];
	_ =	sdelay $0x1  }
0xe3: {  	v1 =	vmul.f32 v55, v12;
	_ =	sdelay $0x1  }
0xe4: {  	v25 =	vmovc v8;
	v0 =	vmul.f32 v55, v11;
	v8 =	vadd.f32 v4, v1;
	v1 =	vmul.f32 v49, v11;
	v43 =	vld [tilespmem:s21+$0x4740]  }
0xe5: {  	v48 =	vld [tilespmem:s21+$0x4750];
	[tilespmem:$0x1FD90] =	vst v3  }
0xe6: {  	v27 =	vadd.f32 v0, v6;
	v6 =	vadd.f32 v1, v31;
	v1 =	vld [tilespmem:s21+$0x4770];
	_ =	sdelay $0x4  }
0xe7: {  	[tilespmem:$0x1FDC0] =	vst v1;
	v1 =	vmul.f32 v54, v24  }
0xe8: {  	v0 =	vmul.f32 v54, v11  }
0xe9: {  	v1 =	vadd.f32 v57, v1;
	v57 =	vld.idx.msk [tilespmem:v22+s28+$0x0], $0xffff  }
0xea: {  	v7 =	vadd.f32 v0, v7;
	v0 =	vmul.f32 v49, v12  }
0xeb: {  	v4 =	vmul.f32 v54, v12  }
0xec: {  	v5 =	vadd.f32 v50, v0;
	v31 =	vmul.f32 v40, v11;
	v50 =	vld.idx.msk [tilespmem:v21+s28+$0x0], $0xffff  }
0xed: {  	v4 =	vadd.f32 v30, v4;
	v2 =	vcvt.s32.f32 v44;
	v44 =	vmul.f32 v40, v12;
	v30 =	vld.idx.msk [tilespmem:v20+s28+$0x0], $0xffff  }
0xee: {  	v0 =	vmul.f32 v55, v24;
	v52 =	vadd.f32 v31, v52;
	v31 =	vld.idx.msk [tilespmem:v23+s28+$0x0], $0xffff;
	[tilespmem:$0x1FDF0] =	vst v57  }
0xef: {  	v53 =	vadd.f32 v53, v44;
	v44 =	vld [tilespmem:s21+$0x4F30]  }
0xf0: {  	v0 =	vadd.f32 v56, v0;
	v3 =	vmul.f32 v49, v24  }
0xf1: {  	v56 =	vmul.f32 v40, v24;
	v8 =	vadd.f32 v61, v8;
	v61 =	vld [tilespmem:$0x1FCF0];
	v2 =	vmul.f32 $9.999999770e-03, v2  }
0xf2: {  	v27 =	vadd.f32 v60, v27;
	v3 =	vadd.f32 v58, v3;
	v58 =	vld [tilespmem:s21+$0x4F10]  }
0xf3: {  	v60 =	vadd.f32 v59, v56;
	v2 =	vadd.f32 $1.000000000e+00, v2;
	v59 =	vld [tilespmem:s21+$0x4F20]  }
0xf4: {  	[tilespmem:$0x1FDD0] =	vst v44;
	v44 =	vadd.f32 v62, v7;
	v7 =	vld [tilespmem:$0x1FD00]  }
0xf5: {  	v2 =	vmul.f32 v51, v2;
	_ =	sdelay $0x1  }
0xf6: {  	v2 =	vadd.f32 v2, v10  }
0xf7: {  	v34 =	vsel vm0, v34, v61  }
0xf8: {  	[tilespmem:$0x1FF40] =	vst v34;
	v2 =	vsel vm0, v2, v7  }
0xf9: {  	v34 =	vld [tilespmem:s21+$0x4F40];
	[tilespmem:$0x1FF50] =	vst v2  }
0xfa: {  	v7 =	vld.idx.msk [tilespmem:v23+s29+$0x0], $0xffff;
	_ =	sdelay $0x3  }
0xfb: {  	v2 =	vadd.f32 v28, v6;
	v28 =	vld.idx.msk [tilespmem:v21+s29+$0x0], $0xffff  }
0xfc: {  	v5 =	vadd.f32 v35, v5;
	v35 =	vld.idx.msk [tilespmem:v20+s29+$0x0], $0xffff;
	[tilespmem:$0x1FE00] =	vst v7  }
0xfd: {  	v7 =	vld.idx.msk [tilespmem:v22+s29+$0x0], $0xffff;
	_ =	sdelay $0x4  }
0xfe: {  	vm12 =	vgt.f32 v5, v2;
	[tilespmem:$0x1FE20] =	vst v7  }
0xff: {  	v2 =	vsel vm12, v5, v2;
	v5 =	vld [tilespmem:s0+$0x5700]  }
0x100: {  	v6 =	vmul.f32 v55, v25  }
0x101: {  	v0 =	vadd.f32 v36, v0;
	v4 =	vadd.f32 v63, v4;
	vm2 =	vgt.f32 v8, v27  }
0x102: {  	v27 =	vsel vm2, v8, v27;
	v33 =	vadd.f32 v33, v6;
	v6 =	vmul.f32 v54, v25  }
0x103: {  	v32 =	vadd.f32 v32, v52;
	vm9 =	vgt.f32 v0, v27;
	v29 =	vadd.f32 v29, v53  }
0x104: {  	v1 =	vadd.f32 v37, v1;
	vm8 =	vgt.f32 v4, v44;
	[tilespmem:$0x1FE10] =	vst v5;
	v5 =	vadd.f32 v39, v6  }
0x105: {  	v0 =	vsel vm9, v0, v27;
	v27 =	vadd.f32 v41, v60;
	v4 =	vsel vm8, v4, v44  }
0x106: {  	vm3 =	vgt.f32 v29, v32;
	vm14 =	vgt.f32 v1, v4;
	v5 =	vadd.f32 v42, v5  }
0x107: {  	s15 =	simm.s32 $0x50;
	v1 =	vsel vm14, v1, v4;
	v6 =	vsel vm3, v29, v32;
	v29 =	vld [tilespmem:s21+$0x56E0]  }
0x108: {  	v51 =	vmul.f32 v55, v9;
	v52 =	vld [tilespmem:s15+$0x2040];
	vm11 =	vgt.f32 v27, v6;
	vm4 =	vgt.f32 v5, v1  }
0x109: {  	v57 =	vsel vm11, v27, v6;
	v27 =	vadd.f32 v46, v33;
	v33 =	vsel vm4, v5, v1;
	v1 =	vld [tilespmem:$0x1FD10]  }
0x10a: {  	v53 =	vld [tilespmem:s15+$0x1840]  }
0x10b: {  	v4 =	vadd.f32 v45, v51;
	v45 =	vld [tilespmem:s15+$0x1040]  }
0x10c: {  	v39 =	vld [tilespmem:s15+$0x840];
	v5 =	vmul.f32 v55, v13  }
0x10d: {  	v3 =	vadd.f32 v38, v3;
	v8 =	vld [tilespmem:s15+$0x40];
	vm15 =	vgt.f32 v27, v0  }
0x10e: {  	v0 =	vsel vm15, v27, v0;
	v27 =	vadd.f32 v1, v5;
	v1 =	vld [tilespmem:s21+$0x5ED0]  }
0x10f: {  	v44 =	vmul.f32 v54, v9;
	vm0 =	vgt.f32 v3, v2;
	v32 =	vld [tilespmem:s21+$0x56F0];
	vm1 =	veq.s32 v52, $0x0  }
0x110: {  	v2 =	vsel vm0, v3, v2;
	v60 =	vld [tilespmem:s21+$0x5710];
	v51 =	vsel vm1, v53, v10  }
0x111: {  	v3 =	vadd.f32 v47, v44;
	v37 =	vld [tilespmem:s21+$0x5EB0];
	v44 =	vnsel vm1, $0x2, v45;
	vm10 =	vle.f32 v51, v10  }
0x112: {  	v56 =	vsel vm10, v44, v39;
	v39 =	vld [tilespmem:s21+$0x5EC0]  }
0x113: {  	[tilespmem:$0x1FE30] =	vst v1;
	v1 =	vld [tilespmem:$0x1FD20];
	_ =	sdelay $0x2  }
0x114: {  	v46 =	vmul.f32 v54, v13;
	_ =	sdelay $0x1  }
0x115: {  	v38 =	vadd.f32 v1, v46;
	v1 =	vld [tilespmem:s21+$0x5EE0];
	_ =	sdelay $0x1  }
0x116: {  	v26 =	vimm.s32 $0x0  }
0x117: {  	v36 =	vadd.f32 v43, v4;
	v63 =	vsel vm12, $0x1, v26;
	v47 =	vmul.f32 v55, v14  }
0x118: {  	v55 =	vmul.f32 v55, v15;
	v52 =	vadd.f32 v48, v3;
	v48 =	vsel vm2, $0x1, v26  }
0x119: {  	vm1 =	vgt.f32 v36, v0;
	v53 =	vadd.f32 v50, v47;
	v27 =	vadd.f32 v58, v27;
	[tilespmem:$0x1FE40] =	vst v1  }
0x11a: {  	v28 =	vadd.f32 v28, v55;
	v0 =	vsel vm1, v36, v0;
	vm2 =	vgt.f32 v52, v33;
	v45 =	vld.idx.msk [tilespmem:v8+s22+$0x0], $0xffff  }
0x11b: {  	v33 =	vsel vm2, v52, v33;
	v29 =	vadd.f32 v29, v53;
	vm13 =	vgt.f32 v27, v0;
	v52 =	vld.idx.msk [tilespmem:v56+s6+$0x0], $0xffff  }
0x11c: {  	v50 =	vmul.f32 v54, v14;
	v36 =	vsel vm9, $0x2, v48;
	v0 =	vsel vm13, v27, v0;
	v62 =	vld.idx.msk [tilespmem:v56+s3+$0x0], $0xffff  }
0x11d: {  	v28 =	vadd.f32 v37, v28;
	v27 =	vmul.f32 v54, v15;
	vm9 =	vgt.f32 v29, v0;
	v53 =	vld.idx.msk [tilespmem:v56+s7+$0x0], $0xffff  }
0x11e: {  	v41 =	vsel vm0, $0x2, v63;
	v30 =	vadd.f32 v30, v50;
	v0 =	vsel vm9, v29, v0;
	v46 =	vld [tilespmem:s15+$0x2840]  }
0x11f: {  	v54 =	vsel vm8, $0x1, v26;
	v27 =	vadd.f32 v35, v27;
	vm8 =	vgt.f32 v28, v0;
	v28 =	vld.idx.msk [tilespmem:v56+s24+$0x0], $0xffff  }
0x120: {  	v30 =	vadd.f32 v32, v30;
	v35 =	vsel vm14, $0x2, v54;
	v38 =	vadd.f32 v59, v38;
	v29 =	vld [tilespmem:s15+$0x3010]  }
0x121: {  	v27 =	vadd.f32 v39, v27;
	v59 =	vld [tilespmem:s15+$0x37E0];
	v0 =	vmul.f32 v45, v11;
	v55 =	vmul.f32 v45, v12  }
0x122: {  	vm14 =	vgt.f32 v38, v33;
	v1 =	vld [tilespmem:$0x1FD30];
	v58 =	vmul.f32 v45, v24;
	v54 =	vmul.f32 v45, v25  }
0x123: {  	v33 =	vsel vm14, v38, v33;
	v0 =	vadd.f32 v0, v52;
	v52 =	vld.idx.msk [tilespmem:v56+s25+$0x0], $0xffff;
	v32 =	vadd.f32 v62, v55  }
0x124: {  	vm12 =	vgt.f32 v30, v33;
	v37 =	vadd.f32 v53, v58;
	v53 =	vld [tilespmem:s15+$0x3FB0];
	v28 =	vadd.f32 v28, v54  }
0x125: {  	s16 =	simm.s32 $0x50;
	v48 =	vld [tilespmem:s15+$0x4F50];
	v30 =	vsel vm12, v30, v33;
	v0 =	vadd.f32 v46, v0;
	v29 =	vadd.f32 v29, v32  }
0x126: {  	s17 =	sand.u32 $0x7F0, s16;
	v55 =	vmul.f32 v45, v9;
	v62 =	vld.idx.msk [tilespmem:v56+s26+$0x0], $0xffff;
	v37 =	vadd.f32 v59, v37;
	v59 =	vsel vm3, $0x1, v26  }
0x127: {  	v58 =	vld [tilespmem:s17+$0x4780];
	v38 =	vsel vm11, $0x2, v59;
	vm11 =	vgt.f32 v27, v30;
	vm0 =	vgt.f32 v29, v0  }
0x128: {  	v50 =	vld.idx.msk [tilespmem:v56+s28+$0x0], $0xffff;
	v0 =	vsel vm0, v29, v0;
	v29 =	vadd.f32 v52, v55;
	v55 =	vmul.f32 v49, v25  }
0x129: {  	v27 =	vmul.f32 v45, v13;
	v30 =	vld.idx.msk [tilespmem:v56+s29+$0x0], $0xffff;
	v28 =	vadd.f32 v53, v28;
	vm3 =	vgt.f32 v37, v0  }
0x12a: {  	v0 =	vsel vm3, v37, v0;
	v33 =	vadd.f32 v1, v55;
	v1 =	vld [tilespmem:$0x1FD40]  }
0x12b: {  	v52 =	vsel vm0, $0x1, v26;
	v53 =	vld [tilespmem:s15+$0x5720];
	v27 =	vadd.f32 v62, v27;
	vm0 =	vgt.f32 v28, v0  }
0x12c: {  	v29 =	vadd.f32 v58, v29;
	v0 =	vsel vm0, v28, v0;
	v28 =	vmul.f32 v45, v14  }
0x12d: {  	v54 =	vld [tilespmem:s15+$0x5EF0];
	v37 =	vsel vm3, $0x2, v52;
	v27 =	vadd.f32 v48, v27;
	v58 =	vmul.f32 v40, v25  }
0x12e: {  	v45 =	vmul.f32 v45, v15;
	vm3 =	vgt.f32 v29, v0;
	v28 =	vadd.f32 v50, v28  }
0x12f: {  	v37 =	vsel vm0, $0x3, v37;
	v0 =	vsel vm3, v29, v0;
	v59 =	vadd.f32 v1, v58;
	v1 =	vld [tilespmem:$0x1FD50]  }
0x130: {  	v30 =	vadd.f32 v30, v45;
	vm0 =	vgt.f32 v27, v0;
	v28 =	vadd.f32 v53, v28  }
0x131: {  	v0 =	vsel vm0, v27, v0  }
0x132: {  	v37 =	vsel vm3, $0x4, v37;
	v27 =	vadd.f32 v54, v30;
	vm3 =	vgt.f32 v28, v0  }
0x133: {  	v0 =	vsel vm3, v28, v0  }
0x134: {  	v37 =	vsel vm0, $0x5, v37;
	vm0 =	vgt.f32 v27, v0;
	v27 =	vadd.f32 v1, v33;
	v1 =	vld [tilespmem:$0x1FD60]  }
0x135: {  	v61 =	vld [tilespmem:s15+$0x2000]  }
0x136: {  	v63 =	vld [tilespmem:s15+$0x2010]  }
0x137: {  	v43 =	vld [tilespmem:s15+$0x1830];
	v28 =	vmul.f32 v49, v9  }
0x138: {  	v47 =	vld [tilespmem:s15+$0x1010]  }
0x139: {  	v28 =	vadd.f32 v1, v28;
	v1 =	vld [tilespmem:$0x1FD70]  }
0x13a: {  	v32 =	vld [tilespmem:s15+$0x2020]  }
0x13b: {  	v46 =	vld [tilespmem:s15+$0x2030]  }
0x13c: {  	v48 =	vld [tilespmem:s15+$0x1820]  }
0x13d: {  	v29 =	vld [tilespmem:s15+$0x1800]  }
0x13e: {  	v39 =	vadd.f32 v1, v59;
	v1 =	vld [tilespmem:$0x1FD80]  }
0x13f: {  	v53 =	vld [tilespmem:s15+$0x0]  }
0x140: {  	v45 =	vld [tilespmem:s15+$0x1810]  }
0x141: {  	v50 =	vld [tilespmem:s15+$0x1020];
	v0 =	vmul.f32 v40, v9  }
0x142: {  	v58 =	vld [tilespmem:s15+$0x1030]  }
0x143: {  	v0 =	vadd.f32 v1, v0;
	v1 =	vld [tilespmem:$0x1FD90]  }
0x144: {  	v30 =	vld [tilespmem:s15+$0x1000];
	[tilespmem:$0x1FEF0] =	vst v53  }
0x145: {  	v52 =	vld [tilespmem:s15+$0x10];
	_ =	sdelay $0x2  }
0x146: {  	v28 =	vadd.f32 v1, v28;
	v1 =	vld [tilespmem:$0x1FDA0];
	_ =	sdelay $0x1  }
0x147: {  	[tilespmem:$0x1FF00] =	vst v52  }
0x148: {  	v62 =	vmul.f32 v49, v13;
	v54 =	vld [tilespmem:s15+$0x20]  }
0x149: {  	v37 =	vsel vm3, $0x6, v37;
	vm3 =	vgt.f32 v27, v2  }
0x14a: {  	v27 =	vsel vm3, v27, v2;
	v2 =	vadd.f32 v1, v62;
	v1 =	vld [tilespmem:$0x1FDB0];
	_ =	sdelay $0x2  }
0x14b: {  	v42 =	vmul.f32 v40, v13;
	[tilespmem:$0x1FF10] =	vst v54  }
0x14c: {  	v55 =	vld [tilespmem:s15+$0x30]  }
0x14d: {  	v59 =	vadd.f32 v1, v42;
	v1 =	vld [tilespmem:$0x1FDC0]  }
0x14e: {  	v36 =	vsel vm15, $0x3, v36  }
0x14f: {  	v6 =	vsel vm1, $0x4, v36;
	v35 =	vsel vm4, $0x3, v35  }
0x150: {  	v7 =	vsel vm2, $0x4, v35;
	vm1 =	veq.s32 v61, $0x0;
	v33 =	vmul.f32 v49, v14  }
0x151: {  	vm2 =	veq.s32 v63, $0x0;
	v37 =	vsel vm0, $0x7, v37;
	v36 =	vnsel vm1, $0x2, v30;
	[tilespmem:$0x1FF30] =	vst v55  }
0x152: {  	v4 =	vadd.f32 v31, v33;
	vm0 =	vgt.f32 v39, v57;
	v0 =	vadd.f32 v1, v0;
	v1 =	vld [tilespmem:s15+$0x820]  }
0x153: {  	v33 =	vnsel vm2, $0x2, v47;
	v31 =	vld [tilespmem:$0x1FDD0];
	v41 =	vsel vm3, $0x3, v41;
	v39 =	vsel vm0, v39, v57  }
0x154: {  	vm3 =	veq.s32 v32, $0x0;
	vm15 =	vgt.f32 v28, v27;
	vm4 =	vgt.f32 v0, v39  }
0x155: {  	v30 =	vsel vm3, v48, v10;
	v42 =	vsel vm15, v28, v27;
	v61 =	vsel vm4, v0, v39;
	v0 =	vld [tilespmem:s15+$0x830]  }
0x156: {  	v28 =	vmovc v9;
	v27 =	vsel vm2, v45, v10;
	v9 =	vnsel vm3, $0x2, v50;
	vm2 =	vle.f32 v30, v10  }
0x157: {  	v47 =	vsel vm15, $0x4, v41;
	vm15 =	veq.s32 v46, $0x0;
	v35 =	vsel vm2, v9, v1;
	v1 =	vld [tilespmem:$0x1FDF0]  }
0x158: {  	v2 =	vadd.f32 v31, v2;
	v31 =	vsel vm15, v43, v10  }
0x159: {  	v32 =	vnsel vm15, $0x2, v58;
	vm3 =	vle.f32 v31, v10  }
0x15a: {  	v46 =	vadd.f32 v34, v59;
	v34 =	vsel vm3, v32, v0;
	v0 =	vmul.f32 v40, v14  }
0x15b: {  	v57 =	vld [tilespmem:s15+$0x810]  }
0x15c: {  	v0 =	vadd.f32 v1, v0;
	v1 =	vld [tilespmem:$0x1FE00]  }
0x15d: {  	v5 =	vld.idx.msk [tilespmem:v37+s14+$0x0], $0xffff  }
0x15e: {  	v29 =	vsel vm1, v29, v10;
	v62 =	vld [tilespmem:s15+$0x800];
	vm15 =	vgt.f32 v2, v42  }
0x15f: {  	v63 =	vld.idx.msk [tilespmem:v52+s22+$0x0], $0xffff;
	vm1 =	vle.f32 v27, v10;
	v2 =	vsel vm15, v2, v42;
	v42 =	vmul.f32 v49, v15  }
0x160: {  	v3 =	vsel vm0, $0x3, v38;
	v41 =	vld.idx.msk [tilespmem:v55+s22+$0x0], $0xffff;
	v38 =	vsel vm1, v33, v57  }
0x161: {  	v42 =	vadd.f32 v1, v42;
	v1 =	vld [tilespmem:$0x1FE10]  }
0x162: {  	vm0 =	vle.f32 v29, v10;
	v45 =	vld.idx.msk [tilespmem:v54+s22+$0x0], $0xffff  }
0x163: {  	v39 =	vsel vm0, v36, v62;
	v62 =	vld.idx.msk [tilespmem:v53+s22+$0x0], $0xffff;
	[tilespmem:$0x1FDE0] =	vst v9  }
0x164: {  	v55 =	vld [tilespmem:s17+$0x3000]  }
0x165: {  	v8 =	vcvt.s32.f32 v8;
	v50 =	vld.idx.msk [tilespmem:v38+s6+$0x0], $0xffff  }
0x166: {  	v4 =	vadd.f32 v1, v4;
	v1 =	vld [tilespmem:$0x1FE20]  }
0x167: {  	v8 =	vmul.f32 $9.999999770e-03, v8;
	v49 =	vld.idx.msk [tilespmem:v38+s3+$0x0], $0xffff  }
0x168: {  	v43 =	vld.idx.msk [tilespmem:v39+s6+$0x0], $0xffff  }
0x169: {  	v8 =	vadd.f32 $1.000000000e+00, v8;
	v48 =	vld.idx.msk [tilespmem:v39+s3+$0x0], $0xffff;
	v40 =	vmul.f32 v40, v15  }
0x16a: {  	v59 =	vld.idx.msk [tilespmem:v39+s7+$0x0], $0xffff  }
0x16b: {  	v5 =	vmul.f32 v5, v8;
	v40 =	vadd.f32 v1, v40;
	v1 =	vld [tilespmem:$0x1FE30]  }
0x16c: {  	v54 =	vsel vm4, $0x4, v3;
	vm4 =	vgt.f32 v46, v61;
	v58 =	vld.idx.msk [tilespmem:v35+s6+$0x0], $0xffff;
	v0 =	vadd.f32 v60, v0  }
0x16d: {  	v52 =	vsel vm14, $0x5, v7;
	v5 =	vadd.f32 v5, v10;
	v46 =	vsel vm4, v46, v61;
	v61 =	vld.idx.msk [tilespmem:v35+s3+$0x0], $0xffff  }
0x16e: {  	v53 =	vsel vm13, $0x5, v6;
	v60 =	vld.idx.msk [tilespmem:v34+s6+$0x0], $0xffff;
	vm13 =	vgt.f32 v0, v46;
	vm14 =	vgt.f32 v4, v2  }
0x16f: {  	v8 =	vld.idx.msk [tilespmem:v34+s3+$0x0], $0xffff;
	v7 =	vsel vm13, v0, v46;
	v0 =	vsel vm10, v37, v44;
	v2 =	vsel vm14, v4, v2  }
0x170: {  	v4 =	vadd.f32 v1, v42;
	v42 =	vld.idx.msk [tilespmem:v38+s7+$0x0], $0xffff;
	[tilespmem:$0x1FF60] =	vst v0;
	v0 =	vsel vm10, v5, v51  }
0x171: {  	v57 =	vmul.f32 v62, v11;
	[tilespmem:$0x1FF70] =	vst v0;
	v0 =	vld [tilespmem:$0x1FE40]  }
0x172: {  	v37 =	vmul.f32 v63, v12;
	v6 =	vld.idx.msk [tilespmem:v35+s7+$0x0], $0xffff  }
0x173: {  	v43 =	vadd.f32 v57, v43;
	v57 =	vmul.f32 v45, v11;
	v46 =	vld.idx.msk [tilespmem:v34+s7+$0x0], $0xffff  }
0x174: {  	v44 =	vadd.f32 v49, v37;
	v49 =	vmul.f32 v45, v12;
	v1 =	vmul.f32 v62, v24;
	v51 =	vld [tilespmem:s15+$0x2800]  }
0x175: {  	vm10 =	vgt.f32 v4, v2;
	v2 =	vmul.f32 v62, v12;
	v4 =	vmul.f32 v63, v11;
	v3 =	vld [tilespmem:s15+$0x2810]  }
0x176: {  	v37 =	vmul.f32 v41, v11;
	v49 =	vadd.f32 v61, v49;
	v61 =	vld [tilespmem:s15+$0x2820];
	v59 =	vadd.f32 v59, v1  }
0x177: {  	v47 =	vsel vm15, $0x5, v47;
	v5 =	vadd.f32 v48, v2;
	v4 =	vadd.f32 v4, v50;
	v50 =	vld [tilespmem:s15+$0x2FD0]  }
0x178: {  	v1 =	vmul.f32 v45, v24;
	v48 =	vadd.f32 v57, v58;
	v2 =	vld [tilespmem:s15+$0x2FE0];
	v58 =	vadd.f32 v37, v60  }
0x179: {  	v37 =	vld [tilespmem:s15+$0x2FF0];
	v57 =	vmul.f32 v41, v24;
	v60 =	vmul.f32 v63, v25;
	v40 =	vadd.f32 v0, v40  }
0x17a: {  	v0 =	vmul.f32 v41, v12;
	v6 =	vadd.f32 v6, v1;
	v1 =	vadd.f32 v51, v43;
	v51 =	vld.idx.msk [tilespmem:v39+s24+$0x0], $0xffff  }
0x17b: {  	v43 =	vsel vm4, $0x5, v54;
	v3 =	vadd.f32 v3, v4;
	v61 =	vadd.f32 v61, v48;
	v48 =	vld.idx.msk [tilespmem:v34+s24+$0x0], $0xffff  }
0x17c: {  	v4 =	vsel vm9, $0x6, v53;
	v54 =	vld.idx.msk [tilespmem:v35+s25+$0x0], $0xffff;
	v0 =	vadd.f32 v8, v0;
	v8 =	vmul.f32 v63, v24  }
0x17d: {  	vm4 =	vgt.f32 v40, v7;
	v7 =	vadd.f32 v46, v57;
	v40 =	vld.idx.msk [tilespmem:v38+s24+$0x0], $0xffff;
	v46 =	vsel vm14, $0x6, v47  }
0x17e: {  	v57 =	vsel vm8, $0x7, v4;
	v4 =	vld [tilespmem:s15+$0x37C0];
	v43 =	vsel vm13, $0x6, v43;
	v5 =	vadd.f32 v50, v5  }
0x17f: {  	v2 =	vadd.f32 v2, v44;
	v44 =	vsel vm12, $0x6, v52;
	v49 =	vadd.f32 v37, v49;
	v50 =	vld [tilespmem:s15+$0x37A0]  }
0x180: {  	v37 =	vmul.f32 v62, v25;
	v52 =	vld.idx.msk [tilespmem:v38+s25+$0x0], $0xffff;
	v8 =	vadd.f32 v42, v8;
	v0 =	vadd.f32 v55, v0  }
0x181: {  	v55 =	vld [tilespmem:s15+$0x2830];
	v26 =	vsel vm11, $0x7, v44;
	vm14 =	vgt.f32 v5, v1;
	vm12 =	vgt.f32 v2, v3  }
0x182: {  	v42 =	vld.idx.msk [tilespmem:v35+s24+$0x0], $0xffff;
	vm9 =	vgt.f32 v49, v61;
	v5 =	vsel vm14, v5, v1;
	v53 =	vsel vm12, v2, v3  }
0x183: {  	v44 =	vld.idx.msk [tilespmem:v34+s25+$0x0], $0xffff;
	v51 =	vadd.f32 v51, v37;
	v47 =	vsel vm9, v49, v61;
	v61 =	vmul.f32 v45, v25  }
0x184: {  	v2 =	vld [tilespmem:s15+$0x37B0];
	v37 =	vmul.f32 v41, v25;
	v1 =	vsel vm10, $0x7, v46;
	v40 =	vadd.f32 v40, v60  }
0x185: {  	v49 =	vld [tilespmem:s15+$0x37D0];
	v4 =	vadd.f32 v4, v6;
	v60 =	vmul.f32 v62, v28;
	v50 =	vadd.f32 v50, v59  }
0x186: {  	v48 =	vadd.f32 v48, v37;
	v37 =	vmul.f32 v45, v28;
	v3 =	vadd.f32 v55, v58;
	v58 =	vld.idx.msk [tilespmem:v39+s25+$0x0], $0xffff  }
0x187: {  	v42 =	vadd.f32 v42, v61;
	[tilespmem:$0x1FEC0] =	vst v1;
	vm11 =	vgt.f32 v4, v47;
	v61 =	vmul.f32 v63, v28  }
0x188: {  	v1 =	vimm.s32 $0x0;
	vm13 =	vgt.f32 v50, v5;
	v6 =	vld [tilespmem:s17+$0x3F80];
	v4 =	vsel vm11, v4, v47  }
0x189: {  	v59 =	vld [tilespmem:s15+$0x3F90];
	v55 =	vsel vm12, $0x1, v1;
	vm8 =	vgt.f32 v0, v3;
	v8 =	vadd.f32 v2, v8  }
0x18a: {  	v5 =	vsel vm13, v50, v5;
	v7 =	vadd.f32 v49, v7;
	v49 =	vld [tilespmem:s15+$0x3F70];
	v50 =	vadd.f32 v52, v61  }
0x18b: {  	v52 =	vadd.f32 v54, v37;
	v61 =	vmul.f32 v41, v28;
	v54 =	vld.idx.msk [tilespmem:v39+s26+$0x0], $0xffff;
	v37 =	vsel vm4, $0x7, v43  }
0x18c: {  	v43 =	vld.idx.msk [tilespmem:v38+s26+$0x0], $0xffff;
	v2 =	vimm.s32 $0x0;
	v0 =	vsel vm8, v0, v3;
	vm15 =	vgt.f32 v8, v53  }
0x18d: {  	vm10 =	vgt.f32 v7, v0;
	v8 =	vsel vm15, v8, v53;
	v46 =	vadd.f32 v58, v60;
	v60 =	vld [tilespmem:s15+$0x3FA0]  }
0x18e: {  	v3 =	vld [tilespmem:$0x1FE50];
	v0 =	vsel vm10, v7, v0;
	v7 =	vadd.f32 v44, v61;
	v58 =	vsel vm14, $0x1, v1  }
0x18f: {  	v61 =	vld [tilespmem:s15+$0x4760];
	v6 =	vadd.f32 v6, v40;
	v42 =	vadd.f32 v59, v42;
	v59 =	vmul.f32 v63, v13  }
0x190: {  	v40 =	vmul.f32 v63, v14;
	v44 =	vadd.f32 v49, v51;
	v49 =	vld.idx.msk [tilespmem:v35+s26+$0x0], $0xffff;
	v51 =	vsel vm13, $0x2, v58  }
0x191: {  	v58 =	vld [tilespmem:s15+$0x4750];
	vm4 =	vgt.f32 v6, v8;
	vm12 =	vgt.f32 v42, v4;
	v43 =	vadd.f32 v43, v59  }
0x192: {  	v6 =	vsel vm4, v6, v8;
	v8 =	vmul.f32 v62, v13;
	v47 =	vadd.f32 v60, v48;
	v48 =	vld [tilespmem:s15+$0x4740]  }
0x193: {  	vm13 =	vgt.f32 v44, v5;
	v4 =	vsel vm12, v42, v4;
	v42 =	vld [tilespmem:s15+$0x4770];
	v60 =	vmul.f32 v45, v13  }
0x194: {  	v53 =	vld.idx.msk [tilespmem:v34+s26+$0x0], $0xffff;
	v59 =	vsel vm8, $0x1, v2;
	v5 =	vsel vm13, v44, v5;
	v52 =	vadd.f32 v61, v52  }
0x195: {  	v61 =	vsel vm9, $0x1, v2;
	v2 =	vld [tilespmem:s15+$0x4F30];
	v8 =	vadd.f32 v54, v8;
	v44 =	vadd.f32 v49, v60  }
0x196: {  	v54 =	vld.idx.msk [tilespmem:v39+s28+$0x0], $0xffff;
	v60 =	vmul.f32 v41, v13;
	v49 =	vadd.f32 v58, v50;
	vm8 =	vgt.f32 v52, v4  }
0x197: {  	v4 =	vsel vm8, v52, v4;
	v46 =	vadd.f32 v48, v46;
	v48 =	vsel vm15, $0x2, v55;
	v55 =	vld.idx.msk [tilespmem:v38+s28+$0x0], $0xffff  }
0x198: {  	v58 =	vld.idx.msk [tilespmem:v34+s28+$0x0], $0xffff;
	v7 =	vadd.f32 v42, v7;
	v42 =	vsel vm11, $0x2, v61;
	vm15 =	vgt.f32 v47, v0  }
0x199: {  	v52 =	vld [tilespmem:s15+$0x4F40];
	vm11 =	vgt.f32 v49, v6;
	v1 =	vsel vm15, v47, v0;
	vm9 =	vgt.f32 v46, v5  }
0x19a: {  	v47 =	vadd.f32 v53, v60;
	v53 =	vmul.f32 v62, v14;
	v5 =	vsel vm9, v46, v5;
	v46 =	vld [tilespmem:s15+$0x4F10]  }
0x19b: {  	v6 =	vsel vm11, v49, v6;
	v2 =	vadd.f32 v2, v44;
	v60 =	vld [tilespmem:s15+$0x4F20]  }
0x19c: {  	v49 =	vadd.f32 v54, v53;
	v53 =	vadd.f32 v55, v40;
	v40 =	vmul.f32 v41, v14;
	v55 =	vld.idx.msk [tilespmem:v38+s29+$0x0], $0xffff  }
0x19d: {  	v44 =	vsel vm13, $0x3, v51;
	v0 =	vmul.f32 v45, v14;
	vm14 =	vgt.f32 v7, v1  }
0x19e: {  	v50 =	vld.idx.msk [tilespmem:v35+s28+$0x0], $0xffff;
	v48 =	vsel vm4, $0x3, v48;
	v1 =	vsel vm14, v7, v1;
	v7 =	vadd.f32 v58, v40  }
0x19f: {  	v58 =	vmul.f32 v63, v15;
	v8 =	vadd.f32 v46, v8;
	v46 =	vsel vm10, $0x2, v59;
	v59 =	vld [tilespmem:s15+$0x56E0]  }
0x1a0: {  	v47 =	vadd.f32 v52, v47;
	v43 =	vadd.f32 v60, v43;
	v60 =	vcvt.s32.f32 v3;
	v3 =	vld [tilespmem:$0x1FE60]  }
0x1a1: {  	v9 =	vsel vm11, $0x4, v48;
	vm10 =	vgt.f32 v8, v5;
	v55 =	vadd.f32 v55, v58  }
0x1a2: {  	v52 =	vld [tilespmem:s17+$0x5700];
	v58 =	vsel vm15, $0x3, v46;
	vm15 =	vgt.f32 v47, v1;
	v8 =	vsel vm10, v8, v5  }
0x1a3: {  	v5 =	vmul.f32 v62, v15;
	v62 =	vsel vm12, $0x3, v42;
	vm12 =	vgt.f32 v2, v4  }
0x1a4: {  	v2 =	vsel vm12, v2, v4;
	v4 =	vsel vm15, v47, v1;
	v1 =	vadd.f32 v59, v49  }
0x1a5: {  	v0 =	vadd.f32 v50, v0;
	vm13 =	vgt.f32 v43, v6;
	v61 =	vcvt.s32.f32 v3  }
0x1a6: {  	v63 =	vsel vm13, v43, v6;
	v6 =	vmul.f32 v41, v15;
	vm11 =	vgt.f32 v1, v8  }
0x1a7: {  	v41 =	vadd.f32 v52, v0;
	v52 =	vmul.f32 $9.999999770e-03, v61;
	v61 =	vsel vm11, v1, v8;
	v1 =	vld [tilespmem:$0x1FE90]  }
0x1a8: {  	v3 =	vld [tilespmem:$0x1FE70];
	_ =	sdelay $0x1  }
0x1a9: {  	v54 =	vld.idx.msk [tilespmem:v39+s29+$0x0], $0xffff  }
0x1aa: {  	v50 =	vld.idx.msk [tilespmem:v35+s29+$0x0], $0xffff  }
0x1ab: {  	v25 =	vsel vm5, v57, v1;
	v1 =	vld [tilespmem:$0x1FEA0]  }
0x1ac: {  	v45 =	vmul.f32 v45, v15;
	v49 =	vcvt.s32.f32 v3;
	v3 =	vld [tilespmem:$0x1FE80]  }
0x1ad: {  	v51 =	vld.idx.msk [tilespmem:v34+s29+$0x0], $0xffff  }
0x1ae: {  	v42 =	vld [tilespmem:s15+$0x56F0]  }
0x1af: {  	v59 =	vsel vm9, $0x4, v44;
	v44 =	vld [tilespmem:$0x1FEC0]  }
0x1b0: {  	v54 =	vadd.f32 v54, v5;
	v5 =	vadd.f32 v50, v45;
	v45 =	vmovc v26;
	v26 =	vsel vm6, v26, v1;
	v1 =	vld [tilespmem:$0x1FEB0]  }
0x1b1: {  	v50 =	vcvt.s32.f32 v3  }
0x1b2: {  	vm9 =	vgt.f32 v41, v2  }
0x1b3: {  	v0 =	vadd.f32 v51, v6;
	v6 =	vsel vm9, v41, v2;
	v41 =	vmul.f32 $9.999999770e-03, v50;
	_ =	sdelay $0x1  }
0x1b4: {  	v51 =	vadd.f32 v42, v53;
	v42 =	vadd.f32 $1.000000000e+00, v41;
	v41 =	vsel vm7, v44, v1;
	v1 =	vld [tilespmem:$0x1FED0];
	_ =	sdelay $0x4  }
0x1b5: {  	vm4 =	vnez.u8 v1;
	v1 =	vld [tilespmem:$0x1FEE0];
	_ =	sdelay $0x4  }
0x1b6: {  	v14 =	vsel vm4, v37, v1;
	v1 =	vld [tilespmem:$0x1FEF0];
	_ =	sdelay $0x2  }
0x1b7: {  	v2 =	vmul.f32 $9.999999770e-03, v60;
	_ =	sdelay $0x1  }
0x1b8: {  	v13 =	vadd.f32 $1.000000000e+00, v2;
	v2 =	vcvt.s32.f32 v1;
	v1 =	vld [tilespmem:$0x1FF00];
	_ =	sdelay $0x4  }
0x1b9: {  	v8 =	vcvt.s32.f32 v1;
	v1 =	vld [tilespmem:$0x1FF10];
	_ =	sdelay $0x4  }
0x1ba: {  	v46 =	vcvt.s32.f32 v1;
	v1 =	vld [tilespmem:$0x1FF20];
	_ =	sdelay $0x4  }
0x1bb: {  	[tilespmem:s21+$0x66C0] =	vst v1  }
0x1bc: {  	v3 =	vsel vm8, $0x4, v62;
	v62 =	vld [tilespmem:$0x1FF40];
	_ =	sdelay $0x1  }
0x1bd: {  	v43 =	vld [tilespmem:s15+$0x5710];
	_ =	sdelay $0x2  }
0x1be: {  	v1 =	vld [tilespmem:$0x1FF30];
	[tilespmem:s21+$0x6EC0] =	vst v62  }
0x1bf: {  	v40 =	vld [tilespmem:$0x1FF50]  }
0x1c0: {  	v60 =	vadd.f32 v43, v7;
	v7 =	vld [tilespmem:s15+$0x5EB0];
	_ =	sdelay $0x2  }
0x1c1: {  	v2 =	vmul.f32 $9.999999770e-03, v2;
	[tilespmem:s15+$0x66C0] =	vst v56  }
0x1c2: {  	[tilespmem:s21+$0x76C0] =	vst v40  }
0x1c3: {  	v47 =	vadd.f32 v7, v54;
	v54 =	vadd.f32 $1.000000000e+00, v2;
	v2 =	vld [tilespmem:$0x1FF60]  }
0x1c4: {  	v7 =	vld [tilespmem:s15+$0x5EC0];
	_ =	sdelay $0x1  }
0x1c5: {  	v53 =	vmul.f32 $9.999999770e-03, v49  }
0x1c6: {  	v15 =	vadd.f32 $1.000000000e+00, v52  }
0x1c7: {  	v43 =	vadd.f32 $1.000000000e+00, v53;
	vm8 =	vmmov vm5;
	vm5 =	vmmov vm6;
	[tilespmem:s15+$0x6EC0] =	vst v2  }
0x1c8: {  	v7 =	vadd.f32 v7, v55;
	vm6 =	vmmov vm7;
	v8 =	vmul.f32 $9.999999770e-03, v8;
	v2 =	vld [tilespmem:$0x1FF70]  }
0x1c9: {  	v55 =	vld.idx.msk [tilespmem:v57+s14+$0x0], $0xffff;
	vm7 =	vgt.f32 v51, v63;
	v46 =	vmul.f32 $9.999999770e-03, v46;
	v52 =	vcvt.s32.f32 v1  }
0x1ca: {  	v57 =	vsel vm13, $0x5, v9;
	v48 =	vsel vm7, v51, v63;
	v63 =	vld [tilespmem:s15+$0x5ED0];
	vm4 =	vmmov vm4  }
0x1cb: {  	v53 =	vadd.f32 $1.000000000e+00, v8;
	v51 =	vadd.f32 $1.000000000e+00, v46;
	v62 =	vld [tilespmem:s15+$0x5EE0];
	v52 =	vmul.f32 $9.999999770e-03, v52  }
0x1cc: {  	v1 =	vsel vm14, $0x4, v58;
	v58 =	vsel vm12, $0x5, v3;
	v56 =	vsel vm10, $0x5, v59;
	v59 =	vld.idx.msk [tilespmem:v45+s14+$0x0], $0xffff  }
0x1cd: {  	s17 =	simm.s32 $0x280;
	v3 =	vsel vm15, $0x5, v1;
	vm10 =	vgt.f32 v60, v4;
	v52 =	vadd.f32 $1.000000000e+00, v52;
	[tilespmem:s15+$0x76C0] =	vst v2;
	v2 =	vld.idx.msk [tilespmem:v44+s14+$0x0], $0xffff  }
.LBB2_3:
0x1ce: {  	[tilespmem:s21+$0x6EA0] =	vst v41;
	vm12 =	vgt.f32 v47, v61;
	v61 =	vsel vm11, $0x6, v56;
	vm11 =	vgt.f32 v7, v48;
	v7 =	vmovc v39  }
0x1cf: {  	[tilespmem:$0x1FC60] =	vst v7;
	v9 =	vsel vm12, $0x7, v61  }
0x1d0: {  	[tilespmem:$0x1FCA0] =	vst v9  }
0x1d1: {  	[tilespmem:s21+$0x6680] =	vst v21  }
0x1d2: {  	[tilespmem:s21+$0x6E80] =	vst v25  }
0x1d3: {  	s0 =	sshra.s32 s17, $0x2;
	[tilespmem:s21+$0x6690] =	vst v20  }
0x1d4: {  	v8 =	vld [tilespmem:s0+$0x2040];
	v9 =	vsel vm0, v9, v36;
	[tilespmem:s21+$0x6E90] =	vst v26  }
0x1d5: {  	v7 =	vld [tilespmem:s0+$0x1840];
	v1 =	vadd.f32 v63, v5;
	[tilespmem:$0x1FBF0] =	vst v9  }
0x1d6: {  	v4 =	vsel vm10, v60, v4;
	v5 =	vld.idx.msk [tilespmem:v37+s14+$0x0], $0xffff;
	[tilespmem:s21+$0x66A0] =	vst v23  }
0x1d7: {  	v44 =	vadd.f32 v62, v0;
	v62 =	vsel vm7, $0x6, v57;
	v0 =	vmovc v38;
	[tilespmem:s21+$0x66B0] =	vst v22;
	vm7 =	vgt.f32 v1, v6;
	v6 =	vld [tilespmem:s0+$0x1040]  }
0x1d8: {  	v40 =	vsel vm9, $0x6, v58;
	v63 =	vmul.f32 v59, v15;
	v9 =	vmul.f32 v2, v43;
	[tilespmem:s21+$0x6EB0] =	vst v14  }
0x1d9: {  	v2 =	vmovc v53;
	[tilespmem:$0x1FC00] =	vst v0;
	v21 =	vsel vm11, $0x7, v62;
	v1 =	vsel vm10, $0x6, v3;
	vm9 =	vgt.f32 v44, v4;
	v4 =	vld [tilespmem:s0+$0x840]  }
0x1da: {  	v26 =	vld [tilespmem:s0+$0x2000];
	[tilespmem:$0x1FCB0] =	vst v2;
	v3 =	vmul.f32 v55, v13;
	v20 =	vsel vm7, $0x7, v40;
	vm7 =	veq.s32 v8, $0x0;
	v0 =	vmovc v54  }
0x1db: {  	v25 =	vld [tilespmem:s0+$0x2020];
	v36 =	vadd.f32 v63, v10;
	v37 =	vsel vm9, $0x7, v1;
	[tilespmem:$0x1FC70] =	vst v0;
	v0 =	vsel vm7, v7, v10  }
0x1dc: {  	[tilespmem:$0x1FCC0] =	vst v21;
	v1 =	vld [tilespmem:s0+$0x40];
	v13 =	vadd.f32 v3, v10;
	v7 =	vmovc v29;
	v5 =	vmul.f32 v5, v42;
	v3 =	vnsel vm7, $0x2, v6  }
0x1dd: {  	v41 =	vld [tilespmem:s0+$0x1810];
	[tilespmem:$0x1FC80] =	vst v7;
	vm7 =	vle.f32 v0, v10;
	v6 =	vadd.f32 v9, v10;
	v9 =	vsel vm1, v21, v33  }
0x1de: {  	v8 =	vld [tilespmem:s0+$0x2010];
	v2 =	vsel vm7, v3, v4;
	v4 =	vsel vm8, v13, v16;
	[tilespmem:$0x1FC10] =	vst v9  }
0x1df: {  	v7 =	vld [tilespmem:s0+$0x1800];
	[tilespmem:s21+$0x7680] =	vst v4;
	v4 =	vsel vm5, v36, v17  }
0x1e0: {  	v40 =	vld [tilespmem:s0+$0x2030];
	v13 =	vadd.f32 v5, v10;
	v5 =	vmov v27;
	[tilespmem:s21+$0x7690] =	vst v4  }
0x1e1: {  	v21 =	vld [tilespmem:$0x1FF90];
	v16 =	vsel vm6, v6, v18;
	[tilespmem:$0x1FC50] =	vst v5  }
0x1e2: {  	v9 =	vld [tilespmem:$0x1FDE0];
	v13 =	vsel vm4, v13, v19;
	[tilespmem:s21+$0x76A0] =	vst v16  }
0x1e3: {  	v5 =	vld [tilespmem:s0+$0x4F50];
	v6 =	vmov v35;
	[tilespmem:s21+$0x76B0] =	vst v13  }
0x1e4: {  	s21 =	smov.u32 s15;
	s15 =	smov.u32 s0;
	[tilespmem:$0x1FC30] =	vst v6;
	v6 =	vld.idx.msk [tilespmem:v1+s22+$0x0], $0xffff  }
0x1e5: {  	v29 =	vld [tilespmem:s15+$0x2840]  }
0x1e6: {  	v14 =	vmov v30;
	v30 =	vld [tilespmem:s15+$0x3010]  }
0x1e7: {  	s16 =	sadd.s32 $0x50, s16;
	v45 =	vld [tilespmem:s15+$0x37E0]  }
0x1e8: {  	s0 =	sand.u32 $0x7F0, s16;
	v46 =	vld [tilespmem:s15+$0x3FB0]  }
0x1e9: {  	v47 =	vmov v51;
	v51 =	vld [tilespmem:s0+$0x4780]  }
0x1ea: {  	v54 =	vld [tilespmem:s15+$0x1820]  }
0x1eb: {  	v55 =	vld [tilespmem:s15+$0x5720]  }
0x1ec: {  	v56 =	vld [tilespmem:s15+$0x1830]  }
0x1ed: {  	v4 =	vmov v52;
	v57 =	vld [tilespmem:s15+$0x1000]  }
0x1ee: {  	vm9 =	veq.s32 v26, $0x0;
	[tilespmem:$0x1FBD0] =	vst v4;
	v4 =	vld.idx.msk [tilespmem:v2+s6+$0x0], $0xffff  }
0x1ef: {  	v49 =	vsel vm9, v7, v10;
	v7 =	vld.idx.msk [tilespmem:v2+s3+$0x0], $0xffff  }
0x1f0: {  	vm10 =	veq.s32 v8, $0x0;
	v8 =	vmov v34;
	v59 =	vld [tilespmem:s15+$0x1030]  }
0x1f1: {  	[tilespmem:$0x1FBE0] =	vst v8;
	v48 =	vsel vm2, v20, v9;
	v9 =	vmov v31;
	v8 =	vld.idx.msk [tilespmem:v2+s7+$0x0], $0xffff;
	v31 =	vmul.f32 v6, v11  }
0x1f2: {  	v43 =	vld.idx.msk [tilespmem:v2+s24+$0x0], $0xffff;
	v42 =	vmul.f32 v6, v12  }
0x1f3: {  	v15 =	vsel vm3, v37, v32;
	vm11 =	veq.s32 v25, $0x0;
	v61 =	vld [tilespmem:s15+$0x10];
	v4 =	vadd.f32 v31, v4  }
0x1f4: {  	[tilespmem:$0x1FC40] =	vst v9;
	v9 =	vsel vm10, v41, v10;
	v41 =	vld [tilespmem:$0x1FFB0];
	v44 =	vmul.f32 v6, v24;
	v7 =	vadd.f32 v7, v42  }
0x1f5: {  	vm12 =	veq.s32 v40, $0x0;
	v31 =	vld.idx.msk [tilespmem:v2+s25+$0x0], $0xffff;
	v4 =	vadd.f32 v29, v4;
	v29 =	vmul.f32 v6, v21  }
0x1f6: {  	vm5 =	vmmov vm1;
	v8 =	vadd.f32 v8, v44;
	v7 =	vadd.f32 v30, v7;
	v30 =	vld.idx.msk [tilespmem:v2+s26+$0x0], $0xffff  }
0x1f7: {  	vm6 =	vmmov vm2;
	vm4 =	vmmov vm3;
	v29 =	vadd.f32 v43, v29;
	v43 =	vld [tilespmem:$0x1FFC0]  }
0x1f8: {  	v50 =	vmul.f32 v6, v28;
	v44 =	vld [tilespmem:$0x1FFD0];
	v8 =	vadd.f32 v45, v8;
	vm2 =	vgt.f32 v7, v4  }
0x1f9: {  	v52 =	vld.idx.msk [tilespmem:v2+s28+$0x0], $0xffff;
	vm1 =	vle.f32 v9, v10;
	v4 =	vsel vm2, v7, v4;
	v7 =	vmul.f32 v6, v41  }
0x1fa: {  	v62 =	vld [tilespmem:s15+$0x800];
	v31 =	vadd.f32 v31, v50;
	vm3 =	vgt.f32 v8, v4;
	v29 =	vadd.f32 v46, v29  }
0x1fb: {  	v53 =	vld.idx.msk [tilespmem:v2+s29+$0x0], $0xffff;
	v45 =	vimm.s32 $0x0;
	v4 =	vsel vm3, v8, v4;
	v7 =	vadd.f32 v30, v7  }
0x1fc: {  	v63 =	vld [tilespmem:s15+$0x810];
	v31 =	vadd.f32 v51, v31;
	vm13 =	vgt.f32 v29, v4;
	v8 =	vmul.f32 v6, v43  }
0x1fd: {  	v30 =	vld [tilespmem:s15+$0x5EF0];
	v4 =	vsel vm13, v29, v4;
	v6 =	vmul.f32 v6, v44;
	v5 =	vadd.f32 v5, v7  }
0x1fe: {  	v29 =	vsel vm2, $0x1, v45;
	vm14 =	vgt.f32 v31, v4;
	v7 =	vadd.f32 v52, v8;
	v8 =	vld [tilespmem:s15+$0x1010]  }
0x1ff: {  	v36 =	vnsel vm9, $0x2, v57;
	v58 =	vsel vm3, $0x2, v29;
	v4 =	vsel vm14, v31, v4;
	v31 =	vld [tilespmem:s15+$0x1020]  }
0x200: {  	v46 =	vsel vm11, v54, v10;
	v6 =	vadd.f32 v53, v6;
	v60 =	vsel vm13, $0x3, v58;
	v52 =	vld [tilespmem:s15+$0x820]  }
0x201: {  	v57 =	vld [tilespmem:s15+$0x830];
	vm2 =	vgt.f32 v5, v4;
	v32 =	vsel vm14, $0x4, v60;
	v7 =	vadd.f32 v55, v7  }
0x202: {  	v29 =	vld [tilespmem:s15+$0x2800];
	v4 =	vsel vm2, v5, v4;
	v6 =	vadd.f32 v30, v6;
	v32 =	vsel vm2, $0x5, v32  }
0x203: {  	v60 =	vld.idx.msk [tilespmem:v61+s22+$0x0], $0xffff;
	vm2 =	vle.f32 v46, v10;
	vm3 =	vgt.f32 v7, v4;
	v40 =	vnsel vm10, $0x2, v8  }
0x204: {  	[tilespmem:$0x1FC20] =	vst v9;
	v5 =	vld [tilespmem:s15+$0x0];
	v4 =	vsel vm3, v7, v4;
	v9 =	vnsel vm11, $0x2, v31;
	v38 =	vsel vm1, v40, v63  }
0x205: {  	v30 =	vld [tilespmem:s15+$0x2FD0];
	v32 =	vsel vm3, $0x6, v32;
	vm13 =	vgt.f32 v6, v4;
	v35 =	vsel vm2, v9, v52  }
0x206: {  	v7 =	vld [tilespmem:s15+$0x20];
	v6 =	vsel vm13, $0x7, v32  }
0x207: {  	v1 =	vcvt.s32.f32 v1;
	v4 =	vld [tilespmem:s15+$0x30]  }
0x208: {  	vm8 =	vmmov vm0;
	v32 =	vcvt.s32.f32 v61;
	v61 =	vld [tilespmem:s0+$0x3000]  }
0x209: {  	vm0 =	vle.f32 v49, v10;
	v1 =	vmul.f32 $9.999999770e-03, v1;
	v50 =	vsel vm12, v56, v10;
	v55 =	vld.idx.msk [tilespmem:v38+s6+$0x0], $0xffff  }
0x20a: {  	v39 =	vsel vm0, v36, v62;
	v42 =	vnsel vm12, $0x2, v59;
	vm3 =	vle.f32 v50, v10;
	v13 =	vld.idx.msk [tilespmem:v35+s3+$0x0], $0xffff  }
0x20b: {  	v34 =	vsel vm3, v42, v57;
	v56 =	vmul.f32 v60, v11;
	v3 =	vsel vm7, v6, v3;
	v6 =	vld.idx.msk [tilespmem:v6+s14+$0x0], $0xffff  }
0x20c: {  	v57 =	vmul.f32 v60, v12;
	v18 =	vmul.f32 v60, v21;
	[tilespmem:s15+$0x66C0] =	vst v2;
	v2 =	vld.idx.msk [tilespmem:v5+s22+$0x0], $0xffff  }
0x20d: {  	v8 =	vcvt.s32.f32 v5;
	v58 =	vcvt.s32.f32 v4;
	v26 =	vld.idx.msk [tilespmem:v35+s7+$0x0], $0xffff  }
0x20e: {  	v33 =	vcvt.s32.f32 v7;
	v5 =	vmul.f32 $9.999999770e-03, v32;
	v7 =	vld.idx.msk [tilespmem:v7+s22+$0x0], $0xffff  }
0x20f: {  	v1 =	vadd.f32 $1.000000000e+00, v1;
	v8 =	vmul.f32 $9.999999770e-03, v8;
	[tilespmem:s15+$0x6EC0] =	vst v3;
	v3 =	vmul.f32 $9.999999770e-03, v58;
	v58 =	vld.idx.msk [tilespmem:v38+s3+$0x0], $0xffff  }
0x210: {  	v25 =	vmul.f32 v60, v28;
	v59 =	vmul.f32 $9.999999770e-03, v33;
	v53 =	vadd.f32 $1.000000000e+00, v5;
	v5 =	vld.idx.msk [tilespmem:v39+s3+$0x0], $0xffff  }
0x211: {  	[tilespmem:$0x1FC90] =	vst v14;
	v54 =	vadd.f32 $1.000000000e+00, v8;
	v8 =	vld.idx.msk [tilespmem:v4+s22+$0x0], $0xffff;
	v1 =	vmul.f32 v6, v1;
	v4 =	vmul.f32 v2, v11  }
0x212: {  	[tilespmem:$0x1FCE0] =	vst v20;
	v52 =	vadd.f32 $1.000000000e+00, v3;
	v3 =	vld.idx.msk [tilespmem:v39+s6+$0x0], $0xffff;
	v6 =	vmul.f32 v2, v12;
	v17 =	vmul.f32 v2, v21  }
0x213: {  	[tilespmem:$0x1FCD0] =	vst v15;
	v33 =	vld.idx.msk [tilespmem:v35+s6+$0x0], $0xffff;
	v51 =	vadd.f32 $1.000000000e+00, v59;
	v22 =	vmul.f32 v2, v28;
	v59 =	vmul.f32 v7, v11  }
0x214: {  	v62 =	vld.idx.msk [tilespmem:v34+s7+$0x0], $0xffff;
	v19 =	vadd.f32 v56, v55;
	v32 =	vmul.f32 v7, v12;
	v20 =	vmul.f32 v7, v21  }
0x215: {  	v23 =	vadd.f32 v58, v57;
	v27 =	vmul.f32 v7, v28;
	v16 =	vadd.f32 v5, v6;
	v5 =	vld.idx.msk [tilespmem:v39+s7+$0x0], $0xffff  }
0x216: {  	[tilespmem:$0x1FDE0] =	vst v9;
	v58 =	vmul.f32 v60, v41;
	v57 =	vmul.f32 v7, v41;
	v1 =	vadd.f32 v1, v10;
	v6 =	vld [tilespmem:$0x1FFA0]  }
0x217: {  	v9 =	vmul.f32 v8, v11;
	v11 =	vmul.f32 v8, v12;
	v14 =	vadd.f32 v4, v3;
	v3 =	vld.idx.msk [tilespmem:v34+s6+$0x0], $0xffff  }
0x218: {  	v12 =	vmul.f32 v60, v24;
	v56 =	vmul.f32 v8, v41;
	v4 =	vld.idx.msk [tilespmem:v34+s3+$0x0], $0xffff;
	v63 =	vadd.f32 v59, v33  }
0x219: {  	v59 =	vmul.f32 v2, v41;
	v41 =	vmovc v48;
	v48 =	vld [tilespmem:s15+$0x2810];
	v0 =	vsel vm7, v1, v0;
	v1 =	vmul.f32 v2, v24  }
0x21a: {  	v15 =	vmul.f32 v8, v24;
	[tilespmem:s15+$0x76C0] =	vst v0;
	v0 =	vmul.f32 v7, v24;
	v24 =	vld.idx.msk [tilespmem:v38+s7+$0x0], $0xffff  }
0x21b: {  	v13 =	vadd.f32 v13, v32;
	v32 =	vmovc v42;
	v42 =	vld [tilespmem:$0x1FBD0];
	v31 =	vadd.f32 v5, v1;
	v5 =	vmul.f32 v7, v43  }
0x21c: {  	v26 =	vadd.f32 v26, v0;
	v0 =	vmul.f32 v7, v44;
	v7 =	vadd.f32 v29, v14;
	v14 =	vld [tilespmem:s15+$0x2FF0]  }
0x21d: {  	v55 =	vmul.f32 v2, v43;
	v28 =	vmul.f32 v8, v6;
	v29 =	vld.idx.msk [tilespmem:v39+s24+$0x0], $0xffff  }
0x21e: {  	v6 =	vmul.f32 v60, v43;
	v11 =	vadd.f32 v4, v11;
	v4 =	vmul.f32 v8, v43;
	v43 =	vmovc v47;
	v47 =	vld [tilespmem:s15+$0x2FE0]  }
0x21f: {  	v21 =	vmul.f32 v8, v21;
	v1 =	vmul.f32 v8, v44;
	v8 =	vadd.f32 v30, v16;
	v16 =	vld [tilespmem:s15+$0x2830]  }
0x220: {  	v30 =	vld.idx.msk [tilespmem:v38+s24+$0x0], $0xffff  }
0x221: {  	v12 =	vadd.f32 v24, v12;
	v24 =	vld [tilespmem:s15+$0x2820]  }
0x222: {  	v9 =	vadd.f32 v9, v3;
	v3 =	vmul.f32 v2, v44;
	v2 =	vmul.f32 v60, v44;
	v60 =	vld [tilespmem:s15+$0x37A0]  }
0x223: {  	v15 =	vadd.f32 v62, v15;
	v19 =	vadd.f32 v48, v19;
	v48 =	vld.idx.msk [tilespmem:v35+s24+$0x0], $0xffff;
	vm7 =	vgt.f32 v8, v7  }
0x224: {  	v11 =	vadd.f32 v61, v11;
	v7 =	vsel vm7, v8, v7;
	v9 =	vadd.f32 v16, v9;
	v16 =	vld [tilespmem:s15+$0x37B0]  }
0x225: {  	v8 =	vsel vm7, $0x1, v45;
	v13 =	vadd.f32 v14, v13;
	v14 =	vld.idx.msk [tilespmem:v34+s24+$0x0], $0xffff;
	v23 =	vadd.f32 v47, v23  }
0x226: {  	v18 =	vadd.f32 v30, v18;
	v30 =	vld.idx.msk [tilespmem:v39+s25+$0x0], $0xffff;
	v24 =	vadd.f32 v24, v63;
	vm9 =	vgt.f32 v11, v9  }
0x227: {  	v62 =	vadd.f32 v60, v31;
	vm7 =	vgt.f32 v23, v19;
	v9 =	vsel vm9, v11, v9;
	v11 =	vld [tilespmem:s15+$0x37D0]  }
0x228: {  	v63 =	vld.idx.msk [tilespmem:v38+s25+$0x0], $0xffff;
	v19 =	vsel vm7, v23, v19;
	v23 =	vsel vm7, $0x1, v45;
	vm7 =	vgt.f32 v13, v24  }
0x229: {  	v13 =	vsel vm7, v13, v24;
	v24 =	vld [tilespmem:s15+$0x37C0];
	v12 =	vadd.f32 v16, v12  }
0x22a: {  	v17 =	vadd.f32 v29, v17;
	v29 =	vsel vm7, $0x1, v45;
	v16 =	vld.idx.msk [tilespmem:v35+s25+$0x0], $0xffff;
	vm7 =	vgt.f32 v62, v7  }
0x22b: {  	v61 =	vsel vm9, $0x1, v45;
	v7 =	vsel vm7, v62, v7;
	v62 =	vld [tilespmem:s15+$0x5EE0];
	vm9 =	vgt.f32 v12, v19  }
0x22c: {  	v11 =	vadd.f32 v11, v15;
	v15 =	vld [tilespmem:s15+$0x3F70];
	v12 =	vsel vm9, v12, v19  }
0x22d: {  	v19 =	vadd.f32 v30, v22;
	v22 =	vsel vm9, $0x2, v23;
	v23 =	vadd.f32 v63, v25;
	v25 =	vld.idx.msk [tilespmem:v39+s26+$0x0], $0xffff  }
0x22e: {  	v63 =	vld [tilespmem:s15+$0x5ED0]  }
0x22f: {  	v14 =	vadd.f32 v14, v21;
	v21 =	vadd.f32 v24, v26;
	v26 =	vld [tilespmem:s0+$0x3F80]  }
0x230: {  	v24 =	vld.idx.msk [tilespmem:v34+s25+$0x0], $0xffff;
	vm10 =	vgt.f32 v11, v9  }
0x231: {  	v8 =	vsel vm7, $0x2, v8;
	v9 =	vsel vm10, v11, v9;
	v11 =	vld [tilespmem:s15+$0x3FA0];
	vm7 =	vgt.f32 v21, v13  }
0x232: {  	v13 =	vsel vm7, v21, v13;
	v21 =	vld [tilespmem:s15+$0x3F90]  }
0x233: {  	v15 =	vadd.f32 v15, v17;
	v17 =	vld.idx.msk [tilespmem:v35+s26+$0x0], $0xffff  }
0x234: {  	v18 =	vadd.f32 v26, v18;
	v26 =	vld.idx.msk [tilespmem:v38+s26+$0x0], $0xffff  }
0x235: {  	v20 =	vadd.f32 v48, v20;
	v24 =	vadd.f32 v24, v28;
	v28 =	vld [tilespmem:s15+$0x4740]  }
0x236: {  	v29 =	vsel vm7, $0x2, v29;
	vm9 =	vgt.f32 v15, v7;
	v11 =	vadd.f32 v11, v14;
	v14 =	vld [tilespmem:s15+$0x4750]  }
0x237: {  	v7 =	vsel vm9, v15, v7;
	v15 =	vadd.f32 v25, v59;
	v25 =	vld.idx.msk [tilespmem:v39+s28+$0x0], $0xffff;
	vm7 =	vgt.f32 v18, v12  }
0x238: {  	v16 =	vadd.f32 v16, v27;
	v12 =	vsel vm7, v18, v12;
	v18 =	vld [tilespmem:s15+$0x4760]  }
0x239: {  	v27 =	vsel vm10, $0x2, v61;
	v20 =	vadd.f32 v21, v20;
	v21 =	vld.idx.msk [tilespmem:v34+s26+$0x0], $0xffff;
	vm10 =	vgt.f32 v11, v9  }
0x23a: {  	v9 =	vsel vm10, v11, v9;
	v11 =	vld [tilespmem:s15+$0x4770]  }
0x23b: {  	v8 =	vsel vm9, $0x3, v8;
	vm9 =	vgt.f32 v20, v13;
	v19 =	vadd.f32 v28, v19;
	v28 =	vld.idx.msk [tilespmem:v38+s28+$0x0], $0xffff  }
0x23c: {  	v13 =	vsel vm9, v20, v13;
	v20 =	vsel vm7, $0x3, v22;
	v14 =	vadd.f32 v14, v23;
	v23 =	vld.idx.msk [tilespmem:v35+s28+$0x0], $0xffff  }
0x23d: {  	v22 =	vadd.f32 v26, v58;
	vm7 =	vgt.f32 v19, v7;
	v16 =	vadd.f32 v18, v16;
	v18 =	vld.idx.msk [tilespmem:v34+s28+$0x0], $0xffff  }
0x23e: {  	v26 =	vsel vm9, $0x3, v29;
	v7 =	vsel vm7, v19, v7;
	v19 =	vld [tilespmem:s15+$0x4F10];
	vm9 =	vgt.f32 v14, v12  }
0x23f: {  	v12 =	vsel vm9, v14, v12;
	v14 =	vld [tilespmem:s15+$0x4F20]  }
0x240: {  	v11 =	vadd.f32 v11, v24;
	v24 =	vadd.f32 v25, v55;
	v25 =	vld.idx.msk [tilespmem:v39+s29+$0x0], $0xffff  }
0x241: {  	v8 =	vsel vm7, $0x4, v8;
	vm7 =	vgt.f32 v16, v13;
	v6 =	vadd.f32 v28, v6;
	v28 =	vld [tilespmem:$0x1FFA0]  }
0x242: {  	v27 =	vsel vm10, $0x3, v27;
	v13 =	vsel vm7, v16, v13;
	v16 =	vld [tilespmem:s15+$0x4F30];
	vm10 =	vgt.f32 v11, v9  }
0x243: {  	v9 =	vsel vm10, v11, v9;
	v11 =	vld [tilespmem:s15+$0x4F40]  }
0x244: {  	v23 =	vadd.f32 v23, v5;
	v5 =	vadd.f32 v19, v15;
	v15 =	vld.idx.msk [tilespmem:v38+s29+$0x0], $0xffff  }
0x245: {  	v17 =	vadd.f32 v17, v57;
	v19 =	vld [tilespmem:s0+$0x5700]  }
0x246: {  	v18 =	vadd.f32 v18, v4;
	v4 =	vadd.f32 v14, v22;
	v22 =	vld [tilespmem:$0x1FBE0]  }
0x247: {  	v21 =	vadd.f32 v21, v56;
	v20 =	vsel vm9, $0x4, v20;
	v14 =	vld.idx.msk [tilespmem:v35+s29+$0x0], $0xffff  }
0x248: {  	v26 =	vsel vm7, $0x4, v26;
	vm7 =	vgt.f32 v5, v7;
	v16 =	vadd.f32 v16, v17;
	v17 =	vld.idx.msk [tilespmem:v34+s29+$0x0], $0xffff  }
0x249: {  	v7 =	vsel vm7, v5, v7;
	vm9 =	vgt.f32 v4, v12;
	v56 =	vsel vm7, $0x5, v8;
	v8 =	vld [tilespmem:s15+$0x56E0]  }
0x24a: {  	v5 =	vadd.f32 v11, v21;
	v11 =	vsel vm9, v4, v12;
	v12 =	vadd.f32 v25, v3;
	v25 =	vld [tilespmem:$0x1FBF0]  }
0x24b: {  	v27 =	vsel vm10, $0x4, v27;
	v21 =	vld [tilespmem:s15+$0x56F0]  }
0x24c: {  	v57 =	vsel vm9, $0x5, v20;
	v20 =	vld [tilespmem:$0x1FC00];
	vm7 =	vgt.f32 v16, v13;
	v2 =	vadd.f32 v15, v2  }
0x24d: {  	v15 =	vld [tilespmem:s15+$0x5EB0];
	v13 =	vsel vm7, v16, v13;
	vm10 =	vgt.f32 v5, v9;
	v58 =	vsel vm7, $0x5, v26  }
0x24e: {  	v26 =	vld [tilespmem:$0x1FC10];
	v16 =	vadd.f32 v19, v23;
	v4 =	vsel vm10, v5, v9;
	v5 =	vadd.f32 v14, v0  }
0x24f: {  	v23 =	vld [tilespmem:$0x1FC30];
	v0 =	vadd.f32 v17, v1;
	v1 =	vadd.f32 v8, v24  }
0x250: {  	v19 =	vld [tilespmem:$0x1FC40]  }
0x251: {  	v9 =	vld [tilespmem:s15+$0x5710];
	vm11 =	vgt.f32 v1, v7  }
0x252: {  	v61 =	vsel vm11, v1, v7;
	v1 =	vld [tilespmem:$0x1FCC0]  }
0x253: {  	v3 =	vsel vm10, $0x5, v27;
	v27 =	vld [tilespmem:$0x1FC20]  }
0x254: {  	v14 =	vld [tilespmem:s15+$0x5EC0]  }
0x255: {  	v17 =	vld [tilespmem:$0x1FC50]  }
0x256: {  	v24 =	vld [tilespmem:$0x1FF80]  }
0x257: {  	vm9 =	vgt.f32 v16, v13;
	v8 =	vadd.f32 v21, v6;
	v21 =	vld [tilespmem:$0x1FC60]  }
0x258: {  	v6 =	vsel vm9, v16, v13;
	v13 =	vld [tilespmem:$0x1FC70]  }
0x259: {  	v60 =	vadd.f32 v9, v18;
	v9 =	vld [tilespmem:$0x1FCA0]  }
0x25a: {  	v59 =	vld.idx.msk [tilespmem:v1+s14+$0x0], $0xffff  }
0x25b: {  	v1 =	vld [tilespmem:$0x1FCE0]  }
0x25c: {  	v16 =	vld [tilespmem:$0x1FC80]  }
0x25d: {  	v47 =	vadd.f32 v15, v12;
	v15 =	vld [tilespmem:$0x1FCB0]  }
0x25e: {  	p2 =	slt.u32 s16, $0x780;
	v12 =	vld [tilespmem:$0x1FFF0]  }
.Ltmp4:
0x25f: {  	vm7 =	vgt.f32 v8, v11;
	v18 =	vld [tilespmem:$0x1FC90];
	(pc) =	sbr.rel @p2 .LBB2_3-.Ltmp4, $4  }
0x260: {  	v48 =	vsel vm7, v8, v11;
	v11 =	vld [tilespmem:$0x1FFE0]  }
0x261: {  	v7 =	vadd.f32 v14, v2;
	v14 =	vld [tilespmem:$0x1FCD0]  }
0x262: {  	v55 =	vld.idx.msk [tilespmem:v9+s14+$0x0], $0xffff  }
0x263: {  	s17 =	sadd.s32 $0x140, s17;
	v33 =	vmovc v40;
	v31 =	vmovc v50;
	v30 =	vmov v46;
	v29 =	vmov v49;
	vm10 =	vgt.f32 v60, v4;
	v2 =	vld.idx.msk [tilespmem:v1+s14+$0x0], $0xffff  }
0x264: {  	[tilespmem:s21+$0x6680] =	vst v21  }
0x265: {  	[tilespmem:s21+$0x6E80] =	vst v25  }
0x266: {  	vm12 =	vgt.f32 v47, v61;
	v8 =	vsel vm11, $0x6, v56;
	[tilespmem:s21+$0x6690] =	vst v20  }
0x267: {  	[tilespmem:s21+$0x6E90] =	vst v26;
	v40 =	vsel vm12, $0x7, v8;
	v8 =	vmul.f32 v59, v15  }
0x268: {  	v1 =	vadd.f32 v63, v5;
	[tilespmem:s21+$0x66A0] =	vst v23  }
0x269: {  	v63 =	vld.idx.msk [tilespmem:v37+s14+$0x0], $0xffff;
	vm13 =	vgt.f32 v7, v48;
	v21 =	vsel vm7, $0x6, v57;
	[tilespmem:s21+$0x6EA0] =	vst v41;
	v46 =	vadd.f32 v8, v10  }
0x26a: {  	v4 =	vsel vm10, v60, v4;
	v0 =	vadd.f32 v62, v0;
	[tilespmem:s21+$0x66B0] =	vst v22;
	v44 =	vsel vm13, $0x7, v21  }
0x26b: {  	v9 =	vsel vm9, $0x6, v58;
	v3 =	vsel vm10, $0x6, v3;
	[tilespmem:s21+$0x6EB0] =	vst v14;
	v48 =	vsel vm5, v46, v17  }
0x26c: {  	vm14 =	vgt.f32 v1, v6;
	vm15 =	vgt.f32 v0, v4;
	v37 =	vmul.f32 v55, v13;
	[tilespmem:s21+$0x7690] =	vst v48  }
0x26d: {  	v56 =	vsel vm0, v40, v36;
	v47 =	vsel vm14, $0x7, v9;
	v43 =	vmul.f32 v2, v43;
	v50 =	vld.idx.msk [tilespmem:v40+s14+$0x0], $0xffff;
	[tilespmem:s15+$0x6680] =	vst v39  }
0x26e: {  	v3 =	vsel vm15, $0x7, v3;
	v1 =	vadd.f32 v37, v10;
	v45 =	vmul.f32 v63, v42;
	[tilespmem:s15+$0x6E80] =	vst v56  }
0x26f: {  	v2 =	vsel vm1, v44, v33;
	v0 =	vadd.f32 v43, v10;
	v55 =	vld.idx.msk [tilespmem:v44+s14+$0x0], $0xffff;
	[tilespmem:s15+$0x6690] =	vst v38  }
0x270: {  	[tilespmem:s15+$0x6E90] =	vst v2;
	v1 =	vsel vm8, v1, v16;
	v4 =	vadd.f32 v45, v10  }
0x271: {  	[tilespmem:s21+$0x7680] =	vst v1;
	v0 =	vsel vm6, v0, v18  }
0x272: {  	v57 =	vld.idx.msk [tilespmem:v47+s14+$0x0], $0xffff;
	v49 =	vsel vm4, v4, v19;
	[tilespmem:s21+$0x76A0] =	vst v0  }
0x273: {  	v58 =	vld.idx.msk [tilespmem:v3+s14+$0x0], $0xffff;
	[tilespmem:s21+$0x76B0] =	vst v49  }
0x274: {  	v0 =	vmul.f32 v50, v54;
	v2 =	vld [tilespmem:$0x1FDE0];
	_ =	sdelay $0x1  }
0x275: {  	v1 =	vmul.f32 v55, v53;
	[tilespmem:s15+$0x66A0] =	vst v35;
	v0 =	vadd.f32 v0, v10  }
0x276: {  	vm12 =	vmmov vm0;
	v3 =	vsel vm3, v3, v32;
	[tilespmem:s15+$0x66B0] =	vst v34;
	v59 =	vmul.f32 v57, v51  }
0x277: {  	[tilespmem:s15+$0x6EB0] =	vst v3;
	v60 =	vmul.f32 v58, v52;
	v1 =	vadd.f32 v1, v10;
	v0 =	vsel vm12, v0, v29  }
0x278: {  	vm13 =	vmmov vm1;
	v4 =	vadd.f32 v59, v10;
	v2 =	vsel vm2, v47, v2;
	[tilespmem:s15+$0x7680] =	vst v0  }
0x279: {  	vm14 =	vmmov vm2;
	v61 =	vsel vm13, v1, v27;
	[tilespmem:s15+$0x6EA0] =	vst v2;
	v2 =	vadd.f32 v60, v10  }
0x27a: {  	s0 =	smul.u32 $0xFA, s19;
	vm15 =	vmmov vm3;
	[tilespmem:s15+$0x7690] =	vst v61;
	v62 =	vsel vm14, v4, v30  }
0x27b: {  	[tilespmem:s15+$0x76A0] =	vst v62;
	v63 =	vsel vm15, v2, v31  }
0x27c: {  	s16 =	simm.s32 $0x6680;
	s21 =	sadd.s32 s11, s0;
	[tilespmem:s15+$0x76B0] =	vst v63  }
0x27d: {  	[hbm4b:s21+s8] =	stream.linear.scatter [tilespmem:s16], [sflag:$0x3], $0x7D0, $0x38;
	[tilespmem:$0xFE00] =	vst v63  }
0x27e: {  	s17 =	sadd.s32 s12, s0;
	s21 =	simm.s32 $0x6E80  }
0x27f: {  	[hbm4b:s17+s8] =	stream.linear.scatter [tilespmem:s21], [sflag:$0x3], $0x7D0, $0x38;
	[tilespmem:$0xFE00] =	vst v63  }
0x280: {  	s0 =	sadd.s32 s13, s0;
	s17 =	simm.s32 $0x7680  }
0x281: {  	[hbm4b:s0+s8] =	stream.linear.scatter [tilespmem:s17], [sflag:$0x3], $0x7D0, $0x38;
	[tilespmem:$0xFE00] =	vst v63  }
0x282: {  	s0 =	simm.s32 @!p1 $0x2  }
0x283: {  	_ =	swait.ge @!p1 [sflag:s0], $0x7D0  }
0x284: {  	[sflag:s0] =	ssyncset.done @!p1 $0x0  }
0x285: {  	[sflag:s0] =	ssyncadd.s32 @!p1 $0xFFFFF830  }
0x286: {  	_ =	swait.ge @!p1 [sflag:s0], $0x7D0  }
0x287: {  	[sflag:s0] =	ssyncset.done @!p1 $0x0  }
0x288: {  	[sflag:s0] =	ssyncadd.s32 @!p1 $0xFFFFF830  }
0x289: {  	_ =	swait.ge @!p1 [sflag:s0], $0x7D0  }
0x28a: {  	[sflag:s0] =	ssyncset.done @!p1 $0x0  }
0x28b: {  	[sflag:s0] =	ssyncadd.s32 @!p1 $0xFFFFF830  }
0x28c: {  	_ =	swait.ge @!p1 [sflag:s0], $0x7D0  }
0x28d: {  	[sflag:s0] =	ssyncset.done @!p1 $0x0  }
0x28e: {  	[sflag:s0] =	ssyncadd.s32 @!p1 $0xFFFFF830  }
0x28f: {  	p2 =	sgt.u32 s19, $0xE7;
	_ =	swait.ge @!p1 [sflag:s0], $0x7D0  }
0x290: {  	s15 =	smul.u32 @!p2 $0x7D0, s19;
	[sflag:s0] =	ssyncset.done @!p1 $0x0  }
0x291: {  	[sflag:s0] =	ssyncadd.s32 @!p1 $0xFFFFF830  }
0x292: {  	s16 =	sshrl.u32 @!p2 s15, $0x3;
	_ =	swait.ge @!p1 [sflag:s0], $0x3E80  }
0x293: {  	s16 =	sadd.s32 @!p2 $0x2EE00, s16;
	[sflag:s0] =	ssyncset.done @!p1 $0x0  }
0x294: {  	s17 =	simm.s32 @!p2 $0x0;
	[sflag:s0] =	ssyncadd.s32 @!p1 $0xFFFFC180;
	s0 =	sadd.s32 @!p2 s1, s16  }
0x295: {  	[tilespmem:s17], [sflag:$0x1] =	stream.linear.gather @!p2 [hbm4b:s0+s17], $0x7D0, $0x38;
	[tilespmem:$0xFE00] =	vst v63  }
0x296: {  	s21 =	simm.s32 @!p2 $0x800;
	s0 =	sadd.s32 @!p2 s2, s16  }
0x297: {  	[tilespmem:s21], [sflag:$0x1] =	stream.linear.gather @!p2 [hbm4b:s0+s17], $0x7D0, $0x38;
	[tilespmem:$0xFE00] =	vst v63  }
0x298: {  	s0 =	sadd.s32 @!p2 s4, s16;
	s21 =	simm.s32 @!p2 $0x1000  }
0x299: {  	[tilespmem:s21], [sflag:$0x1] =	stream.linear.gather @!p2 [hbm4b:s0+s17], $0x7D0, $0x38;
	[tilespmem:$0xFE00] =	vst v63  }
0x29a: {  	s0 =	sadd.s32 @!p2 s5, s16;
	s21 =	simm.s32 @!p2 $0x1800  }
0x29b: {  	[tilespmem:s21], [sflag:$0x1] =	stream.linear.gather @!p2 [hbm4b:s0+s17], $0x7D0, $0x38;
	[tilespmem:$0xFE00] =	vst v63  }
0x29c: {  	s0 =	sadd.s32 @!p2 s9, s16;
	s16 =	simm.s32 @!p2 $0x2000  }
0x29d: {  	[tilespmem:s16], [sflag:$0x1] =	stream.linear.gather @!p2 [hbm4b:s0+s17], $0x7D0, $0x38;
	[tilespmem:$0xFE00] =	vst v63  }
0x29e: {  	s0 =	rddreg [dreg:$0xe]  }
0x29f: {  	s21 =	sadd.s32 $0xFFFFFFE0, s19;
	s0 =	sadd.s32 @!p2 s15, s0;
	s15 =	simm.s32 @!p2 $0x2800  }
0x2a0: {  	[tilespmem:s15], [sflag:$0x1] =	stream.linear.gather @!p2 [hbm4b:s0+s17], $0x3E80, $0x38;
	[tilespmem:$0xFE00] =	vst v63  }
0x2a1: {  	p2 =	sgt.u32 s21, $0x127  }
0x2a2: {  	s0 =	simm.s32 @!p2 $0x4  }
0x2a3: {  	_ =	swait.ge @!p2 [sflag:s0], $0x7D0  }
0x2a4: {  	[sflag:s0] =	ssyncset.done @!p2 $0x0  }
0x2a5: {  	[sflag:s0] =	ssyncadd.s32 @!p2 $0xFFFFF830  }
0x2a6: {  	_ =	swait.ge @!p2 [sflag:s0], $0x7D0  }
.Ltmp5:
0x2a7: {  	[sflag:s0] =	ssyncset.done @!p2 $0x0;
	(pc) =	sbr.rel @p1 .LBB2_8-.Ltmp5, $4  }
0x2a8: {  	[sflag:s0] =	ssyncadd.s32 @!p2 $0xFFFFF830  }
0x2a9: {  	_ =	swait.ge @!p2 [sflag:s0], $0x7D0  }
0x2aa: {  	[sflag:s0] =	ssyncset.done @!p2 $0x0  }
0x2ab: {  	[sflag:s0] =	ssyncadd.s32 @!p2 $0xFFFFF830  }
0x2ac: {  	v59 =	vld [tilespmem:$0x1FF90]  }
0x2ad: {  	s19 =	simm.s32 $0x0;
	v48 =	vld [tilespmem:$0x1FFB0]  }
0x2ae: {  	v0 =	vld [tilespmem:s19+$0x9EC0]  }
0x2af: {  	v1 =	vld [tilespmem:s19+$0x96C0]  }
0x2b0: {  	v2 =	vld [tilespmem:s19+$0x8EC0]  }
0x2b1: {  	v4 =	vld [tilespmem:s19+$0x86C0]  }
0x2b2: {  	v46 =	vld [tilespmem:$0x1FFC0]  }
0x2b3: {  	v35 =	vld [tilespmem:s19+$0x7EC0];
	vm0 =	veq.s32 v0, $0x0  }
0x2b4: {  	v5 =	vld [tilespmem:s19+$0x9E80];
	v45 =	vsel vm0, v1, v10  }
0x2b5: {  	v6 =	vld [tilespmem:s19+$0x9EA0];
	v42 =	vnsel vm0, $0x2, v2;
	vm0 =	vle.f32 v45, v10  }
0x2b6: {  	v7 =	vld [tilespmem:s19+$0x9EB0];
	v1 =	vsel vm0, v42, v4  }
0x2b7: {  	v0 =	vld [tilespmem:s19+$0x9E90];
	[tilespmem:$0x1FB90] =	vst v1  }
0x2b8: {  	v4 =	vld [tilespmem:s19+$0x9680]  }
0x2b9: {  	v8 =	vld [tilespmem:s19+$0x9690]  }
0x2ba: {  	v9 =	vld [tilespmem:s19+$0xCDD0]  }
0x2bb: {  	v26 =	vmov v11;
	v11 =	vld.idx.msk [tilespmem:v35+s22+$0x0], $0xffff  }
0x2bc: {  	v15 =	vld [tilespmem:s19+$0xA6C0]  }
0x2bd: {  	s0 =	simm.s32 $0x0;
	v16 =	vld [tilespmem:s19+$0xAE90]  }
0x2be: {  	s0 =	sand.u32 $0x7F0, s0;
	v21 =	vld [tilespmem:s19+$0xB660]  }
0x2bf: {  	v22 =	vld [tilespmem:s0+$0xC600]  }
0x2c0: {  	v51 =	vld.idx.msk [tilespmem:v1+s6+$0x0], $0xffff  }
0x2c1: {  	v13 =	vld.idx.msk [tilespmem:v1+s3+$0x0], $0xffff  }
0x2c2: {  	v14 =	vld.idx.msk [tilespmem:v1+s7+$0x0], $0xffff  }
0x2c3: {  	v60 =	vmov v12;
	v23 =	vld [tilespmem:s19+$0x96A0];
	v17 =	vmul.f32 v11, v26  }
0x2c4: {  	v19 =	vld.idx.msk [tilespmem:v1+s24+$0x0], $0xffff;
	v18 =	vmul.f32 v11, v60  }
0x2c5: {  	v20 =	vmul.f32 v11, v24;
	v12 =	vadd.f32 v17, v51;
	v17 =	vld.idx.msk [tilespmem:v1+s25+$0x0], $0xffff  }
0x2c6: {  	v13 =	vadd.f32 v13, v18;
	v18 =	vld [tilespmem:s19+$0xBE30]  }
0x2c7: {  	v25 =	vld [tilespmem:s19+$0x96B0];
	v52 =	vmul.f32 v11, v59;
	v14 =	vadd.f32 v14, v20  }
0x2c8: {  	v12 =	vadd.f32 v15, v12;
	v13 =	vadd.f32 v16, v13;
	v16 =	vld.idx.msk [tilespmem:v1+s26+$0x0], $0xffff  }
0x2c9: {  	v20 =	vmul.f32 v11, v28;
	v15 =	vadd.f32 v19, v52;
	v19 =	vld.idx.msk [tilespmem:v1+s28+$0x0], $0xffff  }
0x2ca: {  	v55 =	vld [tilespmem:s19+$0xDD70];
	v14 =	vadd.f32 v21, v14;
	vm1 =	vgt.f32 v13, v12  }
0x2cb: {  	v12 =	vsel vm1, v13, v12;
	v15 =	vadd.f32 v18, v15;
	v17 =	vadd.f32 v17, v20;
	v18 =	vld [tilespmem:s19+$0xD5A0]  }
0x2cc: {  	v3 =	vld [tilespmem:s19+$0x7E80];
	v53 =	vmul.f32 v11, v48;
	v54 =	vmul.f32 v11, v46;
	vm2 =	vgt.f32 v14, v12  }
0x2cd: {  	v57 =	vld [tilespmem:s19+$0x8E90];
	v12 =	vsel vm2, v14, v12;
	v17 =	vadd.f32 v22, v17  }
0x2ce: {  	v21 =	vld.idx.msk [tilespmem:v1+s29+$0x0], $0xffff;
	v13 =	vadd.f32 v16, v53;
	v56 =	vadd.f32 v19, v54;
	vm3 =	vgt.f32 v15, v12  }
0x2cf: {  	v16 =	vld [tilespmem:s19+$0x8E80];
	v12 =	vsel vm3, v15, v12  }
0x2d0: {  	v9 =	vadd.f32 v9, v13;
	vm4 =	vgt.f32 v17, v12;
	v13 =	vadd.f32 v18, v56;
	v18 =	vld [tilespmem:s19+$0x8EB0]  }
0x2d1: {  	v12 =	vsel vm4, v17, v12;
	v17 =	vld [tilespmem:s19+$0x8EA0];
	[tilespmem:$0x1FB00] =	vst v3  }
0x2d2: {  	v2 =	vld [tilespmem:s19+$0x7E90]  }
0x2d3: {  	v1 =	vld [tilespmem:$0x1FFD0];
	_ =	sdelay $0x3  }
0x2d4: {  	[tilespmem:$0x1FB10] =	vst v2  }
0x2d5: {  	v11 =	vmul.f32 v11, v1;
	v61 =	vld [tilespmem:s19+$0x7EA0]  }
0x2d6: {  	v1 =	vimm.s32 $0x0  }
0x2d7: {  	v19 =	vsel vm1, $0x1, v1;
	v11 =	vadd.f32 v21, v11;
	vm1 =	vgt.f32 v9, v12  }
0x2d8: {  	v19 =	vsel vm2, $0x2, v19;
	v9 =	vsel vm1, v9, v12  }
0x2d9: {  	v19 =	vsel vm3, $0x3, v19;
	v11 =	vadd.f32 v55, v11;
	vm2 =	vgt.f32 v13, v9  }
0x2da: {  	v58 =	vsel vm4, $0x4, v19;
	v9 =	vsel vm2, v13, v9;
	[tilespmem:$0x1FB20] =	vst v61  }
0x2db: {  	v12 =	vsel vm1, $0x5, v58;
	vm1 =	vgt.f32 v11, v9;
	v9 =	vld [tilespmem:s19+$0x7EB0];
	_ =	sdelay $0x3  }
0x2dc: {  	v12 =	vsel vm2, $0x6, v12  }
0x2dd: {  	v19 =	vsel vm1, $0x7, v12;
	[tilespmem:$0x1FB30] =	vst v9  }
0x2de: {  	v11 =	vld [tilespmem:s19+$0x8680]  }
0x2df: {  	vm1 =	veq.s32 v5, $0x0;
	v62 =	vld [tilespmem:s19+$0x8690]  }
0x2e0: {  	v1 =	vnsel vm1, $0x2, v16;
	v5 =	vld [tilespmem:s19+$0x86A0]  }
0x2e1: {  	vm2 =	veq.s32 v0, $0x0;
	v21 =	vsel vm1, v4, v10;
	v4 =	vld [tilespmem:s19+$0x86B0];
	[tilespmem:$0x1FB40] =	vst v1  }
0x2e2: {  	v0 =	vsel vm2, v8, v10;
	v28 =	vld.idx.msk [tilespmem:v19+s14+$0x0], $0xffff  }
0x2e3: {  	vm6 =	vle.f32 v0, v10;
	v55 =	vld.idx.msk [tilespmem:v3+s22+$0x0], $0xffff;
	[tilespmem:$0x1F9F0] =	vst v0;
	v0 =	vnsel vm2, $0x2, v57  }
0x2e4: {  	vm1 =	veq.s32 v6, $0x0;
	vm2 =	veq.s32 v7, $0x0;
	[tilespmem:$0x1FB50] =	vst v0  }
0x2e5: {  	v25 =	vsel vm2, v25, v10;
	v54 =	vld.idx.msk [tilespmem:v2+s22+$0x0], $0xffff;
	v2 =	vnsel vm1, $0x2, v17  }
0x2e6: {  	v23 =	vsel vm1, v23, v10;
	v3 =	vimm.s32 $0x0;
	v49 =	vld.idx.msk [tilespmem:v61+s22+$0x0], $0xffff;
	vm1 =	vle.f32 v25, v10;
	[tilespmem:$0x1FB60] =	vst v2  }
0x2e7: {  	v3 =	vsel vm1, $0xFFFFFFFF, v3;
	v40 =	vld.idx.msk [tilespmem:v9+s22+$0x0], $0xffff  }
0x2e8: {  	v13 =	vld [tilespmem:s0+$0xAE80];
	[tilespmem:$0x1FB70] =	vst v3;
	v3 =	vnsel vm2, $0x2, v18  }
0x2e9: {  	[tilespmem:$0x1FB80] =	vst v3  }
0x2ea: {  	v34 =	vld [tilespmem:s19+$0xA680]  }
0x2eb: {  	vm5 =	vle.f32 v21, v10;
	v51 =	vld [tilespmem:s19+$0xAE50]  }
0x2ec: {  	v1 =	vsel vm5, v1, v11;
	v53 =	vld [tilespmem:s19+$0xA690]  }
0x2ed: {  	v56 =	vld [tilespmem:s19+$0xAE60]  }
0x2ee: {  	v0 =	vsel vm6, v0, v62;
	v57 =	vld [tilespmem:s19+$0xA6A0]  }
0x2ef: {  	vm7 =	vle.f32 v23, v10;
	v58 =	vld [tilespmem:s19+$0xAE70]  }
0x2f0: {  	v2 =	vsel vm7, v2, v5;
	v27 =	vld [tilespmem:s19+$0xA6B0]  }
0x2f1: {  	v6 =	vld.idx.msk [tilespmem:v1+s6+$0x0], $0xffff  }
0x2f2: {  	v22 =	vsel vm1, v3, v4;
	v4 =	vld.idx.msk [tilespmem:v1+s3+$0x0], $0xffff  }
0x2f3: {  	v7 =	vld.idx.msk [tilespmem:v0+s6+$0x0], $0xffff  }
0x2f4: {  	v8 =	vld.idx.msk [tilespmem:v0+s3+$0x0], $0xffff  }
0x2f5: {  	v11 =	vld.idx.msk [tilespmem:v2+s6+$0x0], $0xffff  }
0x2f6: {  	v12 =	vld.idx.msk [tilespmem:v2+s3+$0x0], $0xffff  }
0x2f7: {  	v16 =	vld.idx.msk [tilespmem:v1+s7+$0x0], $0xffff  }
0x2f8: {  	v17 =	vld.idx.msk [tilespmem:v0+s7+$0x0], $0xffff  }
0x2f9: {  	v20 =	vld.idx.msk [tilespmem:v2+s7+$0x0], $0xffff  }
0x2fa: {  	v3 =	vld.idx.msk [tilespmem:v2+s24+$0x0], $0xffff  }
0x2fb: {  	v29 =	vld.idx.msk [tilespmem:v1+s24+$0x0], $0xffff  }
0x2fc: {  	v61 =	vld.idx.msk [tilespmem:v0+s24+$0x0], $0xffff  }
0x2fd: {  	v14 =	vld.idx.msk [tilespmem:v22+s6+$0x0], $0xffff  }
0x2fe: {  	v15 =	vld.idx.msk [tilespmem:v22+s3+$0x0], $0xffff  }
0x2ff: {  	v30 =	vld.idx.msk [tilespmem:v22+s7+$0x0], $0xffff;
	[tilespmem:$0x1FA30] =	vst v3  }
0x300: {  	v3 =	vld.idx.msk [tilespmem:v22+s24+$0x0], $0xffff;
	_ =	sdelay $0x4  }
0x301: {  	[tilespmem:$0x1FA40] =	vst v3  }
0x302: {  	v62 =	vld [tilespmem:s19+$0xB620]  }
0x303: {  	v3 =	vld.idx.msk [tilespmem:v2+s25+$0x0], $0xffff  }
0x304: {  	v63 =	vld [tilespmem:s19+$0xB630]  }
0x305: {  	v52 =	vld [tilespmem:s19+$0xB640]  }
0x306: {  	v50 =	vld [tilespmem:s19+$0xB650]  }
0x307: {  	v31 =	vld.idx.msk [tilespmem:v1+s25+$0x0], $0xffff  }
0x308: {  	v38 =	vld.idx.msk [tilespmem:v0+s25+$0x0], $0xffff;
	[tilespmem:$0x1FA60] =	vst v3  }
0x309: {  	v3 =	vld.idx.msk [tilespmem:v22+s25+$0x0], $0xffff;
	_ =	sdelay $0x4  }
0x30a: {  	[tilespmem:$0x1FA80] =	vst v3  }
0x30b: {  	v3 =	vld [tilespmem:s19+$0xBE10];
	_ =	sdelay $0x3  }
0x30c: {  	v32 =	vld [tilespmem:s0+$0xBE00]  }
0x30d: {  	v37 =	vld [tilespmem:s19+$0xBDF0];
	[tilespmem:$0x1FA50] =	vst v3  }
0x30e: {  	v3 =	vld [tilespmem:s19+$0xBE20];
	_ =	sdelay $0x4  }
0x30f: {  	[tilespmem:$0x1FA70] =	vst v3  }
0x310: {  	v3 =	vld.idx.msk [tilespmem:v2+s26+$0x0], $0xffff;
	_ =	sdelay $0x3  }
0x311: {  	v43 =	vld.idx.msk [tilespmem:v1+s26+$0x0], $0xffff  }
0x312: {  	v44 =	vld.idx.msk [tilespmem:v0+s26+$0x0], $0xffff;
	[tilespmem:$0x1FAA0] =	vst v3  }
0x313: {  	v5 =	vld.idx.msk [tilespmem:v22+s26+$0x0], $0xffff;
	_ =	sdelay $0x4  }
0x314: {  	[tilespmem:$0x1FAB0] =	vst v5  }
0x315: {  	v9 =	vld [tilespmem:s19+$0xC5E0];
	_ =	sdelay $0x1  }
0x316: {  	v3 =	vmul.f32 v55, v60;
	_ =	sdelay $0x1  }
0x317: {  	v5 =	vadd.f32 v4, v3;
	v3 =	vmul.f32 v49, v26;
	v33 =	vld [tilespmem:s19+$0xC5C0]  }
0x318: {  	v41 =	vld [tilespmem:s19+$0xC5D0];
	[tilespmem:$0x1FA90] =	vst v9  }
0x319: {  	v9 =	vadd.f32 v3, v11;
	v3 =	vld [tilespmem:s19+$0xC5F0];
	_ =	sdelay $0x1  }
0x31a: {  	v11 =	vmul.f32 v40, v26  }
0x31b: {  	v35 =	vcvt.s32.f32 v35;
	v4 =	vmul.f32 v54, v60  }
0x31c: {  	v18 =	vmul.f32 v49, v60;
	v14 =	vadd.f32 v11, v14;
	v11 =	vmul.f32 v55, v24  }
0x31d: {  	v39 =	vmul.f32 v55, v26;
	v4 =	vadd.f32 v8, v4;
	[tilespmem:$0x1FAC0] =	vst v3  }
0x31e: {  	v8 =	vadd.f32 v12, v18;
	v12 =	vmul.f32 $9.999999770e-03, v35;
	v16 =	vadd.f32 v16, v11;
	v11 =	vld.idx.msk [tilespmem:v22+s28+$0x0], $0xffff  }
0x31f: {  	v6 =	vadd.f32 v39, v6  }
0x320: {  	v39 =	vmul.f32 v54, v26;
	v35 =	vmul.f32 v40, v60;
	v12 =	vadd.f32 $1.000000000e+00, v12  }
0x321: {  	v18 =	vmul.f32 v54, v24;
	v36 =	vld.idx.msk [tilespmem:v1+s28+$0x0], $0xffff  }
0x322: {  	v7 =	vadd.f32 v39, v7;
	v15 =	vadd.f32 v15, v35;
	v12 =	vmul.f32 v28, v12;
	v39 =	vld.idx.msk [tilespmem:v0+s28+$0x0], $0xffff  }
0x323: {  	v18 =	vadd.f32 v17, v18;
	v3 =	vmul.f32 v49, v24;
	v35 =	vld.idx.msk [tilespmem:v2+s28+$0x0], $0xffff;
	[tilespmem:$0x1FAE0] =	vst v11  }
0x324: {  	v17 =	vmul.f32 v40, v24;
	v13 =	vadd.f32 v13, v15;
	v28 =	vadd.f32 v12, v10;
	v15 =	vld [tilespmem:s19+$0xCD90]  }
0x325: {  	v11 =	vadd.f32 v20, v3;
	v3 =	vsel vm0, v19, v42;
	v20 =	vld [tilespmem:s19+$0xCDA0]  }
0x326: {  	v17 =	vadd.f32 v30, v17;
	v30 =	vld [tilespmem:s19+$0xCDB0];
	[tilespmem:$0x1FBA0] =	vst v3;
	v3 =	vsel vm0, v28, v45  }
0x327: {  	v6 =	vadd.f32 v34, v6;
	v34 =	vld [tilespmem:s19+$0xCDC0];
	[tilespmem:$0x1FBB0] =	vst v3  }
0x328: {  	[tilespmem:$0x1FA00] =	vst v1  }
0x329: {  	v28 =	vld.idx.msk [tilespmem:v1+s29+$0x0], $0xffff  }
0x32a: {  	v5 =	vadd.f32 v51, v5;
	[tilespmem:$0x1FA10] =	vst v0;
	v1 =	vadd.f32 v52, v11;
	v11 =	vld [tilespmem:$0x1FFA0]  }
0x32b: {  	v7 =	vadd.f32 v53, v7;
	v4 =	vadd.f32 v56, v4;
	v42 =	vld.idx.msk [tilespmem:v0+s29+$0x0], $0xffff;
	[tilespmem:$0x1FA20] =	vst v2  }
0x32c: {  	v8 =	vadd.f32 v58, v8;
	vm2 =	vgt.f32 v5, v6;
	v3 =	vadd.f32 v57, v9;
	v0 =	vld.idx.msk [tilespmem:v22+s29+$0x0], $0xffff  }
0x32d: {  	v5 =	vsel vm2, v5, v6;
	vm8 =	vgt.f32 v4, v7  }
0x32e: {  	v6 =	vadd.f32 v27, v14;
	v9 =	vmul.f32 v55, v59;
	vm12 =	vgt.f32 v8, v3  }
0x32f: {  	v4 =	vsel vm8, v4, v7;
	v58 =	vld.idx.msk [tilespmem:v2+s29+$0x0], $0xffff;
	v2 =	vsel vm12, v8, v3;
	v3 =	vadd.f32 v62, v16  }
0x330: {  	vm3 =	vgt.f32 v13, v6;
	v7 =	vadd.f32 v29, v9;
	v9 =	vmul.f32 v54, v59  }
0x331: {  	vm9 =	vgt.f32 v3, v5;
	[tilespmem:$0x1FAF0] =	vst v0;
	v0 =	vadd.f32 v63, v18;
	v63 =	vmul.f32 v55, v11;
	v11 =	vld [tilespmem:$0x1FFA0]  }
0x332: {  	s15 =	simm.s32 $0x50;
	v6 =	vsel vm3, v13, v6;
	v3 =	vsel vm9, v3, v5;
	v5 =	vadd.f32 v50, v17;
	v13 =	vld [tilespmem:s19+$0xD560]  }
0x333: {  	v47 =	vimm.s32 $0x0;
	v9 =	vadd.f32 v61, v9;
	v16 =	vld [tilespmem:s15+$0x9EC0]  }
0x334: {  	vm0 =	vgt.f32 v1, v2;
	v61 =	vmul.f32 v55, v46;
	vm11 =	vgt.f32 v5, v6;
	v17 =	vld [tilespmem:s15+$0x96C0]  }
0x335: {  	v9 =	vadd.f32 v32, v9;
	v57 =	vsel vm11, v5, v6;
	v6 =	vld [tilespmem:s15+$0x7EC0];
	vm14 =	vgt.f32 v0, v4  }
0x336: {  	v5 =	vadd.f32 v37, v7;
	v0 =	vsel vm14, v0, v4;
	v4 =	vadd.f32 v31, v63;
	v31 =	vld [tilespmem:s15+$0x8EC0]  }
0x337: {  	v56 =	vsel vm0, v1, v2;
	v8 =	vadd.f32 v36, v61;
	vm4 =	vgt.f32 v9, v0  }
0x338: {  	v27 =	vld [tilespmem:s15+$0x86C0];
	vm15 =	vgt.f32 v5, v3;
	v45 =	vmul.f32 v54, v11;
	v0 =	vsel vm4, v9, v0  }
0x339: {  	v50 =	vadd.f32 v33, v4;
	vm1 =	veq.s32 v16, $0x0;
	v16 =	vmul.f32 v55, v48  }
0x33a: {  	v8 =	vadd.f32 v13, v8;
	v2 =	vadd.f32 v38, v45;
	v4 =	vsel vm1, v17, v10  }
0x33b: {  	v9 =	vnsel vm1, $0x2, v31;
	vm10 =	vle.f32 v4, v10;
	v31 =	vsel vm15, v5, v3;
	v3 =	vld [tilespmem:$0x1FFD0]  }
0x33c: {  	v1 =	vld [tilespmem:$0x1FFA0];
	v16 =	vadd.f32 v43, v16;
	v2 =	vadd.f32 v41, v2;
	vm1 =	vgt.f32 v50, v31  }
0x33d: {  	v53 =	vsel vm10, v9, v27;
	v27 =	vmul.f32 v54, v48;
	v32 =	vld.idx.msk [tilespmem:v6+s22+$0x0], $0xffff;
	v14 =	vsel vm1, v50, v31  }
0x33e: {  	v7 =	vld [tilespmem:s19+$0xD570];
	v15 =	vadd.f32 v15, v16;
	v16 =	vsel vm2, $0x1, v47;
	vm2 =	vgt.f32 v2, v0  }
0x33f: {  	v17 =	vld [tilespmem:s19+$0xDD30];
	v27 =	vadd.f32 v44, v27;
	v62 =	vsel vm9, $0x2, v16;
	v0 =	vsel vm2, v2, v0  }
0x340: {  	v29 =	vld [tilespmem:s19+$0xDD40];
	vm13 =	vgt.f32 v15, v14;
	v13 =	vsel vm15, $0x3, v62;
	v31 =	vmul.f32 v55, v3  }
0x341: {  	v43 =	vld [tilespmem:s15+$0xA6C0];
	v14 =	vsel vm13, v15, v14;
	v63 =	vmul.f32 v54, v3;
	v18 =	vadd.f32 v20, v27  }
0x342: {  	v16 =	vld.idx.msk [tilespmem:v53+s3+$0x0], $0xffff;
	vm9 =	vgt.f32 v8, v14;
	v27 =	vmul.f32 v32, v60;
	v2 =	vadd.f32 v28, v31  }
0x343: {  	v52 =	vmul.f32 v32, v59;
	v28 =	vmul.f32 v54, v46;
	v31 =	vld.idx.msk [tilespmem:v53+s6+$0x0], $0xffff;
	v15 =	vadd.f32 v42, v63  }
0x344: {  	v41 =	vld.idx.msk [tilespmem:v53+s7+$0x0], $0xffff;
	v8 =	vsel vm9, v8, v14;
	v54 =	vsel vm3, $0x1, v47;
	v2 =	vadd.f32 v17, v2  }
0x345: {  	v44 =	vld [tilespmem:s15+$0xAE90];
	v28 =	vadd.f32 v39, v28;
	v17 =	vsel vm8, $0x1, v47;
	v15 =	vadd.f32 v29, v15  }
0x346: {  	v17 =	vsel vm14, $0x2, v17;
	vm8 =	vgt.f32 v2, v8;
	v2 =	vmul.f32 v32, v26;
	v8 =	vld.idx.msk [tilespmem:v53+s24+$0x0], $0xffff  }
0x347: {  	v45 =	vld [tilespmem:s15+$0xB660];
	vm14 =	vgt.f32 v18, v0;
	v7 =	vadd.f32 v7, v28;
	v28 =	vmul.f32 v32, v24  }
0x348: {  	v0 =	vsel vm14, v18, v0;
	v16 =	vadd.f32 v16, v27;
	v27 =	vld [tilespmem:s15+$0xBE30];
	v2 =	vadd.f32 v2, v31  }
0x349: {  	v50 =	vld.idx.msk [tilespmem:v53+s25+$0x0], $0xffff;
	v31 =	vsel vm12, $0x1, v47;
	v18 =	vadd.f32 v41, v28;
	vm12 =	vgt.f32 v7, v0  }
0x34a: {  	v63 =	vld.idx.msk [tilespmem:v53+s29+$0x0], $0xffff;
	v0 =	vsel vm12, v7, v0;
	v7 =	vadd.f32 v44, v16;
	v2 =	vadd.f32 v43, v2  }
0x34b: {  	s16 =	simm.s32 $0x50;
	v41 =	vmul.f32 v32, v46;
	v16 =	vmul.f32 v32, v1;
	v1 =	vld [tilespmem:$0x1FA30];
	v8 =	vadd.f32 v8, v52  }
0x34c: {  	s21 =	sand.u32 $0x7F0, s16;
	v55 =	vld.idx.msk [tilespmem:v53+s26+$0x0], $0xffff;
	v28 =	vsel vm0, $0x2, v31;
	v43 =	vmul.f32 v49, v59;
	vm0 =	vgt.f32 v7, v2  }
0x34d: {  	v29 =	vld [tilespmem:s21+$0xC600];
	v2 =	vsel vm0, v7, v2;
	v7 =	vadd.f32 v27, v8;
	v27 =	vsel vm11, $0x2, v54  }
0x34e: {  	v62 =	vld.idx.msk [tilespmem:v53+s28+$0x0], $0xffff;
	vm11 =	vgt.f32 v15, v0;
	v0 =	vmul.f32 v32, v48;
	v32 =	vmul.f32 v32, v3  }
0x34f: {  	v18 =	vadd.f32 v45, v18;
	v8 =	vadd.f32 v50, v16;
	v16 =	vld [tilespmem:s15+$0xCDD0]  }
0x350: {  	v15 =	vadd.f32 v63, v32;
	v32 =	vadd.f32 v1, v43;
	v1 =	vld [tilespmem:$0x1FA40]  }
0x351: {  	vm3 =	vgt.f32 v18, v2  }
0x352: {  	v2 =	vsel vm3, v18, v2;
	v8 =	vadd.f32 v29, v8;
	v29 =	vld [tilespmem:s15+$0xD5A0];
	v0 =	vadd.f32 v55, v0  }
0x353: {  	v44 =	vmul.f32 v40, v59;
	v18 =	vsel vm0, $0x1, v47;
	vm0 =	vgt.f32 v7, v2  }
0x354: {  	v18 =	vsel vm3, $0x2, v18;
	v2 =	vsel vm0, v7, v2;
	v0 =	vadd.f32 v16, v0  }
0x355: {  	vm3 =	vgt.f32 v8, v2;
	v16 =	vadd.f32 v62, v41;
	v33 =	vadd.f32 v1, v44;
	v1 =	vld [tilespmem:$0x1FFA0]  }
0x356: {  	v2 =	vsel vm3, v8, v2  }
0x357: {  	v18 =	vsel vm0, $0x3, v18;
	v16 =	vadd.f32 v29, v16;
	vm0 =	vgt.f32 v0, v2  }
0x358: {  	v0 =	vsel vm0, v0, v2  }
0x359: {  	v18 =	vsel vm3, $0x4, v18;
	vm3 =	vgt.f32 v16, v0  }
0x35a: {  	v0 =	vsel vm3, v16, v0;
	v16 =	vmul.f32 v49, v1;
	v1 =	vld [tilespmem:$0x1FA50];
	_ =	sdelay $0x4  }
0x35b: {  	v45 =	vadd.f32 v1, v32;
	v1 =	vld [tilespmem:$0x1FA60]  }
0x35c: {  	v42 =	vld [tilespmem:s15+$0xDD70];
	_ =	sdelay $0x3  }
0x35d: {  	v16 =	vadd.f32 v1, v16;
	v1 =	vld [tilespmem:$0x1FA70]  }
0x35e: {  	v15 =	vadd.f32 v42, v15  }
0x35f: {  	v51 =	vld [tilespmem:s0+$0xD580]  }
0x360: {  	v18 =	vsel vm0, $0x5, v18;
	vm0 =	vgt.f32 v15, v0;
	v0 =	vld [tilespmem:$0x1FFA0]  }
0x361: {  	v12 =	vld [tilespmem:s19+$0xDD60]  }
0x362: {  	v33 =	vadd.f32 v1, v33;
	v1 =	vld [tilespmem:$0x1FA80]  }
0x363: {  	v61 =	vld [tilespmem:s15+$0x9E80]  }
0x364: {  	v36 =	vld [tilespmem:s15+$0x8E80]  }
0x365: {  	v37 =	vld [tilespmem:s15+$0x8E90];
	v0 =	vmul.f32 v40, v0  }
0x366: {  	v11 =	vld [tilespmem:s19+$0xD590]  }
0x367: {  	v0 =	vadd.f32 v1, v0;
	v1 =	vld [tilespmem:$0x1FA90]  }
0x368: {  	v38 =	vld [tilespmem:s15+$0x9690]  }
0x369: {  	v5 =	vld [tilespmem:s19+$0xDD50]  }
0x36a: {  	v20 =	vld [tilespmem:$0x1FAE0]  }
0x36b: {  	v14 =	vld [tilespmem:s15+$0x9EA0]  }
0x36c: {  	v16 =	vadd.f32 v1, v16;
	v1 =	vld [tilespmem:$0x1FAA0]  }
0x36d: {  	v31 =	vld [tilespmem:s15+$0x9E90]  }
0x36e: {  	v54 =	vld [tilespmem:s15+$0x7E90]  }
0x36f: {  	v47 =	vmul.f32 v49, v48;
	v55 =	vld [tilespmem:s15+$0x7E80]  }
0x370: {  	v63 =	vld [tilespmem:s15+$0x8680]  }
0x371: {  	v41 =	vadd.f32 v1, v47;
	v1 =	vld [tilespmem:$0x1FAB0]  }
0x372: {  	v7 =	vld [tilespmem:s15+$0x9EB0]  }
0x373: {  	v42 =	vld [tilespmem:s15+$0x8EB0]  }
0x374: {  	v50 =	vmul.f32 v40, v48;
	v8 =	vld [tilespmem:s15+$0x9680]  }
0x375: {  	v29 =	vld [tilespmem:s15+$0x96A0]  }
0x376: {  	v18 =	vsel vm3, $0x6, v18;
	v43 =	vadd.f32 v1, v50;
	v1 =	vld [tilespmem:$0x1FAC0]  }
0x377: {  	v6 =	vcvt.s32.f32 v6;
	v2 =	vld [tilespmem:s15+$0x96B0];
	v18 =	vsel vm0, $0x7, v18  }
0x378: {  	v13 =	vsel vm1, $0x4, v13;
	vm1 =	veq.s32 v61, $0x0;
	v32 =	vld [tilespmem:s15+$0x8EA0];
	vm3 =	vgt.f32 v45, v56  }
0x379: {  	v17 =	vsel vm4, $0x3, v17;
	v15 =	vsel vm3, v45, v56;
	v56 =	vld [tilespmem:s15+$0x7EA0];
	vm0 =	vgt.f32 v33, v57  }
0x37a: {  	v17 =	vsel vm2, $0x4, v17;
	v33 =	vsel vm0, v33, v57;
	v57 =	vld [tilespmem:s15+$0x7EB0];
	vm15 =	vgt.f32 v16, v15  }
0x37b: {  	vm2 =	veq.s32 v31, $0x0;
	v15 =	vsel vm15, v16, v15;
	v16 =	vld [tilespmem:s15+$0x8690];
	v0 =	vadd.f32 v1, v0  }
0x37c: {  	v62 =	vmul.f32 v49, v46;
	v52 =	vld.idx.msk [tilespmem:v18+s14+$0x0], $0xffff;
	v45 =	vsel vm3, $0x3, v28;
	vm3 =	veq.s32 v14, $0x0  }
0x37d: {  	v19 =	vmovc v46;
	v29 =	vsel vm3, v29, v10;
	v46 =	vsel vm0, $0x3, v27;
	v47 =	vld [tilespmem:s15+$0x86A0];
	vm4 =	vgt.f32 v0, v33  }
0x37e: {  	v28 =	vld [tilespmem:$0x1FFA0];
	v27 =	vsel vm2, v38, v10;
	v50 =	vsel vm4, v0, v33;
	v0 =	vnsel vm1, $0x2, v36  }
0x37f: {  	v33 =	vsel vm1, v8, v10;
	v8 =	vld [tilespmem:s15+$0x86B0];
	v36 =	vnsel vm2, $0x2, v37;
	vm1 =	vle.f32 v27, v10;
	[tilespmem:$0x1FAD0] =	vst v0  }
0x380: {  	v1 =	vadd.f32 v35, v62;
	vm0 =	vle.f32 v33, v10;
	v38 =	vsel vm1, v36, v16;
	v62 =	vld.idx.msk [tilespmem:v55+s22+$0x0], $0xffff  }
0x381: {  	v32 =	vnsel vm3, $0x2, v32;
	vm2 =	vle.f32 v29, v10;
	v39 =	vsel vm0, v0, v63;
	v63 =	vld.idx.msk [tilespmem:v54+s22+$0x0], $0xffff  }
0x382: {  	v35 =	vsel vm2, v32, v47;
	v0 =	vld.idx.msk [tilespmem:v56+s22+$0x0], $0xffff  }
0x383: {  	v6 =	vmul.f32 $9.999999770e-03, v6;
	v14 =	vsel vm15, $0x4, v45;
	vm15 =	veq.s32 v7, $0x0;
	v61 =	vld.idx.msk [tilespmem:v57+s22+$0x0], $0xffff  }
0x384: {  	v7 =	vadd.f32 v30, v41;
	v30 =	vsel vm15, v2, v10;
	v2 =	vld [tilespmem:s21+$0xAE80]  }
0x385: {  	v6 =	vadd.f32 $1.000000000e+00, v6;
	v37 =	vadd.f32 v34, v43;
	v43 =	vld.idx.msk [tilespmem:v38+s6+$0x0], $0xffff  }
0x386: {  	v49 =	vmul.f32 v49, v3;
	v31 =	vnsel vm15, $0x2, v42;
	vm3 =	vle.f32 v30, v10;
	v44 =	vld.idx.msk [tilespmem:v38+s3+$0x0], $0xffff  }
0x387: {  	vm15 =	vgt.f32 v7, v15;
	v34 =	vsel vm3, v31, v8;
	v8 =	vmul.f32 v40, v19;
	v45 =	vld.idx.msk [tilespmem:v35+s6+$0x0], $0xffff  }
0x388: {  	v6 =	vmul.f32 v52, v6;
	v7 =	vsel vm15, v7, v15;
	v42 =	vsel vm4, $0x4, v46;
	v46 =	vld.idx.msk [tilespmem:v35+s3+$0x0], $0xffff  }
0x389: {  	v15 =	vadd.f32 v58, v49;
	v40 =	vmul.f32 v40, v3;
	v8 =	vadd.f32 v20, v8;
	v20 =	vmovc v3;
	v3 =	vld [tilespmem:$0x1FAF0]  }
0x38a: {  	v13 =	vsel vm13, $0x5, v13;
	v17 =	vsel vm14, $0x5, v17;
	v1 =	vadd.f32 v51, v1;
	v16 =	vld.idx.msk [tilespmem:v39+s6+$0x0], $0xffff  }
0x38b: {  	v6 =	vadd.f32 v6, v10;
	v58 =	vsel vm10, v18, v9;
	v5 =	vadd.f32 v5, v15;
	v41 =	vld.idx.msk [tilespmem:v39+s3+$0x0], $0xffff  }
0x38c: {  	vm14 =	vgt.f32 v1, v7;
	vm4 =	vgt.f32 v37, v50;
	v49 =	vld.idx.msk [tilespmem:v39+s7+$0x0], $0xffff;
	v8 =	vadd.f32 v11, v8  }
0x38d: {  	v1 =	vsel vm14, v1, v7;
	v37 =	vsel vm4, v37, v50;
	v52 =	vmul.f32 v63, v60;
	v11 =	vld.idx.msk [tilespmem:v34+s6+$0x0], $0xffff  }
0x38e: {  	v47 =	vld.idx.msk [tilespmem:v34+s3+$0x0], $0xffff;
	vm13 =	vgt.f32 v8, v37;
	v40 =	vadd.f32 v3, v40;
	v3 =	vsel vm10, v6, v4  }
0x38f: {  	v14 =	vsel vm15, $0x5, v14;
	v18 =	vmul.f32 v0, v26;
	v7 =	vsel vm13, v8, v37;
	v8 =	vld.idx.msk [tilespmem:v38+s7+$0x0], $0xffff;
	[tilespmem:$0x1FBC0] =	vst v3  }
0x390: {  	v17 =	vsel vm12, $0x6, v17;
	v14 =	vsel vm14, $0x6, v14;
	v9 =	vmul.f32 v62, v26;
	v4 =	vld.idx.msk [tilespmem:v35+s7+$0x0], $0xffff  }
0x391: {  	v15 =	vadd.f32 v44, v52;
	v18 =	vadd.f32 v18, v45;
	vm10 =	vgt.f32 v5, v1;
	v6 =	vld.idx.msk [tilespmem:v34+s7+$0x0], $0xffff  }
0x392: {  	v1 =	vmul.f32 v62, v60;
	v5 =	vmul.f32 v63, v26;
	v9 =	vadd.f32 v9, v16;
	v16 =	vld [tilespmem:s15+$0xA680]  }
0x393: {  	v3 =	vadd.f32 v12, v40;
	v37 =	vld [tilespmem:s15+$0xAE50];
	v40 =	vmul.f32 v0, v60;
	v60 =	vmul.f32 v61, v60  }
0x394: {  	v52 =	vmul.f32 v62, v24;
	v5 =	vadd.f32 v5, v43;
	v43 =	vld [tilespmem:s15+$0xA690];
	v12 =	vmul.f32 v61, v26  }
0x395: {  	v1 =	vadd.f32 v41, v1;
	v50 =	vld [tilespmem:s15+$0xAE60];
	v41 =	vadd.f32 v47, v60;
	v60 =	vmul.f32 v63, v24  }
0x396: {  	v44 =	vadd.f32 v49, v52;
	v49 =	vld [tilespmem:s15+$0xAE70];
	v11 =	vadd.f32 v12, v11;
	v12 =	vmul.f32 v0, v24  }
0x397: {  	v51 =	vmul.f32 v61, v24;
	v52 =	vld [tilespmem:s15+$0xA6B0];
	v40 =	vadd.f32 v46, v40;
	v8 =	vadd.f32 v8, v60  }
0x398: {  	v26 =	vimm.s32 $0x0;
	v47 =	vld [tilespmem:s15+$0xA6A0];
	v2 =	vadd.f32 v2, v41;
	v4 =	vadd.f32 v4, v12  }
0x399: {  	v60 =	vld.idx.msk [tilespmem:v39+s24+$0x0], $0xffff;
	v9 =	vadd.f32 v16, v9;
	v16 =	vsel vm4, $0x5, v42;
	v6 =	vadd.f32 v6, v51  }
0x39a: {  	v41 =	vld [tilespmem:s15+$0xB620];
	vm4 =	vgt.f32 v3, v7;
	v1 =	vadd.f32 v37, v1;
	v5 =	vadd.f32 v43, v5  }
0x39b: {  	v3 =	vld.idx.msk [tilespmem:v38+s24+$0x0], $0xffff;
	v7 =	vsel vm9, $0x6, v13;
	v45 =	vadd.f32 v50, v15;
	v40 =	vadd.f32 v49, v40  }
0x39c: {  	v15 =	vld.idx.msk [tilespmem:v35+s24+$0x0], $0xffff;
	v50 =	vmul.f32 v62, v59;
	v51 =	vmul.f32 v63, v59;
	v12 =	vsel vm8, $0x7, v7  }
0x39d: {  	v37 =	vld.idx.msk [tilespmem:v34+s24+$0x0], $0xffff;
	v7 =	vadd.f32 v52, v11;
	v52 =	vmul.f32 v0, v59;
	v16 =	vsel vm13, $0x6, v16  }
0x39e: {  	v13 =	vld [tilespmem:s15+$0xB630];
	v18 =	vadd.f32 v47, v18;
	vm14 =	vgt.f32 v1, v9;
	vm12 =	vgt.f32 v45, v5  }
0x39f: {  	v49 =	vld.idx.msk [tilespmem:v39+s25+$0x0], $0xffff;
	v9 =	vsel vm14, v1, v9;
	v5 =	vsel vm12, v45, v5;
	vm8 =	vgt.f32 v2, v7  }
0x3a0: {  	v11 =	vld [tilespmem:s15+$0xB640];
	v1 =	vimm.s32 $0x0;
	vm9 =	vgt.f32 v40, v18;
	v42 =	vadd.f32 v60, v50  }
0x3a1: {  	v60 =	vmul.f32 v61, v59;
	v7 =	vsel vm8, v2, v7;
	v41 =	vadd.f32 v41, v44;
	v44 =	vld.idx.msk [tilespmem:v38+s25+$0x0], $0xffff  }
0x3a2: {  	v50 =	vld.idx.msk [tilespmem:v35+s25+$0x0], $0xffff;
	v2 =	vsel vm10, $0x7, v14;
	v59 =	vmul.f32 v0, v28;
	v47 =	vsel vm8, $0x1, v26  }
0x3a3: {  	v18 =	vsel vm9, v40, v18;
	v40 =	vld [tilespmem:s15+$0xB650];
	v43 =	vadd.f32 v3, v51;
	v15 =	vadd.f32 v15, v52  }
0x3a4: {  	v3 =	vsel vm11, $0x7, v17;
	v8 =	vadd.f32 v13, v8;
	v13 =	vld.idx.msk [tilespmem:v34+s25+$0x0], $0xffff;
	v51 =	vmul.f32 v62, v28  }
0x3a5: {  	v17 =	vld [tilespmem:s15+$0xBDF0];
	v52 =	vmul.f32 v63, v28;
	vm13 =	vgt.f32 v41, v9;
	v4 =	vadd.f32 v11, v4  }
0x3a6: {  	v37 =	vadd.f32 v37, v60;
	v11 =	vld [tilespmem:s21+$0xBE00];
	v9 =	vsel vm13, v41, v9;
	vm15 =	vgt.f32 v8, v5  }
0x3a7: {  	v60 =	vld [tilespmem:s15+$0xBE10];
	vm11 =	vgt.f32 v4, v18;
	v5 =	vsel vm15, v8, v5;
	v8 =	vadd.f32 v49, v51  }
0x3a8: {  	v49 =	vld [tilespmem:s15+$0xBE20];
	v51 =	vsel vm14, $0x1, v1;
	v4 =	vsel vm11, v4, v18;
	v18 =	vadd.f32 v44, v52  }
0x3a9: {  	v41 =	vadd.f32 v50, v59;
	v50 =	vmul.f32 v61, v28;
	v6 =	vadd.f32 v40, v6  }
0x3aa: {  	v45 =	vld.idx.msk [tilespmem:v39+s26+$0x0], $0xffff;
	v44 =	vsel vm12, $0x1, v1;
	v52 =	vmul.f32 v63, v48;
	v59 =	vmul.f32 v0, v48  }
0x3ab: {  	v40 =	vsel vm4, $0x7, v16;
	v16 =	vld.idx.msk [tilespmem:v38+s26+$0x0], $0xffff;
	v11 =	vadd.f32 v11, v43;
	vm10 =	vgt.f32 v6, v7  }
0x3ac: {  	v15 =	vadd.f32 v60, v15;
	v60 =	vld [tilespmem:s15+$0xC5E0];
	v6 =	vsel vm10, v6, v7;
	v7 =	vadd.f32 v13, v50  }
0x3ad: {  	v13 =	vadd.f32 v17, v42;
	v17 =	vld.idx.msk [tilespmem:v35+s26+$0x0], $0xffff;
	vm4 =	vgt.f32 v11, v5;
	v14 =	vadd.f32 v49, v37  }
0x3ae: {  	v37 =	vld [tilespmem:s15+$0xC5C0];
	v42 =	vsel vm13, $0x2, v51;
	vm12 =	vgt.f32 v15, v4;
	v50 =	vmul.f32 v63, v19  }
0x3af: {  	v51 =	vld [tilespmem:s15+$0xC5F0];
	v63 =	vmul.f32 v63, v20;
	v5 =	vsel vm4, v11, v5;
	v11 =	vmul.f32 v62, v48  }
0x3b0: {  	v49 =	vld [tilespmem:s15+$0xCDA0];
	v4 =	vsel vm12, v15, v4;
	vm13 =	vgt.f32 v13, v9;
	v15 =	vadd.f32 v16, v52  }
0x3b1: {  	v46 =	vld [tilespmem:s15+$0xC5D0];
	v52 =	vsel vm9, $0x1, v26;
	v9 =	vsel vm13, v13, v9;
	v11 =	vadd.f32 v45, v11  }
0x3b2: {  	v43 =	vld.idx.msk [tilespmem:v34+s26+$0x0], $0xffff;
	v41 =	vadd.f32 v60, v41;
	v42 =	vsel vm13, $0x3, v42;
	v16 =	vadd.f32 v17, v59  }
0x3b3: {  	v45 =	vld.idx.msk [tilespmem:v39+s28+$0x0], $0xffff;
	v17 =	vmul.f32 v61, v48;
	v8 =	vadd.f32 v37, v8;
	v37 =	vsel vm15, $0x2, v44  }
0x3b4: {  	v13 =	vld [tilespmem:s15+$0xCD90];
	vm15 =	vgt.f32 v14, v6;
	v7 =	vadd.f32 v51, v7;
	vm8 =	vgt.f32 v41, v4  }
0x3b5: {  	v44 =	vld.idx.msk [tilespmem:v38+s28+$0x0], $0xffff;
	v59 =	vmul.f32 v0, v19;
	v15 =	vadd.f32 v49, v15;
	v0 =	vmul.f32 v0, v20  }
0x3b6: {  	v48 =	vld [tilespmem:s15+$0xCDB0];
	v6 =	vsel vm15, v14, v6;
	v4 =	vsel vm8, v41, v4;
	v37 =	vsel vm4, $0x3, v37  }
0x3b7: {  	v51 =	vld [tilespmem:s15+$0xCDC0];
	v14 =	vadd.f32 v43, v17;
	v17 =	vadd.f32 v46, v18;
	vm9 =	vgt.f32 v8, v9  }
0x3b8: {  	v43 =	vmul.f32 v62, v19;
	vm14 =	vgt.f32 v7, v6;
	v8 =	vsel vm9, v8, v9  }
0x3b9: {  	v18 =	vld.idx.msk [tilespmem:v35+s28+$0x0], $0xffff;
	v9 =	vsel vm11, $0x2, v52;
	v11 =	vadd.f32 v13, v11;
	vm11 =	vgt.f32 v17, v5  }
0x3ba: {  	v5 =	vsel vm11, v17, v5;
	v17 =	vadd.f32 v45, v43;
	v43 =	vadd.f32 v44, v50;
	v50 =	vld [tilespmem:s15+$0xD560]  }
0x3bb: {  	v62 =	vmul.f32 v62, v20;
	v13 =	vsel vm10, $0x2, v47;
	v44 =	vld.idx.msk [tilespmem:v35+s29+$0x0], $0xffff;
	vm10 =	vgt.f32 v11, v8  }
0x3bc: {  	v16 =	vadd.f32 v48, v16;
	v8 =	vsel vm10, v11, v8;
	v11 =	vadd.f32 v51, v14  }
0x3bd: {  	v6 =	vsel vm14, v7, v6;
	v9 =	vsel vm12, $0x3, v9;
	v13 =	vsel vm15, $0x3, v13  }
0x3be: {  	vm13 =	vgt.f32 v15, v5;
	vm12 =	vgt.f32 v16, v4;
	vm15 =	vgt.f32 v11, v6  }
0x3bf: {  	v16 =	vsel vm12, v16, v4;
	v4 =	vsel vm15, v11, v6;
	v11 =	vadd.f32 v50, v17  }
0x3c0: {  	v1 =	vld [tilespmem:$0x1FB00];
	v18 =	vadd.f32 v18, v59;
	v15 =	vsel vm13, v15, v5;
	v5 =	vadd.f32 v44, v0  }
0x3c1: {  	v46 =	vld.idx.msk [tilespmem:v34+s28+$0x0], $0xffff;
	v0 =	vmul.f32 v61, v20;
	v20 =	vsel vm11, $0x4, v37;
	vm11 =	vgt.f32 v11, v8  }
0x3c2: {  	v59 =	vmul.f32 v61, v19;
	v61 =	vsel vm11, v11, v8;
	v8 =	vsel vm8, $0x4, v9;
	v9 =	vld [tilespmem:$0x1FB40];
	_ =	sdelay $0x2  }
0x3c3: {  	v48 =	vcvt.s32.f32 v1;
	v1 =	vld [tilespmem:$0x1FB10]  }
0x3c4: {  	v7 =	vadd.f32 v46, v59;
	v59 =	vld [tilespmem:s15+$0xD570]  }
0x3c5: {  	v19 =	vsel vm5, v12, v9;
	v9 =	vld [tilespmem:$0x1FB50]  }
0x3c6: {  	v41 =	vld [tilespmem:s21+$0xD580];
	_ =	sdelay $0x1  }
0x3c7: {  	v49 =	vcvt.s32.f32 v1;
	v1 =	vld [tilespmem:$0x1FB20];
	_ =	sdelay $0x1  }
0x3c8: {  	v17 =	vadd.f32 v59, v43;
	v43 =	vsel vm6, v3, v9;
	v9 =	vld [tilespmem:$0x1FB60]  }
0x3c9: {  	v18 =	vadd.f32 v41, v18;
	_ =	sdelay $0x1  }
0x3ca: {  	v50 =	vcvt.s32.f32 v1;
	v1 =	vsel vm9, $0x4, v42;
	vm9 =	vgt.f32 v18, v16  }
0x3cb: {  	v6 =	vsel vm9, v18, v16;
	v18 =	vld [tilespmem:$0x1FB30]  }
0x3cc: {  	v41 =	vsel vm7, v2, v9;
	v9 =	vld [tilespmem:$0x1FB70];
	_ =	sdelay $0x1  }
0x3cd: {  	v47 =	vld.idx.msk [tilespmem:v38+s29+$0x0], $0xffff;
	v16 =	vmul.f32 $9.999999770e-03, v48  }
0x3ce: {  	v45 =	vld.idx.msk [tilespmem:v39+s29+$0x0], $0xffff  }
0x3cf: {  	v26 =	vadd.f32 $1.000000000e+00, v16;
	v16 =	vld [tilespmem:$0x1FB90]  }
0x3d0: {  	v18 =	vcvt.s32.f32 v18;
	vm4 =	vnez.u8 v9;
	v9 =	vld [tilespmem:$0x1FB80];
	_ =	sdelay $0x1  }
0x3d1: {  	v18 =	vmul.f32 $9.999999770e-03, v18  }
0x3d2: {  	v14 =	vadd.f32 v45, v62;
	v62 =	vadd.f32 v47, v63;
	v63 =	vld [tilespmem:s15+$0xD590]  }
0x3d3: {  	v52 =	vmul.f32 $9.999999770e-03, v50;
	v50 =	vadd.f32 $1.000000000e+00, v18;
	[tilespmem:s19+$0xE540] =	vst v16  }
0x3d4: {  	v18 =	vsel vm4, v40, v9;
	v9 =	vcvt.s32.f32 v55;
	v55 =	vcvt.s32.f32 v56;
	v56 =	vld [tilespmem:$0x1FBA0];
	_ =	sdelay $0x2  }
0x3d5: {  	v60 =	vadd.f32 v63, v7;
	v7 =	vld [tilespmem:s15+$0xDD30];
	_ =	sdelay $0x1  }
0x3d6: {  	v46 =	vld.idx.msk [tilespmem:v34+s29+$0x0], $0xffff;
	[tilespmem:s19+$0xED40] =	vst v56  }
0x3d7: {  	v16 =	vcvt.s32.f32 v57;
	v57 =	vld [tilespmem:$0x1FBB0];
	_ =	sdelay $0x1  }
0x3d8: {  	v47 =	vadd.f32 v7, v14;
	v7 =	vld [tilespmem:s15+$0xDD40]  }
0x3d9: {  	v51 =	vmul.f32 $9.999999770e-03, v49;
	v11 =	vcvt.s32.f32 v54;
	[tilespmem:s15+$0xE540] =	vst v53  }
0x3da: {  	v13 =	vsel vm14, $0x4, v13;
	vm8 =	vmmov vm5;
	v0 =	vadd.f32 v46, v0;
	[tilespmem:s15+$0xED40] =	vst v58  }
0x3db: {  	v37 =	vadd.f32 $1.000000000e+00, v51;
	v11 =	vmul.f32 $9.999999770e-03, v11;
	vm5 =	vmmov vm6;
	[tilespmem:s19+$0xF540] =	vst v57  }
0x3dc: {  	v44 =	vadd.f32 $1.000000000e+00, v52;
	vm6 =	vmmov vm7;
	v56 =	vsel vm10, $0x5, v1;
	v1 =	vld [tilespmem:$0x1FBC0]  }
0x3dd: {  	v7 =	vadd.f32 v7, v62;
	v62 =	vld [tilespmem:s15+$0xDD60];
	vm7 =	vgt.f32 v17, v15;
	v59 =	vmul.f32 $9.999999770e-03, v16  }
0x3de: {  	v63 =	vld [tilespmem:s15+$0xDD50];
	v48 =	vsel vm7, v17, v15;
	v9 =	vmul.f32 $9.999999770e-03, v9;
	v14 =	vmul.f32 $9.999999770e-03, v55  }
0x3df: {  	v52 =	vadd.f32 $1.000000000e+00, v59;
	v59 =	vld.idx.msk [tilespmem:v3+s14+$0x0], $0xffff;
	v3 =	vsel vm15, $0x5, v13;
	vm4 =	vmmov vm4  }
0x3e0: {  	v2 =	vld.idx.msk [tilespmem:v2+s14+$0x0], $0xffff;
	v54 =	vadd.f32 $1.000000000e+00, v9;
	v51 =	vadd.f32 $1.000000000e+00, v14;
	vm10 =	vgt.f32 v60, v4  }
0x3e1: {  	s17 =	simm.s32 $0x280;
	v55 =	vld.idx.msk [tilespmem:v12+s14+$0x0], $0xffff;
	v53 =	vadd.f32 $1.000000000e+00, v11;
	v58 =	vsel vm12, $0x5, v8;
	v57 =	vsel vm13, $0x5, v20;
	[tilespmem:s15+$0xF540] =	vst v1  }
.LBB2_6:
0x3e2: {  	v0 =	vadd.f32 v62, v0  }
0x3e3: {  	v4 =	vsel vm10, v60, v4  }
0x3e4: {  	v12 =	vsel vm9, $0x6, v58;
	vm9 =	vgt.f32 v0, v4;
	v0 =	vld [tilespmem:$0x1FA10]  }
0x3e5: {  	s0 =	sshra.s32 s17, $0x2;
	v20 =	vld [tilespmem:$0x1FFF0]  }
0x3e6: {  	v8 =	vld [tilespmem:s0+$0x9EC0]  }
0x3e7: {  	v9 =	vsel vm11, $0x6, v56;
	v42 =	vmovc v29;
	vm11 =	vgt.f32 v7, v48;
	v7 =	vld [tilespmem:$0x1FA00];
	v1 =	vadd.f32 v63, v5  }
0x3e8: {  	[tilespmem:$0x1F980] =	vst v42;
	v42 =	vld [tilespmem:$0x1FFD0]  }
0x3e9: {  	v11 =	vsel vm7, $0x6, v57;
	vm7 =	vgt.f32 v1, v6;
	v6 =	vld [tilespmem:s0+$0x8EC0];
	[tilespmem:s19+$0xE510] =	vst v0;
	v0 =	vmov v38  }
0x3ea: {  	[tilespmem:$0x1FA10] =	vst v0;
	v0 =	vld [tilespmem:$0x1FAD0]  }
0x3eb: {  	[tilespmem:s19+$0xED20] =	vst v41;
	vm12 =	vgt.f32 v47, v61;
	v5 =	vld.idx.msk [tilespmem:v40+s14+$0x0], $0xffff  }
0x3ec: {  	v9 =	vsel vm12, $0x7, v9;
	[tilespmem:s19+$0xED00] =	vst v19;
	v19 =	vld [tilespmem:$0x1FFE0];
	v1 =	vsel vm10, $0x6, v3;
	v3 =	vmul.f32 v55, v26  }
0x3ed: {  	v15 =	vsel vm11, $0x7, v11;
	v2 =	vmul.f32 v2, v44;
	[tilespmem:s19+$0xE530] =	vst v22;
	v22 =	vld [tilespmem:$0x1FF90];
	v14 =	vsel vm7, $0x7, v12  }
0x3ee: {  	[tilespmem:s19+$0xE500] =	vst v7;
	v40 =	vsel vm9, $0x7, v1;
	v1 =	vld [tilespmem:s0+$0x7EC0];
	vm7 =	veq.s32 v8, $0x0;
	v16 =	vadd.f32 v3, v10  }
0x3ef: {  	[tilespmem:s19+$0xED30] =	vst v18;
	v11 =	vld [tilespmem:s0+$0x9E80];
	v3 =	vnsel vm7, $0x2, v6;
	v6 =	vadd.f32 v2, v10;
	v0 =	vsel vm0, v9, v0  }
0x3f0: {  	v7 =	vmov v39;
	[tilespmem:$0x1F960] =	vst v0;
	v0 =	vld [tilespmem:$0x1FA20]  }
0x3f1: {  	[tilespmem:$0x1FA00] =	vst v7;
	v7 =	vld [tilespmem:s0+$0x96C0]  }
0x3f2: {  	v17 =	vsel vm1, v15, v36;
	[tilespmem:s19+$0xED10] =	vst v43;
	v13 =	vld [tilespmem:s0+$0x9EB0]  }
0x3f3: {  	[tilespmem:$0x1F930] =	vst v17;
	v4 =	vld [tilespmem:s0+$0x86C0];
	v17 =	vsel vm6, v6, v23;
	v6 =	vmov v35  }
0x3f4: {  	v8 =	vld [tilespmem:s0+$0x9E90];
	[tilespmem:$0x1FA20] =	vst v6  }
0x3f5: {  	vm9 =	veq.s32 v11, $0x0;
	v11 =	vmov v30;
	v30 =	vld [tilespmem:$0x1FFB0];
	[tilespmem:s19+$0xE520] =	vst v0;
	v0 =	vmov v54  }
0x3f6: {  	v6 =	vld.idx.msk [tilespmem:v1+s22+$0x0], $0xffff;
	[tilespmem:$0x1F950] =	vst v0;
	v0 =	vsel vm7, v7, v10  }
0x3f7: {  	[tilespmem:$0x1F9C0] =	vst v9;
	v5 =	vmul.f32 v5, v50;
	v39 =	vld [tilespmem:s0+$0x9EA0];
	v7 =	vmov v33;
	vm7 =	vle.f32 v0, v10  }
0x3f8: {  	s16 =	sadd.s32 $0x50, s16;
	[tilespmem:$0x1F9B0] =	vst v7;
	v7 =	vld [tilespmem:s0+$0x9680];
	v2 =	vsel vm7, v3, v4;
	v4 =	vsel vm8, v16, v21  }
0x3f9: {  	s21 =	sand.u32 $0x7F0, s16;
	[tilespmem:s19+$0xF500] =	vst v4;
	v4 =	vld [tilespmem:$0x1F9F0]  }
0x3fa: {  	v9 =	vmul.f32 v59, v37;
	[tilespmem:s19+$0xF520] =	vst v17;
	v17 =	vld [tilespmem:s21+$0xC600];
	v16 =	vadd.f32 v5, v10  }
0x3fb: {  	v33 =	vld [tilespmem:$0x1FFC0];
	v5 =	vmov v27  }
0x3fc: {  	v9 =	vadd.f32 v9, v10;
	[tilespmem:$0x1F9F0] =	vst v5;
	v5 =	vld [tilespmem:s0+$0xCDD0];
	v41 =	vsel vm4, v16, v25  }
0x3fd: {  	vm10 =	veq.s32 v8, $0x0;
	v8 =	vmov v51;
	[tilespmem:s19+$0xF530] =	vst v41;
	v41 =	vsel vm9, v7, v10;
	v7 =	vld.idx.msk [tilespmem:v2+s3+$0x0], $0xffff  }
0x3fe: {  	[tilespmem:$0x1F940] =	vst v8;
	v8 =	vld.idx.msk [tilespmem:v2+s7+$0x0], $0xffff;
	v4 =	vsel vm5, v9, v4  }
0x3ff: {  	v9 =	vld [tilespmem:s0+$0x9690]  }
0x400: {  	v45 =	vld.idx.msk [tilespmem:v2+s24+$0x0], $0xffff  }
0x401: {  	v51 =	vld.idx.msk [tilespmem:v2+s25+$0x0], $0xffff;
	[tilespmem:s19+$0xF510] =	vst v4;
	v4 =	vmov v34  }
0x402: {  	s19 =	smov.u32 s15;
	s15 =	smov.u32 s0;
	[tilespmem:$0x1F990] =	vst v4;
	v4 =	vld.idx.msk [tilespmem:v2+s6+$0x0], $0xffff  }
0x403: {  	[tilespmem:$0x1F970] =	vst v11;
	v11 =	vld [tilespmem:s15+$0xAE90]  }
0x404: {  	v16 =	vsel vm3, v40, v31;
	v46 =	vsel vm10, v9, v10;
	v9 =	vld [tilespmem:s15+$0xA6C0]  }
0x405: {  	v48 =	vsel vm2, v14, v32;
	v43 =	vmul.f32 v6, v19;
	v44 =	vmul.f32 v6, v20;
	[tilespmem:$0x1F9A0] =	vst v16;
	v16 =	vld [tilespmem:s15+$0xB660]  }
0x406: {  	v47 =	vmovc v53;
	v50 =	vmovc v52;
	vm6 =	vmmov vm2;
	v49 =	vmul.f32 v6, v24;
	v53 =	vmul.f32 v6, v28;
	v52 =	vld [tilespmem:s15+$0xBE30]  }
0x407: {  	v37 =	vimm.s32 $0x0;
	v58 =	vld [tilespmem:s15+$0x8EA0];
	v7 =	vadd.f32 v7, v44;
	v4 =	vadd.f32 v43, v4  }
0x408: {  	vm4 =	vmmov vm3;
	v18 =	vld [tilespmem:s15+$0x96A0];
	v8 =	vadd.f32 v8, v49;
	v12 =	vadd.f32 v51, v53  }
0x409: {  	v7 =	vadd.f32 v11, v7;
	v11 =	vld.idx.msk [tilespmem:v2+s26+$0x0], $0xffff;
	v4 =	vadd.f32 v9, v4;
	v9 =	vmul.f32 v6, v22  }
0x40a: {  	vm11 =	veq.s32 v39, $0x0;
	v54 =	vld.idx.msk [tilespmem:v2+s28+$0x0], $0xffff;
	vm5 =	vmmov vm1;
	v12 =	vadd.f32 v17, v12  }
0x40b: {  	v55 =	vld [tilespmem:s15+$0xD5A0];
	v8 =	vadd.f32 v16, v8;
	vm2 =	vgt.f32 v7, v4;
	v9 =	vadd.f32 v45, v9  }
0x40c: {  	v16 =	vld.idx.msk [tilespmem:v2+s29+$0x0], $0xffff;
	v49 =	vnsel vm11, $0x2, v58;
	v4 =	vsel vm2, v7, v4;
	v7 =	vmul.f32 v6, v30  }
0x40d: {  	v56 =	vld [tilespmem:s15+$0x96B0];
	v43 =	vsel vm11, v18, v10;
	vm3 =	vgt.f32 v8, v4;
	v9 =	vadd.f32 v52, v9  }
0x40e: {  	v4 =	vsel vm3, v8, v4;
	v8 =	vmul.f32 v6, v33;
	v7 =	vadd.f32 v11, v7;
	v11 =	vld [tilespmem:s15+$0x8E80]  }
0x40f: {  	v62 =	vld [tilespmem:s15+$0x86A0];
	v57 =	vsel vm2, $0x1, v37;
	v6 =	vmul.f32 v6, v42;
	vm13 =	vgt.f32 v9, v4  }
0x410: {  	v4 =	vsel vm13, v9, v4;
	v9 =	vld [tilespmem:s15+$0xDD70];
	v5 =	vadd.f32 v5, v7;
	v7 =	vadd.f32 v54, v8  }
0x411: {  	[tilespmem:$0x1F9E0] =	vst v14;
	v14 =	vsel vm3, $0x2, v57;
	v8 =	vld [tilespmem:s15+$0x8E90];
	v6 =	vadd.f32 v16, v6;
	vm14 =	vgt.f32 v12, v4  }
0x412: {  	v60 =	vld [tilespmem:s15+$0x8690];
	v14 =	vsel vm13, $0x3, v14;
	v4 =	vsel vm14, v12, v4;
	v7 =	vadd.f32 v55, v7  }
0x413: {  	v59 =	vld [tilespmem:s15+$0x8EB0];
	v14 =	vsel vm14, $0x4, v14;
	vm2 =	vgt.f32 v5, v4;
	v18 =	vnsel vm9, $0x2, v11  }
0x414: {  	v16 =	vld [tilespmem:s15+$0x86B0];
	v4 =	vsel vm2, v5, v4;
	v14 =	vsel vm2, $0x5, v14;
	vm2 =	vle.f32 v43, v10  }
0x415: {  	v11 =	vld [tilespmem:s15+$0x8680];
	vm3 =	vgt.f32 v7, v4;
	v6 =	vadd.f32 v9, v6;
	v35 =	vsel vm2, v49, v62  }
0x416: {  	vm1 =	vle.f32 v46, v10;
	v5 =	vld [tilespmem:s15+$0x7E80];
	v36 =	vnsel vm10, $0x2, v8;
	v4 =	vsel vm3, v7, v4  }
0x417: {  	v9 =	vld [tilespmem:s15+$0x7E90];
	v14 =	vsel vm3, $0x6, v14;
	v38 =	vsel vm1, v36, v60;
	vm13 =	vgt.f32 v6, v4  }
0x418: {  	v7 =	vld [tilespmem:s15+$0x7EA0];
	v6 =	vsel vm13, $0x7, v14  }
0x419: {  	vm8 =	vmmov vm0;
	vm0 =	vle.f32 v41, v10;
	v4 =	vld [tilespmem:s15+$0x7EB0]  }
0x41a: {  	v1 =	vcvt.s32.f32 v1;
	[tilespmem:$0x1FAD0] =	vst v18;
	v39 =	vsel vm0, v18, v11;
	v18 =	vld.idx.msk [tilespmem:v35+s6+$0x0], $0xffff  }
0x41b: {  	v32 =	vld.idx.msk [tilespmem:v35+s3+$0x0], $0xffff  }
0x41c: {  	vm12 =	veq.s32 v13, $0x0;
	v1 =	vmul.f32 $9.999999770e-03, v1;
	v12 =	vld.idx.msk [tilespmem:v38+s6+$0x0], $0xffff  }
0x41d: {  	v44 =	vsel vm12, v56, v10;
	v8 =	vcvt.s32.f32 v5;
	v3 =	vsel vm7, v6, v3;
	v6 =	vld.idx.msk [tilespmem:v6+s14+$0x0], $0xffff  }
0x41e: {  	v45 =	vnsel vm12, $0x2, v59;
	vm3 =	vle.f32 v44, v10;
	v61 =	vcvt.s32.f32 v9;
	[tilespmem:s15+$0xE540] =	vst v2;
	v2 =	vld.idx.msk [tilespmem:v5+s22+$0x0], $0xffff  }
0x41f: {  	v34 =	vsel vm3, v45, v16;
	v8 =	vmul.f32 $9.999999770e-03, v8;
	v63 =	vcvt.s32.f32 v7;
	v9 =	vld.idx.msk [tilespmem:v9+s22+$0x0], $0xffff  }
0x420: {  	v1 =	vadd.f32 $1.000000000e+00, v1;
	v17 =	vcvt.s32.f32 v4;
	v5 =	vmul.f32 $9.999999770e-03, v61;
	v7 =	vld.idx.msk [tilespmem:v7+s22+$0x0], $0xffff  }
0x421: {  	v11 =	vmul.f32 $9.999999770e-03, v63;
	v54 =	vadd.f32 $1.000000000e+00, v8;
	v8 =	vld.idx.msk [tilespmem:v4+s22+$0x0], $0xffff  }
0x422: {  	[tilespmem:s15+$0xED40] =	vst v3;
	v3 =	vmul.f32 $9.999999770e-03, v17;
	v53 =	vadd.f32 $1.000000000e+00, v5;
	v5 =	vld.idx.msk [tilespmem:v39+s3+$0x0], $0xffff;
	v1 =	vmul.f32 v6, v1  }
0x423: {  	[tilespmem:$0x1F9D0] =	vst v15;
	v15 =	vld.idx.msk [tilespmem:v38+s3+$0x0], $0xffff;
	v4 =	vmul.f32 v2, v19;
	v6 =	vmul.f32 v2, v20  }
0x424: {  	v27 =	vld.idx.msk [tilespmem:v34+s7+$0x0], $0xffff;
	v13 =	vmul.f32 v9, v19;
	v14 =	vmul.f32 v9, v20  }
0x425: {  	v52 =	vadd.f32 $1.000000000e+00, v3;
	v3 =	vld.idx.msk [tilespmem:v39+s6+$0x0], $0xffff;
	v61 =	vmul.f32 v9, v24;
	v21 =	vmul.f32 v9, v22  }
0x426: {  	v51 =	vadd.f32 $1.000000000e+00, v11;
	v11 =	vld [tilespmem:s21+$0xAE80];
	v23 =	vmul.f32 v2, v28;
	v59 =	vmul.f32 v2, v30  }
0x427: {  	v16 =	vmul.f32 v7, v19;
	v55 =	vmul.f32 v8, v19;
	v19 =	vadd.f32 v5, v6;
	v5 =	vld.idx.msk [tilespmem:v39+s7+$0x0], $0xffff  }
0x428: {  	v58 =	vmul.f32 v9, v30;
	v17 =	vmul.f32 v7, v20;
	v14 =	vadd.f32 v15, v14;
	v15 =	vld.idx.msk [tilespmem:v38+s7+$0x0], $0xffff  }
0x429: {  	v57 =	vmul.f32 v7, v30;
	v56 =	vmul.f32 v8, v30;
	v30 =	vld [tilespmem:s15+$0xAE50]  }
0x42a: {  	v25 =	vmul.f32 v7, v28;
	v60 =	vmul.f32 v8, v20;
	v62 =	vadd.f32 v4, v3;
	v3 =	vld.idx.msk [tilespmem:v34+s6+$0x0], $0xffff  }
0x42b: {  	v1 =	vadd.f32 v1, v10;
	v63 =	vmul.f32 v8, v24;
	v20 =	vmul.f32 v2, v22;
	v4 =	vld.idx.msk [tilespmem:v34+s3+$0x0], $0xffff  }
0x42c: {  	v12 =	vadd.f32 v13, v12;
	v13 =	vmul.f32 v7, v22;
	v16 =	vadd.f32 v16, v18;
	v18 =	vld.idx.msk [tilespmem:v35+s7+$0x0], $0xffff  }
0x42d: {  	v17 =	vadd.f32 v32, v17;
	v32 =	vld [tilespmem:s15+$0xA690];
	v0 =	vsel vm7, v1, v0;
	v1 =	vmul.f32 v2, v24  }
0x42e: {  	v26 =	vmul.f32 v8, v28;
	v6 =	vmul.f32 v9, v33;
	v27 =	vadd.f32 v27, v63;
	v63 =	vld.idx.msk [tilespmem:v39+s25+$0x0], $0xffff  }
0x42f: {  	[tilespmem:s15+$0xF540] =	vst v0;
	v0 =	vmul.f32 v7, v24;
	v24 =	vmul.f32 v9, v28;
	v28 =	vld [tilespmem:s15+$0xA680];
	v31 =	vadd.f32 v5, v1  }
0x430: {  	v5 =	vmul.f32 v7, v33;
	v15 =	vadd.f32 v15, v61;
	v61 =	vld.idx.msk [tilespmem:v38+s24+$0x0], $0xffff;
	v29 =	vadd.f32 v55, v3  }
0x431: {  	v55 =	vmul.f32 v2, v33;
	v60 =	vadd.f32 v4, v60;
	v4 =	vmul.f32 v8, v33;
	v33 =	vld [tilespmem:s15+$0xAE60]  }
0x432: {  	v22 =	vmul.f32 v8, v22;
	v1 =	vmul.f32 v8, v42;
	v8 =	vadd.f32 v30, v19;
	v19 =	vld [tilespmem:s15+$0xA6B0]  }
0x433: {  	v3 =	vmul.f32 v2, v42;
	v2 =	vmul.f32 v9, v42;
	v9 =	vld [tilespmem:s15+$0xA6A0]  }
0x434: {  	v30 =	vld.idx.msk [tilespmem:v39+s24+$0x0], $0xffff  }
0x435: {  	v12 =	vadd.f32 v32, v12;
	v32 =	vmov v49;
	v49 =	vld [tilespmem:s15+$0xDD30]  }
0x436: {  	v18 =	vadd.f32 v18, v0;
	v0 =	vmul.f32 v7, v42;
	v7 =	vadd.f32 v28, v62;
	v28 =	vld [tilespmem:s15+$0xAE70]  }
0x437: {  	v11 =	vadd.f32 v11, v60;
	v62 =	vld [tilespmem:s15+$0xB620];
	v19 =	vadd.f32 v19, v29  }
0x438: {  	v21 =	vadd.f32 v61, v21;
	v61 =	vld.idx.msk [tilespmem:v38+s25+$0x0], $0xffff  }
0x439: {  	v9 =	vadd.f32 v9, v16;
	v16 =	vld.idx.msk [tilespmem:v35+s24+$0x0], $0xffff;
	vm9 =	vgt.f32 v11, v19  }
0x43a: {  	vm7 =	vgt.f32 v8, v7;
	v14 =	vadd.f32 v33, v14;
	v11 =	vsel vm9, v11, v19;
	v19 =	vld [tilespmem:s15+$0xB650]  }
0x43b: {  	v7 =	vsel vm7, v8, v7;
	v8 =	vsel vm7, $0x1, v37;
	v29 =	vld [tilespmem:s15+$0xB630];
	v17 =	vadd.f32 v28, v17  }
0x43c: {  	vm7 =	vgt.f32 v14, v12;
	v28 =	vld.idx.msk [tilespmem:v34+s24+$0x0], $0xffff;
	v60 =	vadd.f32 v62, v31;
	v62 =	vadd.f32 v63, v23  }
0x43d: {  	v63 =	vld [tilespmem:s15+$0xC5E0];
	v12 =	vsel vm7, v14, v12;
	v14 =	vsel vm7, $0x1, v37;
	vm7 =	vgt.f32 v17, v9  }
0x43e: {  	v9 =	vsel vm7, v17, v9;
	v17 =	vld [tilespmem:s15+$0xB640]  }
0x43f: {  	v31 =	vmov v45;
	v45 =	vld [tilespmem:s15+$0xCD90];
	v19 =	vadd.f32 v19, v27  }
0x440: {  	v20 =	vadd.f32 v30, v20;
	v27 =	vld [tilespmem:s15+$0xBDF0]  }
0x441: {  	v23 =	vadd.f32 v61, v24;
	v24 =	vld.idx.msk [tilespmem:v39+s26+$0x0], $0xffff;
	v30 =	vsel vm7, $0x1, v37;
	vm10 =	vgt.f32 v19, v11  }
0x442: {  	v13 =	vadd.f32 v16, v13;
	v16 =	vsel vm9, $0x1, v37;
	v11 =	vsel vm10, v19, v11;
	v19 =	vld [tilespmem:s15+$0xBE20]  }
0x443: {  	v15 =	vadd.f32 v29, v15;
	vm7 =	vgt.f32 v60, v7;
	v29 =	vld [tilespmem:s21+$0xBE00];
	v17 =	vadd.f32 v17, v18  }
0x444: {  	v7 =	vsel vm7, v60, v7;
	v8 =	vsel vm7, $0x2, v8;
	v22 =	vadd.f32 v28, v22;
	v28 =	vld.idx.msk [tilespmem:v35+s25+$0x0], $0xffff  }
0x445: {  	vm9 =	vgt.f32 v15, v12;
	v18 =	vld.idx.msk [tilespmem:v34+s25+$0x0], $0xffff;
	vm7 =	vgt.f32 v17, v9;
	v20 =	vadd.f32 v27, v20  }
0x446: {  	v12 =	vsel vm9, v15, v12;
	v9 =	vsel vm7, v17, v9;
	v17 =	vld [tilespmem:s15+$0xBE10]  }
0x447: {  	v14 =	vsel vm9, $0x2, v14;
	v27 =	vld [tilespmem:s15+$0xC5C0];
	vm9 =	vgt.f32 v20, v7;
	v19 =	vadd.f32 v19, v22  }
0x448: {  	v7 =	vsel vm9, v20, v7;
	v20 =	vld [tilespmem:s15+$0xC5D0]  }
0x449: {  	v16 =	vsel vm10, $0x2, v16;
	v25 =	vadd.f32 v28, v25;
	v28 =	vld.idx.msk [tilespmem:v38+s26+$0x0], $0xffff;
	vm10 =	vgt.f32 v19, v11  }
0x44a: {  	v21 =	vadd.f32 v29, v21;
	v11 =	vsel vm10, v19, v11;
	v19 =	vld [tilespmem:s15+$0xC5F0]  }
0x44b: {  	v30 =	vsel vm7, $0x2, v30;
	v13 =	vadd.f32 v17, v13;
	v17 =	vld.idx.msk [tilespmem:v34+s26+$0x0], $0xffff  }
0x44c: {  	vm7 =	vgt.f32 v21, v12;
	v18 =	vadd.f32 v18, v26;
	v15 =	vadd.f32 v27, v62;
	v27 =	vld.idx.msk [tilespmem:v38+s28+$0x0], $0xffff  }
0x44d: {  	v8 =	vsel vm9, $0x3, v8;
	vm9 =	vgt.f32 v13, v9;
	v20 =	vadd.f32 v20, v23;
	v23 =	vld.idx.msk [tilespmem:v35+s28+$0x0], $0xffff  }
0x44e: {  	v12 =	vsel vm7, v21, v12;
	v9 =	vsel vm9, v13, v9;
	v13 =	vadd.f32 v63, v25;
	v25 =	vld.idx.msk [tilespmem:v34+s28+$0x0], $0xffff  }
0x44f: {  	v21 =	vadd.f32 v24, v59;
	v14 =	vsel vm7, $0x3, v14;
	v18 =	vadd.f32 v19, v18;
	v19 =	vld [tilespmem:s15+$0xCDA0]  }
0x450: {  	v42 =	vld [tilespmem:s15+$0xDD40];
	v33 =	vmovc v41;
	v22 =	vadd.f32 v28, v58;
	v16 =	vsel vm10, $0x3, v16;
	vm7 =	vgt.f32 v15, v7  }
0x451: {  	v41 =	vmovc v48;
	v48 =	vld.idx.msk [tilespmem:v38+s29+$0x0], $0xffff;
	v28 =	vsel vm9, $0x3, v30;
	v7 =	vsel vm7, v15, v7;
	vm10 =	vgt.f32 v18, v11  }
0x452: {  	v17 =	vadd.f32 v17, v56;
	v6 =	vadd.f32 v27, v6;
	v11 =	vsel vm10, v18, v11;
	v18 =	vld [tilespmem:s15+$0xCDC0]  }
0x453: {  	v24 =	vld.idx.msk [tilespmem:v39+s28+$0x0], $0xffff;
	v8 =	vsel vm7, $0x4, v8;
	v23 =	vadd.f32 v23, v5;
	v5 =	vadd.f32 v45, v21  }
0x454: {  	vm7 =	vgt.f32 v13, v9;
	v21 =	vadd.f32 v25, v4;
	v4 =	vadd.f32 v19, v22;
	v19 =	vld.idx.msk [tilespmem:v35+s29+$0x0], $0xffff  }
0x455: {  	v9 =	vsel vm7, v13, v9;
	v27 =	vsel vm7, $0x4, v28;
	vm7 =	vgt.f32 v5, v7;
	v22 =	vld.idx.msk [tilespmem:v34+s29+$0x0], $0xffff  }
0x456: {  	v56 =	vsel vm7, $0x5, v8;
	v8 =	vld [tilespmem:s15+$0xD560]  }
0x457: {  	v37 =	vmovc v47;
	v47 =	vld [tilespmem:s15+$0xCDB0];
	vm9 =	vgt.f32 v20, v12;
	v7 =	vsel vm7, v5, v7;
	v5 =	vadd.f32 v18, v17  }
0x458: {  	v29 =	vmovc v43;
	v43 =	vld [tilespmem:$0x1F930];
	v12 =	vsel vm9, v20, v12;
	v20 =	vadd.f32 v24, v55;
	v14 =	vsel vm9, $0x4, v14  }
0x459: {  	v26 =	vld.idx.msk [tilespmem:v35+s26+$0x0], $0xffff;
	v16 =	vsel vm10, $0x4, v16;
	vm9 =	vgt.f32 v4, v12;
	vm10 =	vgt.f32 v5, v11  }
0x45a: {  	v62 =	vld [tilespmem:s15+$0xDD60];
	v12 =	vsel vm9, v4, v12;
	v4 =	vsel vm10, v5, v11;
	v5 =	vadd.f32 v19, v0  }
0x45b: {  	v30 =	vmov v44;
	v44 =	vld [tilespmem:$0x1F940];
	v0 =	vadd.f32 v22, v1;
	v1 =	vadd.f32 v8, v20  }
0x45c: {  	v63 =	vld [tilespmem:s15+$0xDD50]  }
0x45d: {  	v25 =	vld [tilespmem:s21+$0xD580];
	vm11 =	vgt.f32 v1, v7  }
0x45e: {  	v26 =	vadd.f32 v26, v57;
	v61 =	vsel vm11, v1, v7;
	v1 =	vld [tilespmem:$0x1F9D0]  }
0x45f: {  	v24 =	vld.idx.msk [tilespmem:v39+s29+$0x0], $0xffff  }
0x460: {  	v13 =	vadd.f32 v47, v26;
	v18 =	vld [tilespmem:s15+$0xD570]  }
0x461: {  	v28 =	vld [tilespmem:$0x1FFA0]  }
0x462: {  	v26 =	vld [tilespmem:$0x1F950];
	vm7 =	vgt.f32 v13, v9;
	v59 =	vadd.f32 v25, v23  }
0x463: {  	v9 =	vsel vm7, v13, v9;
	v25 =	vld [tilespmem:$0x1F970]  }
0x464: {  	v23 =	vld [tilespmem:$0x1F980];
	v57 =	vsel vm9, $0x5, v14;
	vm9 =	vgt.f32 v59, v9  }
0x465: {  	v8 =	vadd.f32 v18, v6;
	v6 =	vsel vm9, v59, v9;
	v9 =	vld [tilespmem:$0x1F9C0]  }
0x466: {  	v59 =	vld.idx.msk [tilespmem:v1+s14+$0x0], $0xffff  }
0x467: {  	v1 =	vld [tilespmem:$0x1F9E0]  }
0x468: {  	v11 =	vld [tilespmem:s15+$0xD590]  }
0x469: {  	v17 =	vadd.f32 v24, v3;
	v24 =	vld [tilespmem:$0x1FF80]  }
0x46a: {  	p1 =	slt.u32 s16, $0x780;
	v19 =	vld [tilespmem:$0x1F960]  }
.Ltmp6:
0x46b: {  	v22 =	vld [tilespmem:$0x1F990];
	(pc) =	sbr.rel @p1 .LBB2_6-.Ltmp6, $4  }
0x46c: {  	v18 =	vld [tilespmem:$0x1F9A0]  }
0x46d: {  	v2 =	vadd.f32 v48, v2;
	v58 =	vsel vm7, $0x5, v27;
	v60 =	vadd.f32 v11, v21;
	v21 =	vld [tilespmem:$0x1F9B0]  }
0x46e: {  	v27 =	vmovc v46;
	v47 =	vadd.f32 v49, v17;
	v3 =	vsel vm10, $0x5, v16;
	vm7 =	vgt.f32 v8, v12;
	v55 =	vld.idx.msk [tilespmem:v9+s14+$0x0], $0xffff  }
0x46f: {  	s17 =	sadd.s32 $0x140, s17;
	v7 =	vadd.f32 v42, v2;
	v48 =	vsel vm7, v8, v12;
	vm10 =	vgt.f32 v60, v4;
	v2 =	vld.idx.msk [tilespmem:v1+s14+$0x0], $0xffff  }
0x470: {  	v1 =	vld [tilespmem:$0x1FA00];
	_ =	sdelay $0x3  }
0x471: {  	[tilespmem:s19+$0xED00] =	vst v19  }
0x472: {  	[tilespmem:s19+$0xE500] =	vst v1  }
0x473: {  	v9 =	vld [tilespmem:$0x1FA10];
	_ =	sdelay $0x3  }
0x474: {  	[tilespmem:s19+$0xED10] =	vst v43  }
0x475: {  	v24 =	vld.idx.msk [tilespmem:v40+s14+$0x0], $0xffff;
	v40 =	vmul.f32 v55, v26;
	[tilespmem:s19+$0xE510] =	vst v9  }
0x476: {  	v11 =	vld [tilespmem:$0x1FA20]  }
0x477: {  	v1 =	vadd.f32 v40, v10;
	[tilespmem:s19+$0xED20] =	vst v41  }
0x478: {  	vm12 =	vgt.f32 v47, v61;
	v20 =	vadd.f32 v63, v5;
	[tilespmem:s19+$0xE530] =	vst v22  }
0x479: {  	v4 =	vsel vm10, v60, v4;
	v0 =	vadd.f32 v62, v0;
	v1 =	vsel vm8, v1, v21;
	[tilespmem:s19+$0xED30] =	vst v18  }
0x47a: {  	v8 =	vsel vm11, $0x6, v56;
	v28 =	vsel vm7, $0x6, v57;
	v3 =	vsel vm10, $0x6, v3;
	[tilespmem:s19+$0xF500] =	vst v1  }
0x47b: {  	v42 =	vsel vm12, $0x7, v8;
	vm15 =	vgt.f32 v0, v4;
	v43 =	vmul.f32 v2, v44;
	[tilespmem:s19+$0xE520] =	vst v11  }
0x47c: {  	vm13 =	vgt.f32 v7, v48;
	v3 =	vsel vm15, $0x7, v3;
	v45 =	vmul.f32 v24, v50;
	v1 =	vld [tilespmem:$0x1F9F0]  }
0x47d: {  	v8 =	vmul.f32 v59, v37;
	v44 =	vsel vm13, $0x7, v28;
	v0 =	vadd.f32 v43, v10  }
0x47e: {  	vm14 =	vgt.f32 v20, v6;
	v4 =	vadd.f32 v45, v10;
	v9 =	vsel vm9, $0x6, v58  }
0x47f: {  	v46 =	vadd.f32 v8, v10;
	v0 =	vsel vm6, v0, v23;
	v47 =	vsel vm14, $0x7, v9  }
0x480: {  	v49 =	vld.idx.msk [tilespmem:v42+s14+$0x0], $0xffff;
	v48 =	vsel vm4, v4, v25;
	[tilespmem:s19+$0xF520] =	vst v0  }
0x481: {  	v57 =	vld.idx.msk [tilespmem:v3+s14+$0x0], $0xffff;
	[tilespmem:s19+$0xF530] =	vst v48;
	v1 =	vsel vm5, v46, v1  }
0x482: {  	v50 =	vld.idx.msk [tilespmem:v44+s14+$0x0], $0xffff;
	[tilespmem:s19+$0xF510] =	vst v1  }
0x483: {  	v55 =	vld [tilespmem:$0x1FAD0];
	[tilespmem:s15+$0xE500] =	vst v39  }
0x484: {  	v2 =	vsel vm1, v44, v36;
	v56 =	vld.idx.msk [tilespmem:v47+s14+$0x0], $0xffff;
	[tilespmem:s15+$0xE510] =	vst v38  }
0x485: {  	v0 =	vmul.f32 v49, v54;
	[tilespmem:s15+$0xED10] =	vst v2  }
0x486: {  	v58 =	vsel vm2, v47, v32;
	[tilespmem:s15+$0xE520] =	vst v35  }
0x487: {  	v60 =	vmul.f32 v57, v52;
	v0 =	vadd.f32 v0, v10;
	[tilespmem:s15+$0xED20] =	vst v58  }
0x488: {  	vm12 =	vmmov vm0;
	v3 =	vsel vm3, v3, v31;
	v1 =	vmul.f32 v50, v53;
	[tilespmem:s15+$0xE530] =	vst v34  }
0x489: {  	v59 =	vmul.f32 v56, v51;
	v0 =	vsel vm12, v0, v33;
	[tilespmem:s15+$0xED30] =	vst v3;
	v2 =	vadd.f32 v60, v10  }
0x48a: {  	vm15 =	vmmov vm3;
	[tilespmem:s15+$0xF500] =	vst v0;
	v1 =	vadd.f32 v1, v10;
	v4 =	vsel vm0, v42, v55  }
0x48b: {  	vm13 =	vmmov vm1;
	v63 =	vsel vm15, v2, v30;
	[tilespmem:s15+$0xED00] =	vst v4;
	v4 =	vadd.f32 v59, v10  }
0x48c: {  	s0 =	smul.u32 $0xFA, s18;
	vm14 =	vmmov vm2;
	v61 =	vsel vm13, v1, v27;
	[tilespmem:s15+$0xF530] =	vst v63  }
0x48d: {  	[tilespmem:s15+$0xF510] =	vst v61;
	v62 =	vsel vm14, v4, v29  }
0x48e: {  	s16 =	simm.s32 $0xE500;
	s17 =	sadd.s32 s11, s0;
	[tilespmem:s15+$0xF520] =	vst v62  }
0x48f: {  	[hbm4b:s17+s8] =	stream.linear.scatter [tilespmem:s16], [sflag:$0x4], $0x7D0, $0x38;
	[tilespmem:$0xFE00] =	vst v63  }
.Ltmp7:
0x490: {  	_ = 	snop;
	(pc) =	sbr.rel .LBB2_8-.Ltmp7, $4  }
0x491: {  	s18 =	sadd.s32 s12, s0;
	s19 =	simm.s32 $0xED00  }
0x492: {  	[hbm4b:s18+s8] =	stream.linear.scatter [tilespmem:s19], [sflag:$0x4], $0x7D0, $0x38;
	[tilespmem:$0xFE00] =	vst v63  }
0x493: {  	s21 =	simm.s32 $0xF500;
	s0 =	sadd.s32 s13, s0;
	v11 =	vld [tilespmem:$0x1FFE0]  }
0x494: {  	v12 =	vld [tilespmem:$0x1FFF0];
	[hbm4b:s0+s8] =	stream.linear.scatter [tilespmem:s21], [sflag:$0x4], $0x7D0, $0x38  }
.LBB2_10:
0x495: {  	_ =	sfence.sel $0x180000  }
0x496: {  	[bflag:$0x0] =	sbarrier.arrive $0xFFFF  }
0x497: {  	_ =	strace $0x90000047  }
0x498: {  	s0 =	stileid.u32;
	[bflag:$0x2] =	sbarrier.arrive $0xFFFF  }
0x499: {  	p0 =	sne.s32 s0, $0x0;
	s0 =	rddreg [dreg:$0x7]  }
0x49a: {  	s0 =	sadd.s32 @!p0 $0x100000, s0  }
0x49b: {  	[sflag:s0] =	ssyncadd.tile.s32 @!p0 $0x1;
	_ =	shalt  }
.Lfunc_end2:
_tile_overlayer_lowered:
.L_overlay_start_2:
0x49c: {  	(tag) =	ssettag $0x2  }
0x49d: {  	s0 =	rddreg [dreg:$0x0];
	s2 =	stileid.u32  }
0x49e: {  	s1 =	rddreg [dreg:$0x1];
	p0 =	sne.s32 s2, $0x0  }
0x49f: {  	s3 =	rddreg [dreg:$0x2];
	[bflag:$0x3] =	sbarrier.arrive $0xFFFF;
	s2 =	simm.s32 @!p0 $0x1C05  }
0x4a0: {  	[timem:s3], [sflag:s2] =	dma.local @!p0 [hbm:s0], s1  }
0x4a1: {  	s0 =	simm.s32 @!p0 $0x5  }
0x4a2: {  	_ =	swait.ge @!p0 [sflag:s0], s1  }
0x4a3: {  	s1 =	ssub.s32 @!p0 $0x0, s1;
	[sflag:s0] =	ssyncset.done @!p0 $0x0  }
0x4a4: {  	[sflag:s0] =	ssyncadd.s32 @!p0 s1  }
0x4a5: {  	[bflag:$0x3] =	sbarrier.arrive $0xFFFF  }
0x4a6: {  	_ =	shalt  }

</sc_bundles>
